<compile_context>
chip_gen: v7x
topology: tpu7x:2x2x1
jax: 0.10.2.dev20260603
libtpu: 0.0.44.dev20260713+nightly
codegen_flags: <defaults>
</compile_context>

<pallas_src>
import functools
import jax
import jax.numpy as jnp
from jax import lax
from jax.experimental import pallas as pl
from jax.experimental.pallas import tpu as pltpu
from jax.experimental.pallas import tpu_sc as plsc

N = 10000
E = 320000
IN_DIM = 128
HID = 256
LAT = 64
H = 4
C = 64

NP_ = 10112
EP_ = 331776
NW = 32
CHUNK = 128
CPW = EP_ // (NW * CHUNK)
TILE = 128
NT = NP_ // TILE



def _t1_body(x_ref, w_ref, as_ref, ad_ref, xw_ref, ts_ref, td_ref):
    xw = jnp.dot(x_ref[...], w_ref[...], preferred_element_type=jnp.float32)
    xw_ref[...] = xw
    z = xw.reshape(TILE, H, C)
    s = (z * as_ref[...][:H][None]).sum(-1)
    d = (z * ad_ref[...][:H][None]).sum(-1)
    ts_ref[...] = jnp.concatenate([s, s, s, s], axis=1)
    td_ref[...] = jnp.concatenate([d, d, d, d], axis=1)


def _t1(x_p, W, att_s, att_d):
    k = W.shape[0]
    return pl.pallas_call(
        _t1_body,
        grid=(NT,),
        in_specs=[
            pl.BlockSpec((TILE, k), lambda i: (i, 0)),
            pl.BlockSpec((k, H * C), lambda i: (0, 0)),
            pl.BlockSpec((8, C), lambda i: (0, 0)),
            pl.BlockSpec((8, C), lambda i: (0, 0)),
        ],
        out_specs=[
            pl.BlockSpec((TILE, H * C), lambda i: (i, 0)),
            pl.BlockSpec((TILE, 16), lambda i: (i, 0)),
            pl.BlockSpec((TILE, 16), lambda i: (i, 0)),
        ],
        out_shape=[
            jax.ShapeDtypeStruct((NP_, H * C), jnp.float32),
            jax.ShapeDtypeStruct((NP_, 16), jnp.float32),
            jax.ShapeDtypeStruct((NP_, 16), jnp.float32),
        ],
    )(x_p, W, att_s, att_d)


def _tmerge_body(p00, p01, p10, p11, b_ref, w_ref, as_ref, ad_ref,
                 xw_ref, ts_ref, td_ref):
    h0 = p00[...] + p01[...]
    h1 = p10[...] + p11[...]
    hcat = jnp.concatenate([h0, h1], axis=1) + b_ref[...][0:1]
    h = jnp.where(hcat > 0, hcat, jnp.exp(jnp.minimum(hcat, 0.0)) - 1.0)
    xw = jnp.dot(h, w_ref[...], preferred_element_type=jnp.float32)
    xw_ref[...] = xw
    z = xw.reshape(TILE, H, C)
    s = (z * as_ref[...][:H][None]).sum(-1)
    d = (z * ad_ref[...][:H][None]).sum(-1)
    ts_ref[...] = jnp.concatenate([s, s, s, s], axis=1)
    td_ref[...] = jnp.concatenate([d, d, d, d], axis=1)


def _tmerge(p00, p01, p10, p11, b1_p, W2, att_s, att_d):
    return pl.pallas_call(
        _tmerge_body,
        grid=(NT,),
        in_specs=[
            pl.BlockSpec((TILE, 128), lambda i: (i, 0)),
            pl.BlockSpec((TILE, 128), lambda i: (i, 0)),
            pl.BlockSpec((TILE, 128), lambda i: (i, 0)),
            pl.BlockSpec((TILE, 128), lambda i: (i, 0)),
            pl.BlockSpec((8, HID), lambda i: (0, 0)),
            pl.BlockSpec((HID, H * C), lambda i: (0, 0)),
            pl.BlockSpec((8, C), lambda i: (0, 0)),
            pl.BlockSpec((8, C), lambda i: (0, 0)),
        ],
        out_specs=[
            pl.BlockSpec((TILE, H * C), lambda i: (i, 0)),
            pl.BlockSpec((TILE, 16), lambda i: (i, 0)),
            pl.BlockSpec((TILE, 16), lambda i: (i, 0)),
        ],
        out_shape=[
            jax.ShapeDtypeStruct((NP_, H * C), jnp.float32),
            jax.ShapeDtypeStruct((NP_, 16), jnp.float32),
            jax.ShapeDtypeStruct((NP_, 16), jnp.float32),
        ],
    )(p00, p01, p10, p11, b1_p, W2, att_s, att_d)


def _tfinal_body(p00, p01, p10, p11, b_ref, z_ref):
    a = (p00[...] + p01[...]).reshape(TILE, 2, C).sum(1)
    b = (p10[...] + p11[...]).reshape(TILE, 2, C).sum(1)
    z_ref[...] = (a + b) * 0.25 + b_ref[...][0:1]


def _tfinal(p00, p01, p10, p11, b2_p):
    return pl.pallas_call(
        _tfinal_body,
        grid=(NT,),
        in_specs=[
            pl.BlockSpec((TILE, 128), lambda i: (i, 0)),
            pl.BlockSpec((TILE, 128), lambda i: (i, 0)),
            pl.BlockSpec((TILE, 128), lambda i: (i, 0)),
            pl.BlockSpec((TILE, 128), lambda i: (i, 0)),
            pl.BlockSpec((8, C), lambda i: (0, 0)),
        ],
        out_specs=pl.BlockSpec((TILE, C), lambda i: (i, 0)),
        out_shape=jax.ShapeDtypeStruct((NP_, C), jnp.float32),
    )(p00, p01, p10, p11, b2_p)



_MESH = plsc.VectorSubcoreMesh(core_axis_name="c", subcore_axis_name="s")


@functools.partial(
    pl.kernel,
    mesh=_MESH,
    compiler_params=pltpu.CompilerParams(use_tc_tiling_on_sc=False),
    out_type=[
        jax.ShapeDtypeStruct((EP_, 16), jnp.float32),
        jax.ShapeDtypeStruct((2, NP_, 16), jnp.float32),
    ],
    scratch_types=[
        pltpu.VMEM((CHUNK,), jnp.int32),
        pltpu.VMEM((CHUNK,), jnp.int32),
        pltpu.VMEM((CHUNK, 16), jnp.float32),
        pltpu.VMEM((CHUNK, 16), jnp.float32),
        pltpu.VMEM((CHUNK, 16), jnp.float32),
        pltpu.VMEM((16,), jnp.float32),
        pltpu.VMEM_SHARED((NP_, 16), jnp.float32),
    ],
)
def _sc_pass1(src_hbm, dst_hbm, ta_hbm, td_hbm, mvec_hbm, zer_hbm,
              ex_hbm, den_hbm,
              sidx, didx, ga, gd, exv, mv, dsh):
    cid = lax.axis_index("c")
    sid = lax.axis_index("s")
    wid = sid * 2 + cid
    base = wid * (CPW * CHUNK)

    @pl.when(sid == 0)
    def _():
        pltpu.sync_copy(zer_hbm, dsh)
    pltpu.sync_copy(mvec_hbm, mv)
    plsc.subcore_barrier()

    def chunk(ci, carry):
        e0 = base + ci * CHUNK
        pltpu.sync_copy(src_hbm.at[pl.ds(e0, CHUNK)], sidx)
        pltpu.sync_copy(dst_hbm.at[pl.ds(e0, CHUNK)], didx)
        pltpu.sync_copy(ta_hbm.at[sidx], ga)
        pltpu.sync_copy(td_hbm.at[didx], gd)
        mveg = mv[...]

        def row(b, c2):
            t = ga[b, :] + gd[b, :]
            t = jnp.maximum(t, 0.2 * t)
            exv[b, :] = jnp.exp(t - mveg)
            return c2
        lax.fori_loop(0, CHUNK, row, 0)
        pltpu.sync_copy(exv, ex_hbm.at[pl.ds(e0, CHUNK)])
        pltpu.sync_copy(exv, dsh.at[didx], add=True)
        return carry
    lax.fori_loop(0, CPW, chunk, 0)

    plsc.subcore_barrier()

    @pl.when(sid == 0)
    def _():
        pltpu.sync_copy(dsh, den_hbm.at[cid])


def _make_sc_pass2(half):
    @functools.partial(
        pl.kernel,
        mesh=_MESH,
        compiler_params=pltpu.CompilerParams(use_tc_tiling_on_sc=False),
        out_type=jax.ShapeDtypeStruct((2, NP_, 128), jnp.float32),
        scratch_types=[
            pltpu.VMEM((CHUNK,), jnp.int32),
            pltpu.VMEM((CHUNK,), jnp.int32),
            pltpu.VMEM((CHUNK, 16), jnp.float32),
            pltpu.VMEM((CHUNK, 16), jnp.float32),
            pltpu.VMEM((CHUNK, 16), jnp.float32),
            pltpu.VMEM((CHUNK, 16), jnp.float32),
            pltpu.VMEM((CHUNK, 128), jnp.float32),
            pltpu.VMEM((CHUNK, 128), jnp.float32),
            pltpu.VMEM_SHARED((NP_, 128), jnp.float32),
        ],
    )
    def _sc_pass2(src_hbm, dst_hbm, ex_hbm, den0_hbm, den1_hbm, xwh_hbm,
                  zer_hbm, out_hbm,
                  sidx, didx, exv, d0v, d1v, attn, xwv, msg, ash):
        cid = lax.axis_index("c")
        sid = lax.axis_index("s")
        wid = sid * 2 + cid
        base = wid * (CPW * CHUNK)

        @pl.when(sid == 0)
        def _():
            pltpu.sync_copy(zer_hbm, ash)
        plsc.subcore_barrier()

        def chunk(ci, carry):
            e0 = base + ci * CHUNK
            pltpu.sync_copy(src_hbm.at[pl.ds(e0, CHUNK)], sidx)
            pltpu.sync_copy(dst_hbm.at[pl.ds(e0, CHUNK)], didx)
            pltpu.sync_copy(ex_hbm.at[pl.ds(e0, CHUNK)], exv)
            pltpu.sync_copy(den0_hbm.at[didx], d0v)
            pltpu.sync_copy(den1_hbm.at[didx], d1v)
            pltpu.sync_copy(xwh_hbm.at[sidx], xwv)

            def arow(b, c2):
                attn[b, :] = exv[b, :] / (d0v[b, :] + d1v[b, :] + 1e-16)
                return c2
            lax.fori_loop(0, CHUNK, arow, 0)

            def mrow(b, c2):
                av = attn[b, :]
                a0 = av[2 * half]
                a1 = av[2 * half + 1]
                for j in range(8):
                    a = a0 if j < 4 else a1
                    msg[b, pl.ds(16 * j, 16)] = xwv[b, pl.ds(16 * j, 16)] * a
                return c2
            lax.fori_loop(0, CHUNK, mrow, 0)

            pltpu.sync_copy(msg, ash.at[didx], add=True)
            return carry
        lax.fori_loop(0, CPW, chunk, 0)

        plsc.subcore_barrier()

        @pl.when(sid == 0)
        def _():
            pltpu.sync_copy(ash, out_hbm.at[cid])

    return _sc_pass2


_sc_pass2_h0 = _make_sc_pass2(0)
_sc_pass2_h1 = _make_sc_pass2(1)



def _pad_att(a):
    return jnp.concatenate([a, jnp.zeros((8 - H, C), jnp.float32)], axis=0)


def _mvec(ta, td):
    m = jnp.max(ta, axis=0) + jnp.max(td, axis=0)
    return jnp.maximum(m, 0.2 * m)


def _gat_layer(src_p, dst_p, xw, ta, td, zer16, zer128):
    mv = _mvec(ta, td)
    ex, den = _sc_pass1(src_p, dst_p, ta, td, mv, zer16)
    oh0 = _sc_pass2_h0(src_p, dst_p, ex, den[0], den[1], xw[:, :128], zer128)
    oh1 = _sc_pass2_h1(src_p, dst_p, ex, den[0], den[1], xw[:, 128:], zer128)
    return oh0, oh1


def kernel(x, edge_index, W1, att_src1, att_dst1, b1, W2, att_src2, att_dst2, b2):
    loop = jnp.arange(N, dtype=jnp.int32)
    src = jnp.concatenate([edge_index[0].astype(jnp.int32), loop])
    dst = jnp.concatenate([edge_index[1].astype(jnp.int32), loop])
    pad = jnp.full((EP_ - (E + N),), N, jnp.int32)
    src_p = jnp.concatenate([src, pad])
    dst_p = jnp.concatenate([dst, pad])

    x_p = jnp.concatenate([x, jnp.zeros((NP_ - N, IN_DIM), jnp.float32)], axis=0)
    b1_p = jnp.concatenate([b1.reshape(1, HID),
                            jnp.zeros((7, HID), jnp.float32)], axis=0)
    b2_p = jnp.concatenate([b2.reshape(1, C),
                            jnp.zeros((7, C), jnp.float32)], axis=0)
    zer16 = jnp.zeros((NP_, 16), jnp.float32)
    zer128 = jnp.zeros((NP_, 128), jnp.float32)

    xw1, ts1, td1 = _t1(x_p, W1, _pad_att(att_src1), _pad_att(att_dst1))
    oh0, oh1 = _gat_layer(src_p, dst_p, xw1, ts1, td1, zer16, zer128)

    xw2, ts2, td2 = _tmerge(oh0[0], oh0[1], oh1[0], oh1[1], b1_p, W2,
                            _pad_att(att_src2), _pad_att(att_dst2))
    o2h0, o2h1 = _gat_layer(src_p, dst_p, xw2, ts2, td2, zer16, zer128)

    z = _tfinal(o2h0[0], o2h0[1], o2h1[0], o2h1[1], b2_p)
    return z[:N]

# --- scband reference (transcript-rebuilt; emitter-appended) ---
"""Pipeline reference for scband-gatencoder-84473416777937 (READ-ONLY COPY).

The authoritative reference and input builder live on the scoring server;
editing this copy changes nothing except your own understanding.
"""

import jax, jax.numpy as jnp
import numpy as np

N = 10000
E = 320000
IN_DIM = 128
HID = 256
LAT = 64
H1 = 4
H2 = 4
C1 = HID // H1  # 64 per head, concat -> 256
C2 = LAT        # 64 per head, mean -> 64


def setup_inputs(seed: int = 0) -> dict:
    key = jax.random.key(seed)
    ks = jax.random.split(key, 12)
    x = jax.random.normal(ks[0], (N, IN_DIM), dtype=jnp.float32)
    edge_index = jax.random.randint(ks[1], (2, E), 0, N, dtype=jnp.int32)
    # layer 1 params (GATConv(in=128, out=64, heads=4, concat=True))
    W1 = jax.random.normal(ks[2], (IN_DIM, H1 * C1), dtype=jnp.float32) * (1.0 / np.sqrt(IN_DIM))
    att_src1 = jax.random.normal(ks[3], (H1, C1), dtype=jnp.float32) * 0.1
    att_dst1 = jax.random.normal(ks[4], (H1, C1), dtype=jnp.float32) * 0.1
    b1 = jnp.zeros((H1 * C1,), dtype=jnp.float32)
    # layer 2 params (GATConv(in=256, out=64, heads=4, concat=False))
    W2 = jax.random.normal(ks[5], (HID, H2 * C2), dtype=jnp.float32) * (1.0 / np.sqrt(HID))
    att_src2 = jax.random.normal(ks[6], (H2, C2), dtype=jnp.float32) * 0.1
    att_dst2 = jax.random.normal(ks[7], (H2, C2), dtype=jnp.float32) * 0.1
    b2 = jnp.zeros((C2,), dtype=jnp.float32)
    return {"x": x, "edge_index": edge_index,
            "W1": W1, "att_src1": att_src1, "att_dst1": att_dst1, "b1": b1,
            "W2": W2, "att_src2": att_src2, "att_dst2": att_dst2, "b2": b2}


def _gat_conv(x, src, dst, W, att_src, att_dst, bias, concat):
    Hh, Cc = att_src.shape
    xw = (x @ W).reshape(N, Hh, Cc)
    a_src = (xw * att_src[None, :, :]).sum(-1)  # [N, H]
    a_dst = (xw * att_dst[None, :, :]).sum(-1)  # [N, H]
    alpha = a_src[src] + a_dst[dst]             # [E', H]
    alpha = jax.nn.leaky_relu(alpha, negative_slope=0.2)
    # segment softmax over incoming edges of each dst node
    amax = jax.ops.segment_max(alpha, dst, num_segments=N)
    amax = jnp.where(jnp.isfinite(amax), amax, 0.0)
    ex = jnp.exp(alpha - amax[dst])
    denom = jax.ops.segment_sum(ex, dst, num_segments=N)
    attn = ex / (denom[dst] + 1e-16)            # [E', H]
    msg = xw[src] * attn[:, :, None]            # [E', H, C]
    out = jax.ops.segment_sum(msg, dst, num_segments=N)  # [N, H, C]
    if concat:
        out = out.reshape(N, Hh * Cc)
    else:
        out = out.mean(axis=1)
    return out + bias


def reference(x, edge_index, W1, att_src1, att_dst1, b1, W2, att_src2, att_dst2, b2):
    # add self-loops (PyG GATConv default add_self_loops=True)
    loop = jnp.arange(N, dtype=edge_index.dtype)
    src = jnp.concatenate([edge_index[0], loop])
    dst = jnp.concatenate([edge_index[1], loop])
    h = _gat_conv(x, src, dst, W1, att_src1, att_dst1, b1, concat=True)
    h = jax.nn.elu(h)
    # dropout is identity in eval mode
    z = _gat_conv(h, src, dst, W2, att_src2, att_dst2, b2, concat=False)
    return z

if __name__ == "__main__":
    import jax
    _d = setup_inputs()
    print(jax.jit(kernel)(*tuple(_d.values())))

</pallas_src>

<mosaic_0001>
#map = affine_map<(d0, d1) -> (0)>
#map1 = affine_map<(d0, d1) -> (0, 0)>
#map2 = affine_map<(d0, d1) -> (0, 0, 0)>
module attributes {stable_mosaic.version = 14 : i64} {
  func.func @_sc_pass2(%arg0: i32, %arg1: i32, %arg2: memref<331776xi32, #tpu.memory_space<hbm>>, %arg3: memref<331776xi32, #tpu.memory_space<hbm>>, %arg4: memref<331776x16xf32, #tpu.memory_space<hbm>>, %arg5: memref<10112x16xf32, #tpu.memory_space<hbm>>, %arg6: memref<10112x16xf32, #tpu.memory_space<hbm>>, %arg7: memref<10112x128xf32, #tpu.memory_space<hbm>>, %arg8: memref<10112x128xf32, #tpu.memory_space<hbm>>, %arg9: memref<2x10112x128xf32, #tpu.memory_space<hbm>>, %arg10: memref<128xi32, #tpu.memory_space<vmem>>, %arg11: memref<128xi32, #tpu.memory_space<vmem>>, %arg12: memref<128x16xf32, #tpu.memory_space<vmem>>, %arg13: memref<128x16xf32, #tpu.memory_space<vmem>>, %arg14: memref<128x16xf32, #tpu.memory_space<vmem>>, %arg15: memref<128x16xf32, #tpu.memory_space<vmem>>, %arg16: memref<128x128xf32, #tpu.memory_space<vmem>>, %arg17: memref<128x128xf32, #tpu.memory_space<vmem>>, %arg18: memref<10112x128xf32, #tpu.memory_space<vmem_shared>>) attributes {dimension_semantics = [#tpu.dimension_semantics<core_parallel>, #tpu.dimension_semantics<subcore_parallel>], iteration_bounds = array<i64: 2, 16>, scalar_prefetch = 0 : i64, scratch_operands = 9 : i64, tpu.core_type = #tpu.core_type<sc_vector_subcore>, window_params = [{transform_indices = #map}, {transform_indices = #map}, {transform_indices = #map1}, {transform_indices = #map1}, {transform_indices = #map1}, {transform_indices = #map1}, {transform_indices = #map1}, {transform_indices = #map2}]} {
    %mul3A = arith.constant 2 : i32
    %mul3A_0 = arith.muli %arg1, %mul3A : i32
    %add3A = arith.addi %mul3A_0, %arg0 : i32
    %mul3A_1 = arith.constant 10368 : i32
    %mul3A_2 = arith.muli %add3A, %mul3A_1 : i32
    %eq3A = arith.constant 0 : i32
    %eq3A_3 = arith.cmpi eq, %arg1, %eq3A : i32
    %convert_element_type3A = arith.extui %eq3A_3 : i1 to i32
    %cond3A = arith.constant 0 : i32
    %cond3A_4 = arith.cmpi ne, %convert_element_type3A, %cond3A : i32
    scf.if %cond3A_4 {
      "tpu.region"() ({
        %run_scoped3A = tpu.sem_alloc : memref<!tpu.dma_semaphore, #tpu.memory_space<semaphore_mem>>
        tpu.enqueue_dma source(%arg8 : memref<10112x128xf32, #tpu.memory_space<hbm>>) target(%arg18 : memref<10112x128xf32, #tpu.memory_space<vmem_shared>>) target_semaphore(%run_scoped3A : memref<!tpu.dma_semaphore, #tpu.memory_space<semaphore_mem>>)
        tpu.wait_dma2 semaphore(%run_scoped3A : memref<!tpu.dma_semaphore, #tpu.memory_space<semaphore_mem>>) src(%arg8 : memref<10112x128xf32, #tpu.memory_space<hbm>>) dst(%arg18 : memref<10112x128xf32, #tpu.memory_space<vmem_shared>>)
        tpu.yield
      }) : () -> ()
    } else {
    }
    %barrier3A = arith.constant 0 : index
    tpu.barrier barrier_id(%barrier3A)
    %scan3A = arith.constant 0 : i32
    %scan3A_5 = arith.constant 0 : i32
    %scan3A_6 = arith.constant 81 : i32
    %scan3A_7 = arith.addi %scan3A_5, %scan3A_6 : i32
    %scan3A_8 = arith.constant 1 : i32
    scf.for %scan3A_16 = %scan3A_5 to %scan3A_7 step %scan3A_8  : i32 {
      %mul3A_17 = arith.constant 128 : i32
      %mul3A_18 = arith.muli %scan3A_16, %mul3A_17 : i32
      %add3A_19 = arith.addi %mul3A_2, %mul3A_18 : i32
      "tpu.region"() ({
        %run_scoped3A = tpu.sem_alloc : memref<!tpu.dma_semaphore, #tpu.memory_space<semaphore_mem>>
        %dma_start3A = tpu.memref_slice %arg2[%add3A_19] : memref<331776xi32, #tpu.memory_space<hbm>> -> memref<128xi32, #tpu.memory_space<hbm>>
        %dma_start3A_32 = tpu.memref_slice %arg2[%add3A_19] : memref<331776xi32, #tpu.memory_space<hbm>> -> memref<128xi32, #tpu.memory_space<hbm>>
        tpu.enqueue_dma source(%dma_start3A_32 : memref<128xi32, #tpu.memory_space<hbm>>) target(%arg10 : memref<128xi32, #tpu.memory_space<vmem>>) target_semaphore(%run_scoped3A : memref<!tpu.dma_semaphore, #tpu.memory_space<semaphore_mem>>)
        %dma_wait3A = tpu.memref_slice %arg2[%add3A_19] : memref<331776xi32, #tpu.memory_space<hbm>> -> memref<128xi32, #tpu.memory_space<hbm>>
        %dma_wait3A_33 = tpu.memref_slice %arg2[%add3A_19] : memref<331776xi32, #tpu.memory_space<hbm>> -> memref<128xi32, #tpu.memory_space<hbm>>
        tpu.wait_dma2 semaphore(%run_scoped3A : memref<!tpu.dma_semaphore, #tpu.memory_space<semaphore_mem>>) src(%dma_wait3A_33 : memref<128xi32, #tpu.memory_space<hbm>>) dst(%arg10 : memref<128xi32, #tpu.memory_space<vmem>>)
        tpu.yield
      }) : () -> ()
      "tpu.region"() ({
        %run_scoped3A = tpu.sem_alloc : memref<!tpu.dma_semaphore, #tpu.memory_space<semaphore_mem>>
        %dma_start3A = tpu.memref_slice %arg3[%add3A_19] : memref<331776xi32, #tpu.memory_space<hbm>> -> memref<128xi32, #tpu.memory_space<hbm>>
        %dma_start3A_32 = tpu.memref_slice %arg3[%add3A_19] : memref<331776xi32, #tpu.memory_space<hbm>> -> memref<128xi32, #tpu.memory_space<hbm>>
        tpu.enqueue_dma source(%dma_start3A_32 : memref<128xi32, #tpu.memory_space<hbm>>) target(%arg11 : memref<128xi32, #tpu.memory_space<vmem>>) target_semaphore(%run_scoped3A : memref<!tpu.dma_semaphore, #tpu.memory_space<semaphore_mem>>)
        %dma_wait3A = tpu.memref_slice %arg3[%add3A_19] : memref<331776xi32, #tpu.memory_space<hbm>> -> memref<128xi32, #tpu.memory_space<hbm>>
        %dma_wait3A_33 = tpu.memref_slice %arg3[%add3A_19] : memref<331776xi32, #tpu.memory_space<hbm>> -> memref<128xi32, #tpu.memory_space<hbm>>
        tpu.wait_dma2 semaphore(%run_scoped3A : memref<!tpu.dma_semaphore, #tpu.memory_space<semaphore_mem>>) src(%dma_wait3A_33 : memref<128xi32, #tpu.memory_space<hbm>>) dst(%arg11 : memref<128xi32, #tpu.memory_space<vmem>>)
        tpu.yield
      }) : () -> ()
      "tpu.region"() ({
        %run_scoped3A = tpu.sem_alloc : memref<!tpu.dma_semaphore, #tpu.memory_space<semaphore_mem>>
        %dma_start3A = arith.constant 0 : i32
        %dma_start3A_32 = tpu.memref_slice %arg4[%add3A_19, %dma_start3A] : memref<331776x16xf32, #tpu.memory_space<hbm>> -> memref<128x16xf32, #tpu.memory_space<hbm>>
        %dma_start3A_33 = arith.constant 0 : i32
        %dma_start3A_34 = tpu.memref_slice %arg4[%add3A_19, %dma_start3A_33] : memref<331776x16xf32, #tpu.memory_space<hbm>> -> memref<128x16xf32, #tpu.memory_space<hbm>>
        tpu.enqueue_dma source(%dma_start3A_34 : memref<128x16xf32, #tpu.memory_space<hbm>>) target(%arg12 : memref<128x16xf32, #tpu.memory_space<vmem>>) target_semaphore(%run_scoped3A : memref<!tpu.dma_semaphore, #tpu.memory_space<semaphore_mem>>)
        %dma_wait3A = arith.constant 0 : i32
        %dma_wait3A_35 = tpu.memref_slice %arg4[%add3A_19, %dma_wait3A] : memref<331776x16xf32, #tpu.memory_space<hbm>> -> memref<128x16xf32, #tpu.memory_space<hbm>>
        %dma_wait3A_36 = arith.constant 0 : i32
        %dma_wait3A_37 = tpu.memref_slice %arg4[%add3A_19, %dma_wait3A_36] : memref<331776x16xf32, #tpu.memory_space<hbm>> -> memref<128x16xf32, #tpu.memory_space<hbm>>
        tpu.wait_dma2 semaphore(%run_scoped3A : memref<!tpu.dma_semaphore, #tpu.memory_space<semaphore_mem>>) src(%dma_wait3A_37 : memref<128x16xf32, #tpu.memory_space<hbm>>) dst(%arg12 : memref<128x16xf32, #tpu.memory_space<vmem>>)
        tpu.yield
      }) : () -> ()
      "tpu.region"() ({
        %run_scoped3A = tpu.sem_alloc : memref<!tpu.dma_semaphore, #tpu.memory_space<semaphore_mem>>
        %dma_start3A = arith.constant 0 : i32
        %dma_start3A_32 = arith.constant 0 : i32
        %dma_start3A_33 = tpu.memref_slice %arg5[%dma_start3A, %dma_start3A_32] : memref<10112x16xf32, #tpu.memory_space<hbm>> -> memref<10112x16xf32, #tpu.memory_space<hbm>>
        tpu.enqueue_indirect_dma source(%dma_start3A_33 : memref<10112x16xf32, #tpu.memory_space<hbm>>) target(%arg13 : memref<128x16xf32, #tpu.memory_space<vmem>>) offsets(%arg11 : memref<128xi32, #tpu.memory_space<vmem>>) semaphore(%run_scoped3A : memref<!tpu.dma_semaphore, #tpu.memory_space<semaphore_mem>>)
        %dma_wait3A = arith.constant 0 : i32
        %dma_wait3A_34 = arith.constant 0 : i32
        %dma_wait3A_35 = tpu.memref_slice %arg5[%dma_wait3A, %dma_wait3A_34] : memref<10112x16xf32, #tpu.memory_space<hbm>> -> memref<10112x16xf32, #tpu.memory_space<hbm>>
        tpu.wait_indirect_dma semaphore(%run_scoped3A : memref<!tpu.dma_semaphore, #tpu.memory_space<semaphore_mem>>) src(%dma_wait3A_35 : memref<10112x16xf32, #tpu.memory_space<hbm>>) dst(%arg13 : memref<128x16xf32, #tpu.memory_space<vmem>>)
        tpu.yield
      }) : () -> ()
      "tpu.region"() ({
        %run_scoped3A = tpu.sem_alloc : memref<!tpu.dma_semaphore, #tpu.memory_space<semaphore_mem>>
        %dma_start3A = arith.constant 0 : i32
        %dma_start3A_32 = arith.constant 0 : i32
        %dma_start3A_33 = tpu.memref_slice %arg6[%dma_start3A, %dma_start3A_32] : memref<10112x16xf32, #tpu.memory_space<hbm>> -> memref<10112x16xf32, #tpu.memory_space<hbm>>
        tpu.enqueue_indirect_dma source(%dma_start3A_33 : memref<10112x16xf32, #tpu.memory_space<hbm>>) target(%arg14 : memref<128x16xf32, #tpu.memory_space<vmem>>) offsets(%arg11 : memref<128xi32, #tpu.memory_space<vmem>>) semaphore(%run_scoped3A : memref<!tpu.dma_semaphore, #tpu.memory_space<semaphore_mem>>)
        %dma_wait3A = arith.constant 0 : i32
        %dma_wait3A_34 = arith.constant 0 : i32
        %dma_wait3A_35 = tpu.memref_slice %arg6[%dma_wait3A, %dma_wait3A_34] : memref<10112x16xf32, #tpu.memory_space<hbm>> -> memref<10112x16xf32, #tpu.memory_space<hbm>>
        tpu.wait_indirect_dma semaphore(%run_scoped3A : memref<!tpu.dma_semaphore, #tpu.memory_space<semaphore_mem>>) src(%dma_wait3A_35 : memref<10112x16xf32, #tpu.memory_space<hbm>>) dst(%arg14 : memref<128x16xf32, #tpu.memory_space<vmem>>)
        tpu.yield
      }) : () -> ()
      "tpu.region"() ({
        %run_scoped3A = tpu.sem_alloc : memref<!tpu.dma_semaphore, #tpu.memory_space<semaphore_mem>>
        %dma_start3A = arith.constant 0 : i32
        %dma_start3A_32 = arith.constant 0 : i32
        %dma_start3A_33 = tpu.memref_slice %arg7[%dma_start3A, %dma_start3A_32] : memref<10112x128xf32, #tpu.memory_space<hbm>> -> memref<10112x128xf32, #tpu.memory_space<hbm>>
        tpu.enqueue_indirect_dma source(%dma_start3A_33 : memref<10112x128xf32, #tpu.memory_space<hbm>>) target(%arg16 : memref<128x128xf32, #tpu.memory_space<vmem>>) offsets(%arg10 : memref<128xi32, #tpu.memory_space<vmem>>) semaphore(%run_scoped3A : memref<!tpu.dma_semaphore, #tpu.memory_space<semaphore_mem>>)
        %dma_wait3A = arith.constant 0 : i32
        %dma_wait3A_34 = arith.constant 0 : i32
        %dma_wait3A_35 = tpu.memref_slice %arg7[%dma_wait3A, %dma_wait3A_34] : memref<10112x128xf32, #tpu.memory_space<hbm>> -> memref<10112x128xf32, #tpu.memory_space<hbm>>
        tpu.wait_indirect_dma semaphore(%run_scoped3A : memref<!tpu.dma_semaphore, #tpu.memory_space<semaphore_mem>>) src(%dma_wait3A_35 : memref<10112x128xf32, #tpu.memory_space<hbm>>) dst(%arg16 : memref<128x128xf32, #tpu.memory_space<vmem>>)
        tpu.yield
      }) : () -> ()
      %scan3A_20 = arith.constant 0 : i32
      %scan3A_21 = arith.constant 0 : i32
      %scan3A_22 = arith.constant 128 : i32
      %scan3A_23 = arith.addi %scan3A_21, %scan3A_22 : i32
      %scan3A_24 = arith.constant 1 : i32
      scf.for %scan3A_32 = %scan3A_21 to %scan3A_23 step %scan3A_24  : i32 {
        %get3A = arith.index_cast %scan3A_32 : i32 to index
        %get3A_33 = arith.constant 0 : index
        %get3A_34 = tpu.vector_load %arg12[%get3A, %get3A_33] {strides = array<i32>} : memref<128x16xf32, #tpu.memory_space<vmem>>, vector<1x16xf32>,
        %get3A_35 = vector.shape_cast %get3A_34 : vector<1x16xf32> to vector<16xf32>
        %get3A_36 = arith.index_cast %scan3A_32 : i32 to index
        %get3A_37 = arith.constant 0 : index
        %get3A_38 = tpu.vector_load %arg13[%get3A_36, %get3A_37] {strides = array<i32>} : memref<128x16xf32, #tpu.memory_space<vmem>>, vector<1x16xf32>,
        %get3A_39 = vector.shape_cast %get3A_38 : vector<1x16xf32> to vector<16xf32>
        %get3A_40 = arith.index_cast %scan3A_32 : i32 to index
        %get3A_41 = arith.constant 0 : index
        %get3A_42 = tpu.vector_load %arg14[%get3A_40, %get3A_41] {strides = array<i32>} : memref<128x16xf32, #tpu.memory_space<vmem>>, vector<1x16xf32>,
        %get3A_43 = vector.shape_cast %get3A_42 : vector<1x16xf32> to vector<16xf32>
        %add3A_44 = arith.addf %get3A_39, %get3A_43 : vector<16xf32>
        %add3A_45 = arith.constant 1.000000e-16 : f32
        %add3A_46 = vector.broadcast %add3A_45 : f32 to vector<16xf32>
        %add3A_47 = arith.addf %add3A_44, %add3A_46 : vector<16xf32>
        %div3A = arith.divf %get3A_35, %add3A_47 : vector<16xf32>
        %swap3A = arith.index_cast %scan3A_32 : i32 to index
        %swap3A_48 = arith.constant 0 : index
        %swap3A_49 = tpu.vector_load %arg15[%swap3A, %swap3A_48] {strides = array<i32>} : memref<128x16xf32, #tpu.memory_space<vmem>>, vector<1x16xf32>,
        %swap3A_50 = vector.shape_cast %swap3A_49 : vector<1x16xf32> to vector<16xf32>
        %swap3A_51 = vector.shape_cast %div3A : vector<16xf32> to vector<1x16xf32>
        tpu.vector_store %arg15[%swap3A, %swap3A_48], %swap3A_51 {strides = array<i32>} : memref<128x16xf32, #tpu.memory_space<vmem>>, vector<1x16xf32>,
      }
      %scan3A_25 = arith.constant 128 : i32
      %scan3A_26 = arith.constant 0 : i32
      %scan3A_27 = arith.constant 0 : i32
      %scan3A_28 = arith.constant 128 : i32
      %scan3A_29 = arith.addi %scan3A_27, %scan3A_28 : i32
      %scan3A_30 = arith.constant 1 : i32
      scf.for %scan3A_32 = %scan3A_27 to %scan3A_29 step %scan3A_30  : i32 {
        %get3A = arith.index_cast %scan3A_32 : i32 to index
        %get3A_33 = arith.constant 0 : index
        %get3A_34 = tpu.vector_load %arg15[%get3A, %get3A_33] {strides = array<i32>} : memref<128x16xf32, #tpu.memory_space<vmem>>, vector<1x16xf32>,
        %get3A_35 = vector.shape_cast %get3A_34 : vector<1x16xf32> to vector<16xf32>
        %slice3A = vector.extract_strided_slice %get3A_35 {offsets = [2], sizes = [1], strides = [1]} : vector<16xf32> to vector<1xf32>
        %squeeze3A = vector.extract %slice3A[0] : f32 from vector<1xf32>
        %slice3A_36 = vector.extract_strided_slice %get3A_35 {offsets = [3], sizes = [1], strides = [1]} : vector<16xf32> to vector<1xf32>
        %squeeze3A_37 = vector.extract %slice3A_36[0] : f32 from vector<1xf32>
        %get3A_38 = arith.index_cast %scan3A_32 : i32 to index
        %get3A_39 = arith.constant 0 : index
        %get3A_40 = tpu.vector_load %arg16[%get3A_38, %get3A_39] {strides = array<i32>} : memref<128x128xf32, #tpu.memory_space<vmem>>, vector<1x16xf32>,
        %get3A_41 = vector.shape_cast %get3A_40 : vector<1x16xf32> to vector<16xf32>
        %mul3A_42 = vector.broadcast %squeeze3A : f32 to vector<16xf32>
        %mul3A_43 = arith.mulf %get3A_41, %mul3A_42 : vector<16xf32>
        %swap3A = arith.index_cast %scan3A_32 : i32 to index
        %swap3A_44 = arith.constant 0 : index
        %swap3A_45 = tpu.vector_load %arg17[%swap3A, %swap3A_44] {strides = array<i32>} : memref<128x128xf32, #tpu.memory_space<vmem>>, vector<1x16xf32>,
        %swap3A_46 = vector.shape_cast %swap3A_45 : vector<1x16xf32> to vector<16xf32>
        %swap3A_47 = vector.shape_cast %mul3A_43 : vector<16xf32> to vector<1x16xf32>
        tpu.vector_store %arg17[%swap3A, %swap3A_44], %swap3A_47 {strides = array<i32>} : memref<128x128xf32, #tpu.memory_space<vmem>>, vector<1x16xf32>,
        %get3A_48 = arith.index_cast %scan3A_32 : i32 to index
        %get3A_49 = arith.constant 16 : index
        %get3A_50 = tpu.vector_load %arg16[%get3A_48, %get3A_49] {strides = array<i32>} : memref<128x128xf32, #tpu.memory_space<vmem>>, vector<1x16xf32>,
        %get3A_51 = vector.shape_cast %get3A_50 : vector<1x16xf32> to vector<16xf32>
        %mul3A_52 = vector.broadcast %squeeze3A : f32 to vector<16xf32>
        %mul3A_53 = arith.mulf %get3A_51, %mul3A_52 : vector<16xf32>
        %swap3A_54 = arith.index_cast %scan3A_32 : i32 to index
        %swap3A_55 = arith.constant 16 : index
        %swap3A_56 = tpu.vector_load %arg17[%swap3A_54, %swap3A_55] {strides = array<i32>} : memref<128x128xf32, #tpu.memory_space<vmem>>, vector<1x16xf32>,
        %swap3A_57 = vector.shape_cast %swap3A_56 : vector<1x16xf32> to vector<16xf32>
        %swap3A_58 = vector.shape_cast %mul3A_53 : vector<16xf32> to vector<1x16xf32>
        tpu.vector_store %arg17[%swap3A_54, %swap3A_55], %swap3A_58 {strides = array<i32>} : memref<128x128xf32, #tpu.memory_space<vmem>>, vector<1x16xf32>,
        %get3A_59 = arith.index_cast %scan3A_32 : i32 to index
        %get3A_60 = arith.constant 32 : index
        %get3A_61 = tpu.vector_load %arg16[%get3A_59, %get3A_60] {strides = array<i32>} : memref<128x128xf32, #tpu.memory_space<vmem>>, vector<1x16xf32>,
        %get3A_62 = vector.shape_cast %get3A_61 : vector<1x16xf32> to vector<16xf32>
        %mul3A_63 = vector.broadcast %squeeze3A : f32 to vector<16xf32>
        %mul3A_64 = arith.mulf %get3A_62, %mul3A_63 : vector<16xf32>
        %swap3A_65 = arith.index_cast %scan3A_32 : i32 to index
        %swap3A_66 = arith.constant 32 : index
        %swap3A_67 = tpu.vector_load %arg17[%swap3A_65, %swap3A_66] {strides = array<i32>} : memref<128x128xf32, #tpu.memory_space<vmem>>, vector<1x16xf32>,
        %swap3A_68 = vector.shape_cast %swap3A_67 : vector<1x16xf32> to vector<16xf32>
        %swap3A_69 = vector.shape_cast %mul3A_64 : vector<16xf32> to vector<1x16xf32>
        tpu.vector_store %arg17[%swap3A_65, %swap3A_66], %swap3A_69 {strides = array<i32>} : memref<128x128xf32, #tpu.memory_space<vmem>>, vector<1x16xf32>,
        %get3A_70 = arith.index_cast %scan3A_32 : i32 to index
        %get3A_71 = arith.constant 48 : index
        %get3A_72 = tpu.vector_load %arg16[%get3A_70, %get3A_71] {strides = array<i32>} : memref<128x128xf32, #tpu.memory_space<vmem>>, vector<1x16xf32>,
        %get3A_73 = vector.shape_cast %get3A_72 : vector<1x16xf32> to vector<16xf32>
        %mul3A_74 = vector.broadcast %squeeze3A : f32 to vector<16xf32>
        %mul3A_75 = arith.mulf %get3A_73, %mul3A_74 : vector<16xf32>
        %swap3A_76 = arith.index_cast %scan3A_32 : i32 to index
        %swap3A_77 = arith.constant 48 : index
        %swap3A_78 = tpu.vector_load %arg17[%swap3A_76, %swap3A_77] {strides = array<i32>} : memref<128x128xf32, #tpu.memory_space<vmem>>, vector<1x16xf32>,
        %swap3A_79 = vector.shape_cast %swap3A_78 : vector<1x16xf32> to vector<16xf32>
        %swap3A_80 = vector.shape_cast %mul3A_75 : vector<16xf32> to vector<1x16xf32>
        tpu.vector_store %arg17[%swap3A_76, %swap3A_77], %swap3A_80 {strides = array<i32>} : memref<128x128xf32, #tpu.memory_space<vmem>>, vector<1x16xf32>,
        %get3A_81 = arith.index_cast %scan3A_32 : i32 to index
        %get3A_82 = arith.constant 64 : index
        %get3A_83 = tpu.vector_load %arg16[%get3A_81, %get3A_82] {strides = array<i32>} : memref<128x128xf32, #tpu.memory_space<vmem>>, vector<1x16xf32>,
        %get3A_84 = vector.shape_cast %get3A_83 : vector<1x16xf32> to vector<16xf32>
        %mul3A_85 = vector.broadcast %squeeze3A_37 : f32 to vector<16xf32>
        %mul3A_86 = arith.mulf %get3A_84, %mul3A_85 : vector<16xf32>
        %swap3A_87 = arith.index_cast %scan3A_32 : i32 to index
        %swap3A_88 = arith.constant 64 : index
        %swap3A_89 = tpu.vector_load %arg17[%swap3A_87, %swap3A_88] {strides = array<i32>} : memref<128x128xf32, #tpu.memory_space<vmem>>, vector<1x16xf32>,
        %swap3A_90 = vector.shape_cast %swap3A_89 : vector<1x16xf32> to vector<16xf32>
        %swap3A_91 = vector.shape_cast %mul3A_86 : vector<16xf32> to vector<1x16xf32>
        tpu.vector_store %arg17[%swap3A_87, %swap3A_88], %swap3A_91 {strides = array<i32>} : memref<128x128xf32, #tpu.memory_space<vmem>>, vector<1x16xf32>,
        %get3A_92 = arith.index_cast %scan3A_32 : i32 to index
        %get3A_93 = arith.constant 80 : index
        %get3A_94 = tpu.vector_load %arg16[%get3A_92, %get3A_93] {strides = array<i32>} : memref<128x128xf32, #tpu.memory_space<vmem>>, vector<1x16xf32>,
        %get3A_95 = vector.shape_cast %get3A_94 : vector<1x16xf32> to vector<16xf32>
        %mul3A_96 = vector.broadcast %squeeze3A_37 : f32 to vector<16xf32>
        %mul3A_97 = arith.mulf %get3A_95, %mul3A_96 : vector<16xf32>
        %swap3A_98 = arith.index_cast %scan3A_32 : i32 to index
        %swap3A_99 = arith.constant 80 : index
        %swap3A_100 = tpu.vector_load %arg17[%swap3A_98, %swap3A_99] {strides = array<i32>} : memref<128x128xf32, #tpu.memory_space<vmem>>, vector<1x16xf32>,
        %swap3A_101 = vector.shape_cast %swap3A_100 : vector<1x16xf32> to vector<16xf32>
        %swap3A_102 = vector.shape_cast %mul3A_97 : vector<16xf32> to vector<1x16xf32>
        tpu.vector_store %arg17[%swap3A_98, %swap3A_99], %swap3A_102 {strides = array<i32>} : memref<128x128xf32, #tpu.memory_space<vmem>>, vector<1x16xf32>,
        %get3A_103 = arith.index_cast %scan3A_32 : i32 to index
        %get3A_104 = arith.constant 96 : index
        %get3A_105 = tpu.vector_load %arg16[%get3A_103, %get3A_104] {strides = array<i32>} : memref<128x128xf32, #tpu.memory_space<vmem>>, vector<1x16xf32>,
        %get3A_106 = vector.shape_cast %get3A_105 : vector<1x16xf32> to vector<16xf32>
        %mul3A_107 = vector.broadcast %squeeze3A_37 : f32 to vector<16xf32>
        %mul3A_108 = arith.mulf %get3A_106, %mul3A_107 : vector<16xf32>
        %swap3A_109 = arith.index_cast %scan3A_32 : i32 to index
        %swap3A_110 = arith.constant 96 : index
        %swap3A_111 = tpu.vector_load %arg17[%swap3A_109, %swap3A_110] {strides = array<i32>} : memref<128x128xf32, #tpu.memory_space<vmem>>, vector<1x16xf32>,
        %swap3A_112 = vector.shape_cast %swap3A_111 : vector<1x16xf32> to vector<16xf32>
        %swap3A_113 = vector.shape_cast %mul3A_108 : vector<16xf32> to vector<1x16xf32>
        tpu.vector_store %arg17[%swap3A_109, %swap3A_110], %swap3A_113 {strides = array<i32>} : memref<128x128xf32, #tpu.memory_space<vmem>>, vector<1x16xf32>,
        %get3A_114 = arith.index_cast %scan3A_32 : i32 to index
        %get3A_115 = arith.constant 112 : index
        %get3A_116 = tpu.vector_load %arg16[%get3A_114, %get3A_115] {strides = array<i32>} : memref<128x128xf32, #tpu.memory_space<vmem>>, vector<1x16xf32>,
        %get3A_117 = vector.shape_cast %get3A_116 : vector<1x16xf32> to vector<16xf32>
        %mul3A_118 = vector.broadcast %squeeze3A_37 : f32 to vector<16xf32>
        %mul3A_119 = arith.mulf %get3A_117, %mul3A_118 : vector<16xf32>
        %swap3A_120 = arith.index_cast %scan3A_32 : i32 to index
        %swap3A_121 = arith.constant 112 : index
        %swap3A_122 = tpu.vector_load %arg17[%swap3A_120, %swap3A_121] {strides = array<i32>} : memref<128x128xf32, #tpu.memory_space<vmem>>, vector<1x16xf32>,
        %swap3A_123 = vector.shape_cast %swap3A_122 : vector<1x16xf32> to vector<16xf32>
        %swap3A_124 = vector.shape_cast %mul3A_119 : vector<16xf32> to vector<1x16xf32>
        tpu.vector_store %arg17[%swap3A_120, %swap3A_121], %swap3A_124 {strides = array<i32>} : memref<128x128xf32, #tpu.memory_space<vmem>>, vector<1x16xf32>,
      }
      %scan3A_31 = arith.constant 128 : i32
      "tpu.region"() ({
        %run_scoped3A = tpu.sem_alloc : memref<!tpu.dma_semaphore, #tpu.memory_space<semaphore_mem>>
        %dma_start3A = arith.constant 0 : i32
        %dma_start3A_32 = arith.constant 0 : i32
        %dma_start3A_33 = tpu.memref_slice %arg18[%dma_start3A, %dma_start3A_32] : memref<10112x128xf32, #tpu.memory_space<vmem_shared>> -> memref<10112x128xf32, #tpu.memory_space<vmem_shared>>
        tpu.enqueue_indirect_dma source(%arg17 : memref<128x128xf32, #tpu.memory_space<vmem>>) target(%dma_start3A_33 : memref<10112x128xf32, #tpu.memory_space<vmem_shared>>) offsets(%arg11 : memref<128xi32, #tpu.memory_space<vmem>>) semaphore(%run_scoped3A : memref<!tpu.dma_semaphore, #tpu.memory_space<semaphore_mem>>) {add = true}
        %dma_wait3A = arith.constant 0 : i32
        %dma_wait3A_34 = arith.constant 0 : i32
        %dma_wait3A_35 = tpu.memref_slice %arg18[%dma_wait3A, %dma_wait3A_34] : memref<10112x128xf32, #tpu.memory_space<vmem_shared>> -> memref<10112x128xf32, #tpu.memory_space<vmem_shared>>
        tpu.wait_indirect_dma semaphore(%run_scoped3A : memref<!tpu.dma_semaphore, #tpu.memory_space<semaphore_mem>>) src(%arg17 : memref<128x128xf32, #tpu.memory_space<vmem>>) dst(%dma_wait3A_35 : memref<10112x128xf32, #tpu.memory_space<vmem_shared>>)
        tpu.yield
      }) : () -> ()
    }
    %scan3A_9 = arith.constant 81 : i32
    %barrier3A_10 = arith.constant 0 : index
    tpu.barrier barrier_id(%barrier3A_10)
    %eq3A_11 = arith.constant 0 : i32
    %eq3A_12 = arith.cmpi eq, %arg1, %eq3A_11 : i32
    %convert_element_type3A_13 = arith.extui %eq3A_12 : i1 to i32
    %cond3A_14 = arith.constant 0 : i32
    %cond3A_15 = arith.cmpi ne, %convert_element_type3A_13, %cond3A_14 : i32
    scf.if %cond3A_15 {
      "tpu.region"() ({
        %run_scoped3A = tpu.sem_alloc : memref<!tpu.dma_semaphore, #tpu.memory_space<semaphore_mem>>
        %dma_start3A = arith.constant 0 : i32
        %dma_start3A_16 = arith.constant 0 : i32
        %dma_start3A_17 = tpu.memref_slice %arg9[%arg0, %dma_start3A, %dma_start3A_16] : memref<2x10112x128xf32, #tpu.memory_space<hbm>> -> memref<1x10112x128xf32, #tpu.memory_space<hbm>>
        %dma_start3A_18 = tpu.memref_squeeze %dma_start3A_17 : memref<1x10112x128xf32, #tpu.memory_space<hbm>> -> memref<10112x128xf32, #tpu.memory_space<hbm>>
        tpu.enqueue_dma source(%arg18 : memref<10112x128xf32, #tpu.memory_space<vmem_shared>>) target(%dma_start3A_18 : memref<10112x128xf32, #tpu.memory_space<hbm>>) target_semaphore(%run_scoped3A : memref<!tpu.dma_semaphore, #tpu.memory_space<semaphore_mem>>)
        %dma_wait3A = arith.constant 0 : i32
        %dma_wait3A_19 = arith.constant 0 : i32
        %dma_wait3A_20 = tpu.memref_slice %arg9[%arg0, %dma_wait3A, %dma_wait3A_19] : memref<2x10112x128xf32, #tpu.memory_space<hbm>> -> memref<1x10112x128xf32, #tpu.memory_space<hbm>>
        %dma_wait3A_21 = tpu.memref_squeeze %dma_wait3A_20 : memref<1x10112x128xf32, #tpu.memory_space<hbm>> -> memref<10112x128xf32, #tpu.memory_space<hbm>>
        tpu.wait_dma2 semaphore(%run_scoped3A : memref<!tpu.dma_semaphore, #tpu.memory_space<semaphore_mem>>) src(%arg18 : memref<10112x128xf32, #tpu.memory_space<vmem_shared>>) dst(%dma_wait3A_21 : memref<10112x128xf32, #tpu.memory_space<hbm>>)
        tpu.yield
      }) : () -> ()
    } else {
    }
    return
  }
}

#map = affine_map<(d0, d1) -> (0)>
#map1 = affine_map<(d0, d1) -> (0, 0)>
#map2 = affine_map<(d0, d1) -> (0, 0, 0)>
module attributes {stable_mosaic.version = 14 : i64} {
  func.func @_sc_pass1(%arg0: i32, %arg1: i32, %arg2: memref<331776xi32, #tpu.memory_space<hbm>>, %arg3: memref<331776xi32, #tpu.memory_space<hbm>>, %arg4: memref<10112x16xf32, #tpu.memory_space<hbm>>, %arg5: memref<10112x16xf32, #tpu.memory_space<hbm>>, %arg6: memref<16xf32, #tpu.memory_space<hbm>>, %arg7: memref<10112x16xf32, #tpu.memory_space<hbm>>, %arg8: memref<331776x16xf32, #tpu.memory_space<hbm>>, %arg9: memref<2x10112x16xf32, #tpu.memory_space<hbm>>, %arg10: memref<128xi32, #tpu.memory_space<vmem>>, %arg11: memref<128xi32, #tpu.memory_space<vmem>>, %arg12: memref<128x16xf32, #tpu.memory_space<vmem>>, %arg13: memref<128x16xf32, #tpu.memory_space<vmem>>, %arg14: memref<128x16xf32, #tpu.memory_space<vmem>>, %arg15: memref<16xf32, #tpu.memory_space<vmem>>, %arg16: memref<10112x16xf32, #tpu.memory_space<vmem_shared>>) attributes {dimension_semantics = [#tpu.dimension_semantics<core_parallel>, #tpu.dimension_semantics<subcore_parallel>], iteration_bounds = array<i64: 2, 16>, scalar_prefetch = 0 : i64, scratch_operands = 7 : i64, tpu.core_type = #tpu.core_type<sc_vector_subcore>, window_params = [{transform_indices = #map}, {transform_indices = #map}, {transform_indices = #map1}, {transform_indices = #map1}, {transform_indices = #map}, {transform_indices = #map1}, {transform_indices = #map1}, {transform_indices = #map2}]} {
    %mul3A = arith.constant 2 : i32
    %mul3A_0 = arith.muli %arg1, %mul3A : i32
    %add3A = arith.addi %mul3A_0, %arg0 : i32
    %mul3A_1 = arith.constant 10368 : i32
    %mul3A_2 = arith.muli %add3A, %mul3A_1 : i32
    %eq3A = arith.constant 0 : i32
    %eq3A_3 = arith.cmpi eq, %arg1, %eq3A : i32
    %convert_element_type3A = arith.extui %eq3A_3 : i1 to i32
    %cond3A = arith.constant 0 : i32
    %cond3A_4 = arith.cmpi ne, %convert_element_type3A, %cond3A : i32
    scf.if %cond3A_4 {
      "tpu.region"() ({
        %run_scoped3A = tpu.sem_alloc : memref<!tpu.dma_semaphore, #tpu.memory_space<semaphore_mem>>
        tpu.enqueue_dma source(%arg7 : memref<10112x16xf32, #tpu.memory_space<hbm>>) target(%arg16 : memref<10112x16xf32, #tpu.memory_space<vmem_shared>>) target_semaphore(%run_scoped3A : memref<!tpu.dma_semaphore, #tpu.memory_space<semaphore_mem>>)
        tpu.wait_dma2 semaphore(%run_scoped3A : memref<!tpu.dma_semaphore, #tpu.memory_space<semaphore_mem>>) src(%arg7 : memref<10112x16xf32, #tpu.memory_space<hbm>>) dst(%arg16 : memref<10112x16xf32, #tpu.memory_space<vmem_shared>>)
        tpu.yield
      }) : () -> ()
    } else {
    }
    "tpu.region"() ({
      %run_scoped3A = tpu.sem_alloc : memref<!tpu.dma_semaphore, #tpu.memory_space<semaphore_mem>>
      tpu.enqueue_dma source(%arg6 : memref<16xf32, #tpu.memory_space<hbm>>) target(%arg15 : memref<16xf32, #tpu.memory_space<vmem>>) target_semaphore(%run_scoped3A : memref<!tpu.dma_semaphore, #tpu.memory_space<semaphore_mem>>)
      tpu.wait_dma2 semaphore(%run_scoped3A : memref<!tpu.dma_semaphore, #tpu.memory_space<semaphore_mem>>) src(%arg6 : memref<16xf32, #tpu.memory_space<hbm>>) dst(%arg15 : memref<16xf32, #tpu.memory_space<vmem>>)
      tpu.yield
    }) : () -> ()
    %barrier3A = arith.constant 0 : index
    tpu.barrier barrier_id(%barrier3A)
    %scan3A = arith.constant 0 : i32
    %scan3A_5 = arith.constant 0 : i32
    %scan3A_6 = arith.constant 81 : i32
    %scan3A_7 = arith.addi %scan3A_5, %scan3A_6 : i32
    %scan3A_8 = arith.constant 1 : i32
    scf.for %scan3A_16 = %scan3A_5 to %scan3A_7 step %scan3A_8  : i32 {
      %mul3A_17 = arith.constant 128 : i32
      %mul3A_18 = arith.muli %scan3A_16, %mul3A_17 : i32
      %add3A_19 = arith.addi %mul3A_2, %mul3A_18 : i32
      "tpu.region"() ({
        %run_scoped3A = tpu.sem_alloc : memref<!tpu.dma_semaphore, #tpu.memory_space<semaphore_mem>>
        %dma_start3A = tpu.memref_slice %arg2[%add3A_19] : memref<331776xi32, #tpu.memory_space<hbm>> -> memref<128xi32, #tpu.memory_space<hbm>>
        %dma_start3A_28 = tpu.memref_slice %arg2[%add3A_19] : memref<331776xi32, #tpu.memory_space<hbm>> -> memref<128xi32, #tpu.memory_space<hbm>>
        tpu.enqueue_dma source(%dma_start3A_28 : memref<128xi32, #tpu.memory_space<hbm>>) target(%arg10 : memref<128xi32, #tpu.memory_space<vmem>>) target_semaphore(%run_scoped3A : memref<!tpu.dma_semaphore, #tpu.memory_space<semaphore_mem>>)
        %dma_wait3A = tpu.memref_slice %arg2[%add3A_19] : memref<331776xi32, #tpu.memory_space<hbm>> -> memref<128xi32, #tpu.memory_space<hbm>>
        %dma_wait3A_29 = tpu.memref_slice %arg2[%add3A_19] : memref<331776xi32, #tpu.memory_space<hbm>> -> memref<128xi32, #tpu.memory_space<hbm>>
        tpu.wait_dma2 semaphore(%run_scoped3A : memref<!tpu.dma_semaphore, #tpu.memory_space<semaphore_mem>>) src(%dma_wait3A_29 : memref<128xi32, #tpu.memory_space<hbm>>) dst(%arg10 : memref<128xi32, #tpu.memory_space<vmem>>)
        tpu.yield
      }) : () -> ()
      "tpu.region"() ({
        %run_scoped3A = tpu.sem_alloc : memref<!tpu.dma_semaphore, #tpu.memory_space<semaphore_mem>>
        %dma_start3A = tpu.memref_slice %arg3[%add3A_19] : memref<331776xi32, #tpu.memory_space<hbm>> -> memref<128xi32, #tpu.memory_space<hbm>>
        %dma_start3A_28 = tpu.memref_slice %arg3[%add3A_19] : memref<331776xi32, #tpu.memory_space<hbm>> -> memref<128xi32, #tpu.memory_space<hbm>>
        tpu.enqueue_dma source(%dma_start3A_28 : memref<128xi32, #tpu.memory_space<hbm>>) target(%arg11 : memref<128xi32, #tpu.memory_space<vmem>>) target_semaphore(%run_scoped3A : memref<!tpu.dma_semaphore, #tpu.memory_space<semaphore_mem>>)
        %dma_wait3A = tpu.memref_slice %arg3[%add3A_19] : memref<331776xi32, #tpu.memory_space<hbm>> -> memref<128xi32, #tpu.memory_space<hbm>>
        %dma_wait3A_29 = tpu.memref_slice %arg3[%add3A_19] : memref<331776xi32, #tpu.memory_space<hbm>> -> memref<128xi32, #tpu.memory_space<hbm>>
        tpu.wait_dma2 semaphore(%run_scoped3A : memref<!tpu.dma_semaphore, #tpu.memory_space<semaphore_mem>>) src(%dma_wait3A_29 : memref<128xi32, #tpu.memory_space<hbm>>) dst(%arg11 : memref<128xi32, #tpu.memory_space<vmem>>)
        tpu.yield
      }) : () -> ()
      "tpu.region"() ({
        %run_scoped3A = tpu.sem_alloc : memref<!tpu.dma_semaphore, #tpu.memory_space<semaphore_mem>>
        %dma_start3A = arith.constant 0 : i32
        %dma_start3A_28 = arith.constant 0 : i32
        %dma_start3A_29 = tpu.memref_slice %arg4[%dma_start3A, %dma_start3A_28] : memref<10112x16xf32, #tpu.memory_space<hbm>> -> memref<10112x16xf32, #tpu.memory_space<hbm>>
        tpu.enqueue_indirect_dma source(%dma_start3A_29 : memref<10112x16xf32, #tpu.memory_space<hbm>>) target(%arg12 : memref<128x16xf32, #tpu.memory_space<vmem>>) offsets(%arg10 : memref<128xi32, #tpu.memory_space<vmem>>) semaphore(%run_scoped3A : memref<!tpu.dma_semaphore, #tpu.memory_space<semaphore_mem>>)
        %dma_wait3A = arith.constant 0 : i32
        %dma_wait3A_30 = arith.constant 0 : i32
        %dma_wait3A_31 = tpu.memref_slice %arg4[%dma_wait3A, %dma_wait3A_30] : memref<10112x16xf32, #tpu.memory_space<hbm>> -> memref<10112x16xf32, #tpu.memory_space<hbm>>
        tpu.wait_indirect_dma semaphore(%run_scoped3A : memref<!tpu.dma_semaphore, #tpu.memory_space<semaphore_mem>>) src(%dma_wait3A_31 : memref<10112x16xf32, #tpu.memory_space<hbm>>) dst(%arg12 : memref<128x16xf32, #tpu.memory_space<vmem>>)
        tpu.yield
      }) : () -> ()
      "tpu.region"() ({
        %run_scoped3A = tpu.sem_alloc : memref<!tpu.dma_semaphore, #tpu.memory_space<semaphore_mem>>
        %dma_start3A = arith.constant 0 : i32
        %dma_start3A_28 = arith.constant 0 : i32
        %dma_start3A_29 = tpu.memref_slice %arg5[%dma_start3A, %dma_start3A_28] : memref<10112x16xf32, #tpu.memory_space<hbm>> -> memref<10112x16xf32, #tpu.memory_space<hbm>>
        tpu.enqueue_indirect_dma source(%dma_start3A_29 : memref<10112x16xf32, #tpu.memory_space<hbm>>) target(%arg13 : memref<128x16xf32, #tpu.memory_space<vmem>>) offsets(%arg11 : memref<128xi32, #tpu.memory_space<vmem>>) semaphore(%run_scoped3A : memref<!tpu.dma_semaphore, #tpu.memory_space<semaphore_mem>>)
        %dma_wait3A = arith.constant 0 : i32
        %dma_wait3A_30 = arith.constant 0 : i32
        %dma_wait3A_31 = tpu.memref_slice %arg5[%dma_wait3A, %dma_wait3A_30] : memref<10112x16xf32, #tpu.memory_space<hbm>> -> memref<10112x16xf32, #tpu.memory_space<hbm>>
        tpu.wait_indirect_dma semaphore(%run_scoped3A : memref<!tpu.dma_semaphore, #tpu.memory_space<semaphore_mem>>) src(%dma_wait3A_31 : memref<10112x16xf32, #tpu.memory_space<hbm>>) dst(%arg13 : memref<128x16xf32, #tpu.memory_space<vmem>>)
        tpu.yield
      }) : () -> ()
      %get3A = arith.constant 0 : index
      %get3A_20 = tpu.vector_load %arg15[%get3A] {strides = array<i32>} : memref<16xf32, #tpu.memory_space<vmem>>, vector<16xf32>,
      %get3A_21 = vector.shape_cast %get3A_20 : vector<16xf32> to vector<16xf32>
      %scan3A_22 = arith.constant 0 : i32
      %scan3A_23 = arith.constant 0 : i32
      %scan3A_24 = arith.constant 128 : i32
      %scan3A_25 = arith.addi %scan3A_23, %scan3A_24 : i32
      %scan3A_26 = arith.constant 1 : i32
      scf.for %scan3A_28 = %scan3A_23 to %scan3A_25 step %scan3A_26  : i32 {
        %get3A_29 = arith.index_cast %scan3A_28 : i32 to index
        %get3A_30 = arith.constant 0 : index
        %get3A_31 = tpu.vector_load %arg12[%get3A_29, %get3A_30] {strides = array<i32>} : memref<128x16xf32, #tpu.memory_space<vmem>>, vector<1x16xf32>,
        %get3A_32 = vector.shape_cast %get3A_31 : vector<1x16xf32> to vector<16xf32>
        %get3A_33 = arith.index_cast %scan3A_28 : i32 to index
        %get3A_34 = arith.constant 0 : index
        %get3A_35 = tpu.vector_load %arg13[%get3A_33, %get3A_34] {strides = array<i32>} : memref<128x16xf32, #tpu.memory_space<vmem>>, vector<1x16xf32>,
        %get3A_36 = vector.shape_cast %get3A_35 : vector<1x16xf32> to vector<16xf32>
        %add3A_37 = arith.addf %get3A_32, %get3A_36 : vector<16xf32>
        %mul3A_38 = arith.constant 2.000000e-01 : f32
        %mul3A_39 = vector.broadcast %mul3A_38 : f32 to vector<16xf32>
        %mul3A_40 = arith.mulf %mul3A_39, %add3A_37 : vector<16xf32>
        %max3A = arith.maximumf %add3A_37, %mul3A_40 : vector<16xf32>
        %sub3A = arith.subf %max3A, %get3A_21 : vector<16xf32>
        %exp3A = math.exp %sub3A : vector<16xf32>
        %swap3A = arith.index_cast %scan3A_28 : i32 to index
        %swap3A_41 = arith.constant 0 : index
        %swap3A_42 = tpu.vector_load %arg14[%swap3A, %swap3A_41] {strides = array<i32>} : memref<128x16xf32, #tpu.memory_space<vmem>>, vector<1x16xf32>,
        %swap3A_43 = vector.shape_cast %swap3A_42 : vector<1x16xf32> to vector<16xf32>
        %swap3A_44 = vector.shape_cast %exp3A : vector<16xf32> to vector<1x16xf32>
        tpu.vector_store %arg14[%swap3A, %swap3A_41], %swap3A_44 {strides = array<i32>} : memref<128x16xf32, #tpu.memory_space<vmem>>, vector<1x16xf32>,
      }
      %scan3A_27 = arith.constant 128 : i32
      "tpu.region"() ({
        %run_scoped3A = tpu.sem_alloc : memref<!tpu.dma_semaphore, #tpu.memory_space<semaphore_mem>>
        %dma_start3A = arith.constant 0 : i32
        %dma_start3A_28 = tpu.memref_slice %arg8[%add3A_19, %dma_start3A] : memref<331776x16xf32, #tpu.memory_space<hbm>> -> memref<128x16xf32, #tpu.memory_space<hbm>>
        %dma_start3A_29 = arith.constant 0 : i32
        %dma_start3A_30 = tpu.memref_slice %arg8[%add3A_19, %dma_start3A_29] : memref<331776x16xf32, #tpu.memory_space<hbm>> -> memref<128x16xf32, #tpu.memory_space<hbm>>
        tpu.enqueue_dma source(%arg14 : memref<128x16xf32, #tpu.memory_space<vmem>>) target(%dma_start3A_30 : memref<128x16xf32, #tpu.memory_space<hbm>>) target_semaphore(%run_scoped3A : memref<!tpu.dma_semaphore, #tpu.memory_space<semaphore_mem>>)
        %dma_wait3A = arith.constant 0 : i32
        %dma_wait3A_31 = tpu.memref_slice %arg8[%add3A_19, %dma_wait3A] : memref<331776x16xf32, #tpu.memory_space<hbm>> -> memref<128x16xf32, #tpu.memory_space<hbm>>
        %dma_wait3A_32 = arith.constant 0 : i32
        %dma_wait3A_33 = tpu.memref_slice %arg8[%add3A_19, %dma_wait3A_32] : memref<331776x16xf32, #tpu.memory_space<hbm>> -> memref<128x16xf32, #tpu.memory_space<hbm>>
        tpu.wait_dma2 semaphore(%run_scoped3A : memref<!tpu.dma_semaphore, #tpu.memory_space<semaphore_mem>>) src(%arg14 : memref<128x16xf32, #tpu.memory_space<vmem>>) dst(%dma_wait3A_33 : memref<128x16xf32, #tpu.memory_space<hbm>>)
        tpu.yield
      }) : () -> ()
      "tpu.region"() ({
        %run_scoped3A = tpu.sem_alloc : memref<!tpu.dma_semaphore, #tpu.memory_space<semaphore_mem>>
        %dma_start3A = arith.constant 0 : i32
        %dma_start3A_28 = arith.constant 0 : i32
        %dma_start3A_29 = tpu.memref_slice %arg16[%dma_start3A, %dma_start3A_28] : memref<10112x16xf32, #tpu.memory_space<vmem_shared>> -> memref<10112x16xf32, #tpu.memory_space<vmem_shared>>
        tpu.enqueue_indirect_dma source(%arg14 : memref<128x16xf32, #tpu.memory_space<vmem>>) target(%dma_start3A_29 : memref<10112x16xf32, #tpu.memory_space<vmem_shared>>) offsets(%arg11 : memref<128xi32, #tpu.memory_space<vmem>>) semaphore(%run_scoped3A : memref<!tpu.dma_semaphore, #tpu.memory_space<semaphore_mem>>) {add = true}
        %dma_wait3A = arith.constant 0 : i32
        %dma_wait3A_30 = arith.constant 0 : i32
        %dma_wait3A_31 = tpu.memref_slice %arg16[%dma_wait3A, %dma_wait3A_30] : memref<10112x16xf32, #tpu.memory_space<vmem_shared>> -> memref<10112x16xf32, #tpu.memory_space<vmem_shared>>
        tpu.wait_indirect_dma semaphore(%run_scoped3A : memref<!tpu.dma_semaphore, #tpu.memory_space<semaphore_mem>>) src(%arg14 : memref<128x16xf32, #tpu.memory_space<vmem>>) dst(%dma_wait3A_31 : memref<10112x16xf32, #tpu.memory_space<vmem_shared>>)
        tpu.yield
      }) : () -> ()
    }
    %scan3A_9 = arith.constant 81 : i32
    %barrier3A_10 = arith.constant 0 : index
    tpu.barrier barrier_id(%barrier3A_10)
    %eq3A_11 = arith.constant 0 : i32
    %eq3A_12 = arith.cmpi eq, %arg1, %eq3A_11 : i32
    %convert_element_type3A_13 = arith.extui %eq3A_12 : i1 to i32
    %cond3A_14 = arith.constant 0 : i32
    %cond3A_15 = arith.cmpi ne, %convert_element_type3A_13, %cond3A_14 : i32
    scf.if %cond3A_15 {
      "tpu.region"() ({
        %run_scoped3A = tpu.sem_alloc : memref<!tpu.dma_semaphore, #tpu.memory_space<semaphore_mem>>
        %dma_start3A = arith.constant 0 : i32
        %dma_start3A_16 = arith.constant 0 : i32
        %dma_start3A_17 = tpu.memref_slice %arg9[%arg0, %dma_start3A, %dma_start3A_16] : memref<2x10112x16xf32, #tpu.memory_space<hbm>> -> memref<1x10112x16xf32, #tpu.memory_space<hbm>>
        %dma_start3A_18 = tpu.memref_squeeze %dma_start3A_17 : memref<1x10112x16xf32, #tpu.memory_space<hbm>> -> memref<10112x16xf32, #tpu.memory_space<hbm>>
        tpu.enqueue_dma source(%arg16 : memref<10112x16xf32, #tpu.memory_space<vmem_shared>>) target(%dma_start3A_18 : memref<10112x16xf32, #tpu.memory_space<hbm>>) target_semaphore(%run_scoped3A : memref<!tpu.dma_semaphore, #tpu.memory_space<semaphore_mem>>)
        %dma_wait3A = arith.constant 0 : i32
        %dma_wait3A_19 = arith.constant 0 : i32
        %dma_wait3A_20 = tpu.memref_slice %arg9[%arg0, %dma_wait3A, %dma_wait3A_19] : memref<2x10112x16xf32, #tpu.memory_space<hbm>> -> memref<1x10112x16xf32, #tpu.memory_space<hbm>>
        %dma_wait3A_21 = tpu.memref_squeeze %dma_wait3A_20 : memref<1x10112x16xf32, #tpu.memory_space<hbm>> -> memref<10112x16xf32, #tpu.memory_space<hbm>>
        tpu.wait_dma2 semaphore(%run_scoped3A : memref<!tpu.dma_semaphore, #tpu.memory_space<semaphore_mem>>) src(%arg16 : memref<10112x16xf32, #tpu.memory_space<vmem_shared>>) dst(%dma_wait3A_21 : memref<10112x16xf32, #tpu.memory_space<hbm>>)
        tpu.yield
      }) : () -> ()
    } else {
    }
    return
  }
}

#map = affine_map<(d0, d1) -> (0)>
#map1 = affine_map<(d0, d1) -> (0, 0)>
#map2 = affine_map<(d0, d1) -> (0, 0, 0)>
module attributes {stable_mosaic.version = 14 : i64} {
  func.func @_sc_pass1(%arg0: i32, %arg1: i32, %arg2: memref<331776xi32, #tpu.memory_space<hbm>>, %arg3: memref<331776xi32, #tpu.memory_space<hbm>>, %arg4: memref<10112x16xf32, #tpu.memory_space<hbm>>, %arg5: memref<10112x16xf32, #tpu.memory_space<hbm>>, %arg6: memref<16xf32, #tpu.memory_space<hbm>>, %arg7: memref<10112x16xf32, #tpu.memory_space<hbm>>, %arg8: memref<331776x16xf32, #tpu.memory_space<hbm>>, %arg9: memref<2x10112x16xf32, #tpu.memory_space<hbm>>, %arg10: memref<128xi32, #tpu.memory_space<vmem>>, %arg11: memref<128xi32, #tpu.memory_space<vmem>>, %arg12: memref<128x16xf32, #tpu.memory_space<vmem>>, %arg13: memref<128x16xf32, #tpu.memory_space<vmem>>, %arg14: memref<128x16xf32, #tpu.memory_space<vmem>>, %arg15: memref<16xf32, #tpu.memory_space<vmem>>, %arg16: memref<10112x16xf32, #tpu.memory_space<vmem_shared>>) attributes {dimension_semantics = [#tpu.dimension_semantics<core_parallel>, #tpu.dimension_semantics<subcore_parallel>], iteration_bounds = array<i64: 2, 16>, scalar_prefetch = 0 : i64, scratch_operands = 7 : i64, tpu.core_type = #tpu.core_type<sc_vector_subcore>, window_params = [{transform_indices = #map}, {transform_indices = #map}, {transform_indices = #map1}, {transform_indices = #map1}, {transform_indices = #map}, {transform_indices = #map1}, {transform_indices = #map1}, {transform_indices = #map2}]} {
    %mul3A = arith.constant 2 : i32
    %mul3A_0 = arith.muli %arg1, %mul3A : i32
    %add3A = arith.addi %mul3A_0, %arg0 : i32
    %mul3A_1 = arith.constant 10368 : i32
    %mul3A_2 = arith.muli %add3A, %mul3A_1 : i32
    %eq3A = arith.constant 0 : i32
    %eq3A_3 = arith.cmpi eq, %arg1, %eq3A : i32
    %convert_element_type3A = arith.extui %eq3A_3 : i1 to i32
    %cond3A = arith.constant 0 : i32
    %cond3A_4 = arith.cmpi ne, %convert_element_type3A, %cond3A : i32
    scf.if %cond3A_4 {
      "tpu.region"() ({
        %run_scoped3A = tpu.sem_alloc : memref<!tpu.dma_semaphore, #tpu.memory_space<semaphore_mem>>
        tpu.enqueue_dma source(%arg7 : memref<10112x16xf32, #tpu.memory_space<hbm>>) target(%arg16 : memref<10112x16xf32, #tpu.memory_space<vmem_shared>>) target_semaphore(%run_scoped3A : memref<!tpu.dma_semaphore, #tpu.memory_space<semaphore_mem>>)
        tpu.wait_dma2 semaphore(%run_scoped3A : memref<!tpu.dma_semaphore, #tpu.memory_space<semaphore_mem>>) src(%arg7 : memref<10112x16xf32, #tpu.memory_space<hbm>>) dst(%arg16 : memref<10112x16xf32, #tpu.memory_space<vmem_shared>>)
        tpu.yield
      }) : () -> ()
    } else {
    }
    "tpu.region"() ({
      %run_scoped3A = tpu.sem_alloc : memref<!tpu.dma_semaphore, #tpu.memory_space<semaphore_mem>>
      tpu.enqueue_dma source(%arg6 : memref<16xf32, #tpu.memory_space<hbm>>) target(%arg15 : memref<16xf32, #tpu.memory_space<vmem>>) target_semaphore(%run_scoped3A : memref<!tpu.dma_semaphore, #tpu.memory_space<semaphore_mem>>)
      tpu.wait_dma2 semaphore(%run_scoped3A : memref<!tpu.dma_semaphore, #tpu.memory_space<semaphore_mem>>) src(%arg6 : memref<16xf32, #tpu.memory_space<hbm>>) dst(%arg15 : memref<16xf32, #tpu.memory_space<vmem>>)
      tpu.yield
    }) : () -> ()
    %barrier3A = arith.constant 0 : index
    tpu.barrier barrier_id(%barrier3A)
    %scan3A = arith.constant 0 : i32
    %scan3A_5 = arith.constant 0 : i32
    %scan3A_6 = arith.constant 81 : i32
    %scan3A_7 = arith.addi %scan3A_5, %scan3A_6 : i32
    %scan3A_8 = arith.constant 1 : i32
    scf.for %scan3A_16 = %scan3A_5 to %scan3A_7 step %scan3A_8  : i32 {
      %mul3A_17 = arith.constant 128 : i32
      %mul3A_18 = arith.muli %scan3A_16, %mul3A_17 : i32
      %add3A_19 = arith.addi %mul3A_2, %mul3A_18 : i32
      "tpu.region"() ({
        %run_scoped3A = tpu.sem_alloc : memref<!tpu.dma_semaphore, #tpu.memory_space<semaphore_mem>>
        %dma_start3A = tpu.memref_slice %arg2[%add3A_19] : memref<331776xi32, #tpu.memory_space<hbm>> -> memref<128xi32, #tpu.memory_space<hbm>>
        %dma_start3A_28 = tpu.memref_slice %arg2[%add3A_19] : memref<331776xi32, #tpu.memory_space<hbm>> -> memref<128xi32, #tpu.memory_space<hbm>>
        tpu.enqueue_dma source(%dma_start3A_28 : memref<128xi32, #tpu.memory_space<hbm>>) target(%arg10 : memref<128xi32, #tpu.memory_space<vmem>>) target_semaphore(%run_scoped3A : memref<!tpu.dma_semaphore, #tpu.memory_space<semaphore_mem>>)
        %dma_wait3A = tpu.memref_slice %arg2[%add3A_19] : memref<331776xi32, #tpu.memory_space<hbm>> -> memref<128xi32, #tpu.memory_space<hbm>>
        %dma_wait3A_29 = tpu.memref_slice %arg2[%add3A_19] : memref<331776xi32, #tpu.memory_space<hbm>> -> memref<128xi32, #tpu.memory_space<hbm>>
        tpu.wait_dma2 semaphore(%run_scoped3A : memref<!tpu.dma_semaphore, #tpu.memory_space<semaphore_mem>>) src(%dma_wait3A_29 : memref<128xi32, #tpu.memory_space<hbm>>) dst(%arg10 : memref<128xi32, #tpu.memory_space<vmem>>)
        tpu.yield
      }) : () -> ()
      "tpu.region"() ({
        %run_scoped3A = tpu.sem_alloc : memref<!tpu.dma_semaphore, #tpu.memory_space<semaphore_mem>>
        %dma_start3A = tpu.memref_slice %arg3[%add3A_19] : memref<331776xi32, #tpu.memory_space<hbm>> -> memref<128xi32, #tpu.memory_space<hbm>>
        %dma_start3A_28 = tpu.memref_slice %arg3[%add3A_19] : memref<331776xi32, #tpu.memory_space<hbm>> -> memref<128xi32, #tpu.memory_space<hbm>>
        tpu.enqueue_dma source(%dma_start3A_28 : memref<128xi32, #tpu.memory_space<hbm>>) target(%arg11 : memref<128xi32, #tpu.memory_space<vmem>>) target_semaphore(%run_scoped3A : memref<!tpu.dma_semaphore, #tpu.memory_space<semaphore_mem>>)
        %dma_wait3A = tpu.memref_slice %arg3[%add3A_19] : memref<331776xi32, #tpu.memory_space<hbm>> -> memref<128xi32, #tpu.memory_space<hbm>>
        %dma_wait3A_29 = tpu.memref_slice %arg3[%add3A_19] : memref<331776xi32, #tpu.memory_space<hbm>> -> memref<128xi32, #tpu.memory_space<hbm>>
        tpu.wait_dma2 semaphore(%run_scoped3A : memref<!tpu.dma_semaphore, #tpu.memory_space<semaphore_mem>>) src(%dma_wait3A_29 : memref<128xi32, #tpu.memory_space<hbm>>) dst(%arg11 : memref<128xi32, #tpu.memory_space<vmem>>)
        tpu.yield
      }) : () -> ()
      "tpu.region"() ({
        %run_scoped3A = tpu.sem_alloc : memref<!tpu.dma_semaphore, #tpu.memory_space<semaphore_mem>>
        %dma_start3A = arith.constant 0 : i32
        %dma_start3A_28 = arith.constant 0 : i32
        %dma_start3A_29 = tpu.memref_slice %arg4[%dma_start3A, %dma_start3A_28] : memref<10112x16xf32, #tpu.memory_space<hbm>> -> memref<10112x16xf32, #tpu.memory_space<hbm>>
        tpu.enqueue_indirect_dma source(%dma_start3A_29 : memref<10112x16xf32, #tpu.memory_space<hbm>>) target(%arg12 : memref<128x16xf32, #tpu.memory_space<vmem>>) offsets(%arg10 : memref<128xi32, #tpu.memory_space<vmem>>) semaphore(%run_scoped3A : memref<!tpu.dma_semaphore, #tpu.memory_space<semaphore_mem>>)
        %dma_wait3A = arith.constant 0 : i32
        %dma_wait3A_30 = arith.constant 0 : i32
        %dma_wait3A_31 = tpu.memref_slice %arg4[%dma_wait3A, %dma_wait3A_30] : memref<10112x16xf32, #tpu.memory_space<hbm>> -> memref<10112x16xf32, #tpu.memory_space<hbm>>
        tpu.wait_indirect_dma semaphore(%run_scoped3A : memref<!tpu.dma_semaphore, #tpu.memory_space<semaphore_mem>>) src(%dma_wait3A_31 : memref<10112x16xf32, #tpu.memory_space<hbm>>) dst(%arg12 : memref<128x16xf32, #tpu.memory_space<vmem>>)
        tpu.yield
      }) : () -> ()
      "tpu.region"() ({
        %run_scoped3A = tpu.sem_alloc : memref<!tpu.dma_semaphore, #tpu.memory_space<semaphore_mem>>
        %dma_start3A = arith.constant 0 : i32
        %dma_start3A_28 = arith.constant 0 : i32
        %dma_start3A_29 = tpu.memref_slice %arg5[%dma_start3A, %dma_start3A_28] : memref<10112x16xf32, #tpu.memory_space<hbm>> -> memref<10112x16xf32, #tpu.memory_space<hbm>>
        tpu.enqueue_indirect_dma source(%dma_start3A_29 : memref<10112x16xf32, #tpu.memory_space<hbm>>) target(%arg13 : memref<128x16xf32, #tpu.memory_space<vmem>>) offsets(%arg11 : memref<128xi32, #tpu.memory_space<vmem>>) semaphore(%run_scoped3A : memref<!tpu.dma_semaphore, #tpu.memory_space<semaphore_mem>>)
        %dma_wait3A = arith.constant 0 : i32
        %dma_wait3A_30 = arith.constant 0 : i32
        %dma_wait3A_31 = tpu.memref_slice %arg5[%dma_wait3A, %dma_wait3A_30] : memref<10112x16xf32, #tpu.memory_space<hbm>> -> memref<10112x16xf32, #tpu.memory_space<hbm>>
        tpu.wait_indirect_dma semaphore(%run_scoped3A : memref<!tpu.dma_semaphore, #tpu.memory_space<semaphore_mem>>) src(%dma_wait3A_31 : memref<10112x16xf32, #tpu.memory_space<hbm>>) dst(%arg13 : memref<128x16xf32, #tpu.memory_space<vmem>>)
        tpu.yield
      }) : () -> ()
      %get3A = arith.constant 0 : index
      %get3A_20 = tpu.vector_load %arg15[%get3A] {strides = array<i32>} : memref<16xf32, #tpu.memory_space<vmem>>, vector<16xf32>,
      %get3A_21 = vector.shape_cast %get3A_20 : vector<16xf32> to vector<16xf32>
      %scan3A_22 = arith.constant 0 : i32
      %scan3A_23 = arith.constant 0 : i32
      %scan3A_24 = arith.constant 128 : i32
      %scan3A_25 = arith.addi %scan3A_23, %scan3A_24 : i32
      %scan3A_26 = arith.constant 1 : i32
      scf.for %scan3A_28 = %scan3A_23 to %scan3A_25 step %scan3A_26  : i32 {
        %get3A_29 = arith.index_cast %scan3A_28 : i32 to index
        %get3A_30 = arith.constant 0 : index
        %get3A_31 = tpu.vector_load %arg12[%get3A_29, %get3A_30] {strides = array<i32>} : memref<128x16xf32, #tpu.memory_space<vmem>>, vector<1x16xf32>,
        %get3A_32 = vector.shape_cast %get3A_31 : vector<1x16xf32> to vector<16xf32>
        %get3A_33 = arith.index_cast %scan3A_28 : i32 to index
        %get3A_34 = arith.constant 0 : index
        %get3A_35 = tpu.vector_load %arg13[%get3A_33, %get3A_34] {strides = array<i32>} : memref<128x16xf32, #tpu.memory_space<vmem>>, vector<1x16xf32>,
        %get3A_36 = vector.shape_cast %get3A_35 : vector<1x16xf32> to vector<16xf32>
        %add3A_37 = arith.addf %get3A_32, %get3A_36 : vector<16xf32>
        %mul3A_38 = arith.constant 2.000000e-01 : f32
        %mul3A_39 = vector.broadcast %mul3A_38 : f32 to vector<16xf32>
        %mul3A_40 = arith.mulf %mul3A_39, %add3A_37 : vector<16xf32>
        %max3A = arith.maximumf %add3A_37, %mul3A_40 : vector<16xf32>
        %sub3A = arith.subf %max3A, %get3A_21 : vector<16xf32>
        %exp3A = math.exp %sub3A : vector<16xf32>
        %swap3A = arith.index_cast %scan3A_28 : i32 to index
        %swap3A_41 = arith.constant 0 : index
        %swap3A_42 = tpu.vector_load %arg14[%swap3A, %swap3A_41] {strides = array<i32>} : memref<128x16xf32, #tpu.memory_space<vmem>>, vector<1x16xf32>,
        %swap3A_43 = vector.shape_cast %swap3A_42 : vector<1x16xf32> to vector<16xf32>
        %swap3A_44 = vector.shape_cast %exp3A : vector<16xf32> to vector<1x16xf32>
        tpu.vector_store %arg14[%swap3A, %swap3A_41], %swap3A_44 {strides = array<i32>} : memref<128x16xf32, #tpu.memory_space<vmem>>, vector<1x16xf32>,
      }
      %scan3A_27 = arith.constant 128 : i32
      "tpu.region"() ({
        %run_scoped3A = tpu.sem_alloc : memref<!tpu.dma_semaphore, #tpu.memory_space<semaphore_mem>>
        %dma_start3A = arith.constant 0 : i32
        %dma_start3A_28 = tpu.memref_slice %arg8[%add3A_19, %dma_start3A] : memref<331776x16xf32, #tpu.memory_space<hbm>> -> memref<128x16xf32, #tpu.memory_space<hbm>>
        %dma_start3A_29 = arith.constant 0 : i32
        %dma_start3A_30 = tpu.memref_slice %arg8[%add3A_19, %dma_start3A_29] : memref<331776x16xf32, #tpu.memory_space<hbm>> -> memref<128x16xf32, #tpu.memory_space<hbm>>
        tpu.enqueue_dma source(%arg14 : memref<128x16xf32, #tpu.memory_space<vmem>>) target(%dma_start3A_30 : memref<128x16xf32, #tpu.memory_space<hbm>>) target_semaphore(%run_scoped3A : memref<!tpu.dma_semaphore, #tpu.memory_space<semaphore_mem>>)
        %dma_wait3A = arith.constant 0 : i32
        %dma_wait3A_31 = tpu.memref_slice %arg8[%add3A_19, %dma_wait3A] : memref<331776x16xf32, #tpu.memory_space<hbm>> -> memref<128x16xf32, #tpu.memory_space<hbm>>
        %dma_wait3A_32 = arith.constant 0 : i32
        %dma_wait3A_33 = tpu.memref_slice %arg8[%add3A_19, %dma_wait3A_32] : memref<331776x16xf32, #tpu.memory_space<hbm>> -> memref<128x16xf32, #tpu.memory_space<hbm>>
        tpu.wait_dma2 semaphore(%run_scoped3A : memref<!tpu.dma_semaphore, #tpu.memory_space<semaphore_mem>>) src(%arg14 : memref<128x16xf32, #tpu.memory_space<vmem>>) dst(%dma_wait3A_33 : memref<128x16xf32, #tpu.memory_space<hbm>>)
        tpu.yield
      }) : () -> ()
      "tpu.region"() ({
        %run_scoped3A = tpu.sem_alloc : memref<!tpu.dma_semaphore, #tpu.memory_space<semaphore_mem>>
        %dma_start3A = arith.constant 0 : i32
        %dma_start3A_28 = arith.constant 0 : i32
        %dma_start3A_29 = tpu.memref_slice %arg16[%dma_start3A, %dma_start3A_28] : memref<10112x16xf32, #tpu.memory_space<vmem_shared>> -> memref<10112x16xf32, #tpu.memory_space<vmem_shared>>
        tpu.enqueue_indirect_dma source(%arg14 : memref<128x16xf32, #tpu.memory_space<vmem>>) target(%dma_start3A_29 : memref<10112x16xf32, #tpu.memory_space<vmem_shared>>) offsets(%arg11 : memref<128xi32, #tpu.memory_space<vmem>>) semaphore(%run_scoped3A : memref<!tpu.dma_semaphore, #tpu.memory_space<semaphore_mem>>) {add = true}
        %dma_wait3A = arith.constant 0 : i32
        %dma_wait3A_30 = arith.constant 0 : i32
        %dma_wait3A_31 = tpu.memref_slice %arg16[%dma_wait3A, %dma_wait3A_30] : memref<10112x16xf32, #tpu.memory_space<vmem_shared>> -> memref<10112x16xf32, #tpu.memory_space<vmem_shared>>
        tpu.wait_indirect_dma semaphore(%run_scoped3A : memref<!tpu.dma_semaphore, #tpu.memory_space<semaphore_mem>>) src(%arg14 : memref<128x16xf32, #tpu.memory_space<vmem>>) dst(%dma_wait3A_31 : memref<10112x16xf32, #tpu.memory_space<vmem_shared>>)
        tpu.yield
      }) : () -> ()
    }
    %scan3A_9 = arith.constant 81 : i32
    %barrier3A_10 = arith.constant 0 : index
    tpu.barrier barrier_id(%barrier3A_10)
    %eq3A_11 = arith.constant 0 : i32
    %eq3A_12 = arith.cmpi eq, %arg1, %eq3A_11 : i32
    %convert_element_type3A_13 = arith.extui %eq3A_12 : i1 to i32
    %cond3A_14 = arith.constant 0 : i32
    %cond3A_15 = arith.cmpi ne, %convert_element_type3A_13, %cond3A_14 : i32
    scf.if %cond3A_15 {
      "tpu.region"() ({
        %run_scoped3A = tpu.sem_alloc : memref<!tpu.dma_semaphore, #tpu.memory_space<semaphore_mem>>
        %dma_start3A = arith.constant 0 : i32
        %dma_start3A_16 = arith.constant 0 : i32
        %dma_start3A_17 = tpu.memref_slice %arg9[%arg0, %dma_start3A, %dma_start3A_16] : memref<2x10112x16xf32, #tpu.memory_space<hbm>> -> memref<1x10112x16xf32, #tpu.memory_space<hbm>>
        %dma_start3A_18 = tpu.memref_squeeze %dma_start3A_17 : memref<1x10112x16xf32, #tpu.memory_space<hbm>> -> memref<10112x16xf32, #tpu.memory_space<hbm>>
        tpu.enqueue_dma source(%arg16 : memref<10112x16xf32, #tpu.memory_space<vmem_shared>>) target(%dma_start3A_18 : memref<10112x16xf32, #tpu.memory_space<hbm>>) target_semaphore(%run_scoped3A : memref<!tpu.dma_semaphore, #tpu.memory_space<semaphore_mem>>)
        %dma_wait3A = arith.constant 0 : i32
        %dma_wait3A_19 = arith.constant 0 : i32
        %dma_wait3A_20 = tpu.memref_slice %arg9[%arg0, %dma_wait3A, %dma_wait3A_19] : memref<2x10112x16xf32, #tpu.memory_space<hbm>> -> memref<1x10112x16xf32, #tpu.memory_space<hbm>>
        %dma_wait3A_21 = tpu.memref_squeeze %dma_wait3A_20 : memref<1x10112x16xf32, #tpu.memory_space<hbm>> -> memref<10112x16xf32, #tpu.memory_space<hbm>>
        tpu.wait_dma2 semaphore(%run_scoped3A : memref<!tpu.dma_semaphore, #tpu.memory_space<semaphore_mem>>) src(%arg16 : memref<10112x16xf32, #tpu.memory_space<vmem_shared>>) dst(%dma_wait3A_21 : memref<10112x16xf32, #tpu.memory_space<hbm>>)
        tpu.yield
      }) : () -> ()
    } else {
    }
    return
  }
}

#map = affine_map<(d0, d1) -> (0)>
#map1 = affine_map<(d0, d1) -> (0, 0)>
#map2 = affine_map<(d0, d1) -> (0, 0, 0)>
module attributes {stable_mosaic.version = 14 : i64} {
  func.func @_sc_pass2(%arg0: i32, %arg1: i32, %arg2: memref<331776xi32, #tpu.memory_space<hbm>>, %arg3: memref<331776xi32, #tpu.memory_space<hbm>>, %arg4: memref<331776x16xf32, #tpu.memory_space<hbm>>, %arg5: memref<10112x16xf32, #tpu.memory_space<hbm>>, %arg6: memref<10112x16xf32, #tpu.memory_space<hbm>>, %arg7: memref<10112x128xf32, #tpu.memory_space<hbm>>, %arg8: memref<10112x128xf32, #tpu.memory_space<hbm>>, %arg9: memref<2x10112x128xf32, #tpu.memory_space<hbm>>, %arg10: memref<128xi32, #tpu.memory_space<vmem>>, %arg11: memref<128xi32, #tpu.memory_space<vmem>>, %arg12: memref<128x16xf32, #tpu.memory_space<vmem>>, %arg13: memref<128x16xf32, #tpu.memory_space<vmem>>, %arg14: memref<128x16xf32, #tpu.memory_space<vmem>>, %arg15: memref<128x16xf32, #tpu.memory_space<vmem>>, %arg16: memref<128x128xf32, #tpu.memory_space<vmem>>, %arg17: memref<128x128xf32, #tpu.memory_space<vmem>>, %arg18: memref<10112x128xf32, #tpu.memory_space<vmem_shared>>) attributes {dimension_semantics = [#tpu.dimension_semantics<core_parallel>, #tpu.dimension_semantics<subcore_parallel>], iteration_bounds = array<i64: 2, 16>, scalar_prefetch = 0 : i64, scratch_operands = 9 : i64, tpu.core_type = #tpu.core_type<sc_vector_subcore>, window_params = [{transform_indices = #map}, {transform_indices = #map}, {transform_indices = #map1}, {transform_indices = #map1}, {transform_indices = #map1}, {transform_indices = #map1}, {transform_indices = #map1}, {transform_indices = #map2}]} {
    %mul3A = arith.constant 2 : i32
    %mul3A_0 = arith.muli %arg1, %mul3A : i32
    %add3A = arith.addi %mul3A_0, %arg0 : i32
    %mul3A_1 = arith.constant 10368 : i32
    %mul3A_2 = arith.muli %add3A, %mul3A_1 : i32
    %eq3A = arith.constant 0 : i32
    %eq3A_3 = arith.cmpi eq, %arg1, %eq3A : i32
    %convert_element_type3A = arith.extui %eq3A_3 : i1 to i32
    %cond3A = arith.constant 0 : i32
    %cond3A_4 = arith.cmpi ne, %convert_element_type3A, %cond3A : i32
    scf.if %cond3A_4 {
      "tpu.region"() ({
        %run_scoped3A = tpu.sem_alloc : memref<!tpu.dma_semaphore, #tpu.memory_space<semaphore_mem>>
        tpu.enqueue_dma source(%arg8 : memref<10112x128xf32, #tpu.memory_space<hbm>>) target(%arg18 : memref<10112x128xf32, #tpu.memory_space<vmem_shared>>) target_semaphore(%run_scoped3A : memref<!tpu.dma_semaphore, #tpu.memory_space<semaphore_mem>>)
        tpu.wait_dma2 semaphore(%run_scoped3A : memref<!tpu.dma_semaphore, #tpu.memory_space<semaphore_mem>>) src(%arg8 : memref<10112x128xf32, #tpu.memory_space<hbm>>) dst(%arg18 : memref<10112x128xf32, #tpu.memory_space<vmem_shared>>)
        tpu.yield
      }) : () -> ()
    } else {
    }
    %barrier3A = arith.constant 0 : index
    tpu.barrier barrier_id(%barrier3A)
    %scan3A = arith.constant 0 : i32
    %scan3A_5 = arith.constant 0 : i32
    %scan3A_6 = arith.constant 81 : i32
    %scan3A_7 = arith.addi %scan3A_5, %scan3A_6 : i32
    %scan3A_8 = arith.constant 1 : i32
    scf.for %scan3A_16 = %scan3A_5 to %scan3A_7 step %scan3A_8  : i32 {
      %mul3A_17 = arith.constant 128 : i32
      %mul3A_18 = arith.muli %scan3A_16, %mul3A_17 : i32
      %add3A_19 = arith.addi %mul3A_2, %mul3A_18 : i32
      "tpu.region"() ({
        %run_scoped3A = tpu.sem_alloc : memref<!tpu.dma_semaphore, #tpu.memory_space<semaphore_mem>>
        %dma_start3A = tpu.memref_slice %arg2[%add3A_19] : memref<331776xi32, #tpu.memory_space<hbm>> -> memref<128xi32, #tpu.memory_space<hbm>>
        %dma_start3A_32 = tpu.memref_slice %arg2[%add3A_19] : memref<331776xi32, #tpu.memory_space<hbm>> -> memref<128xi32, #tpu.memory_space<hbm>>
        tpu.enqueue_dma source(%dma_start3A_32 : memref<128xi32, #tpu.memory_space<hbm>>) target(%arg10 : memref<128xi32, #tpu.memory_space<vmem>>) target_semaphore(%run_scoped3A : memref<!tpu.dma_semaphore, #tpu.memory_space<semaphore_mem>>)
        %dma_wait3A = tpu.memref_slice %arg2[%add3A_19] : memref<331776xi32, #tpu.memory_space<hbm>> -> memref<128xi32, #tpu.memory_space<hbm>>
        %dma_wait3A_33 = tpu.memref_slice %arg2[%add3A_19] : memref<331776xi32, #tpu.memory_space<hbm>> -> memref<128xi32, #tpu.memory_space<hbm>>
        tpu.wait_dma2 semaphore(%run_scoped3A : memref<!tpu.dma_semaphore, #tpu.memory_space<semaphore_mem>>) src(%dma_wait3A_33 : memref<128xi32, #tpu.memory_space<hbm>>) dst(%arg10 : memref<128xi32, #tpu.memory_space<vmem>>)
        tpu.yield
      }) : () -> ()
      "tpu.region"() ({
        %run_scoped3A = tpu.sem_alloc : memref<!tpu.dma_semaphore, #tpu.memory_space<semaphore_mem>>
        %dma_start3A = tpu.memref_slice %arg3[%add3A_19] : memref<331776xi32, #tpu.memory_space<hbm>> -> memref<128xi32, #tpu.memory_space<hbm>>
        %dma_start3A_32 = tpu.memref_slice %arg3[%add3A_19] : memref<331776xi32, #tpu.memory_space<hbm>> -> memref<128xi32, #tpu.memory_space<hbm>>
        tpu.enqueue_dma source(%dma_start3A_32 : memref<128xi32, #tpu.memory_space<hbm>>) target(%arg11 : memref<128xi32, #tpu.memory_space<vmem>>) target_semaphore(%run_scoped3A : memref<!tpu.dma_semaphore, #tpu.memory_space<semaphore_mem>>)
        %dma_wait3A = tpu.memref_slice %arg3[%add3A_19] : memref<331776xi32, #tpu.memory_space<hbm>> -> memref<128xi32, #tpu.memory_space<hbm>>
        %dma_wait3A_33 = tpu.memref_slice %arg3[%add3A_19] : memref<331776xi32, #tpu.memory_space<hbm>> -> memref<128xi32, #tpu.memory_space<hbm>>
        tpu.wait_dma2 semaphore(%run_scoped3A : memref<!tpu.dma_semaphore, #tpu.memory_space<semaphore_mem>>) src(%dma_wait3A_33 : memref<128xi32, #tpu.memory_space<hbm>>) dst(%arg11 : memref<128xi32, #tpu.memory_space<vmem>>)
        tpu.yield
      }) : () -> ()
      "tpu.region"() ({
        %run_scoped3A = tpu.sem_alloc : memref<!tpu.dma_semaphore, #tpu.memory_space<semaphore_mem>>
        %dma_start3A = arith.constant 0 : i32
        %dma_start3A_32 = tpu.memref_slice %arg4[%add3A_19, %dma_start3A] : memref<331776x16xf32, #tpu.memory_space<hbm>> -> memref<128x16xf32, #tpu.memory_space<hbm>>
        %dma_start3A_33 = arith.constant 0 : i32
        %dma_start3A_34 = tpu.memref_slice %arg4[%add3A_19, %dma_start3A_33] : memref<331776x16xf32, #tpu.memory_space<hbm>> -> memref<128x16xf32, #tpu.memory_space<hbm>>
        tpu.enqueue_dma source(%dma_start3A_34 : memref<128x16xf32, #tpu.memory_space<hbm>>) target(%arg12 : memref<128x16xf32, #tpu.memory_space<vmem>>) target_semaphore(%run_scoped3A : memref<!tpu.dma_semaphore, #tpu.memory_space<semaphore_mem>>)
        %dma_wait3A = arith.constant 0 : i32
        %dma_wait3A_35 = tpu.memref_slice %arg4[%add3A_19, %dma_wait3A] : memref<331776x16xf32, #tpu.memory_space<hbm>> -> memref<128x16xf32, #tpu.memory_space<hbm>>
        %dma_wait3A_36 = arith.constant 0 : i32
        %dma_wait3A_37 = tpu.memref_slice %arg4[%add3A_19, %dma_wait3A_36] : memref<331776x16xf32, #tpu.memory_space<hbm>> -> memref<128x16xf32, #tpu.memory_space<hbm>>
        tpu.wait_dma2 semaphore(%run_scoped3A : memref<!tpu.dma_semaphore, #tpu.memory_space<semaphore_mem>>) src(%dma_wait3A_37 : memref<128x16xf32, #tpu.memory_space<hbm>>) dst(%arg12 : memref<128x16xf32, #tpu.memory_space<vmem>>)
        tpu.yield
      }) : () -> ()
      "tpu.region"() ({
        %run_scoped3A = tpu.sem_alloc : memref<!tpu.dma_semaphore, #tpu.memory_space<semaphore_mem>>
        %dma_start3A = arith.constant 0 : i32
        %dma_start3A_32 = arith.constant 0 : i32
        %dma_start3A_33 = tpu.memref_slice %arg5[%dma_start3A, %dma_start3A_32] : memref<10112x16xf32, #tpu.memory_space<hbm>> -> memref<10112x16xf32, #tpu.memory_space<hbm>>
        tpu.enqueue_indirect_dma source(%dma_start3A_33 : memref<10112x16xf32, #tpu.memory_space<hbm>>) target(%arg13 : memref<128x16xf32, #tpu.memory_space<vmem>>) offsets(%arg11 : memref<128xi32, #tpu.memory_space<vmem>>) semaphore(%run_scoped3A : memref<!tpu.dma_semaphore, #tpu.memory_space<semaphore_mem>>)
        %dma_wait3A = arith.constant 0 : i32
        %dma_wait3A_34 = arith.constant 0 : i32
        %dma_wait3A_35 = tpu.memref_slice %arg5[%dma_wait3A, %dma_wait3A_34] : memref<10112x16xf32, #tpu.memory_space<hbm>> -> memref<10112x16xf32, #tpu.memory_space<hbm>>
        tpu.wait_indirect_dma semaphore(%run_scoped3A : memref<!tpu.dma_semaphore, #tpu.memory_space<semaphore_mem>>) src(%dma_wait3A_35 : memref<10112x16xf32, #tpu.memory_space<hbm>>) dst(%arg13 : memref<128x16xf32, #tpu.memory_space<vmem>>)
        tpu.yield
      }) : () -> ()
      "tpu.region"() ({
        %run_scoped3A = tpu.sem_alloc : memref<!tpu.dma_semaphore, #tpu.memory_space<semaphore_mem>>
        %dma_start3A = arith.constant 0 : i32
        %dma_start3A_32 = arith.constant 0 : i32
        %dma_start3A_33 = tpu.memref_slice %arg6[%dma_start3A, %dma_start3A_32] : memref<10112x16xf32, #tpu.memory_space<hbm>> -> memref<10112x16xf32, #tpu.memory_space<hbm>>
        tpu.enqueue_indirect_dma source(%dma_start3A_33 : memref<10112x16xf32, #tpu.memory_space<hbm>>) target(%arg14 : memref<128x16xf32, #tpu.memory_space<vmem>>) offsets(%arg11 : memref<128xi32, #tpu.memory_space<vmem>>) semaphore(%run_scoped3A : memref<!tpu.dma_semaphore, #tpu.memory_space<semaphore_mem>>)
        %dma_wait3A = arith.constant 0 : i32
        %dma_wait3A_34 = arith.constant 0 : i32
        %dma_wait3A_35 = tpu.memref_slice %arg6[%dma_wait3A, %dma_wait3A_34] : memref<10112x16xf32, #tpu.memory_space<hbm>> -> memref<10112x16xf32, #tpu.memory_space<hbm>>
        tpu.wait_indirect_dma semaphore(%run_scoped3A : memref<!tpu.dma_semaphore, #tpu.memory_space<semaphore_mem>>) src(%dma_wait3A_35 : memref<10112x16xf32, #tpu.memory_space<hbm>>) dst(%arg14 : memref<128x16xf32, #tpu.memory_space<vmem>>)
        tpu.yield
      }) : () -> ()
      "tpu.region"() ({
        %run_scoped3A = tpu.sem_alloc : memref<!tpu.dma_semaphore, #tpu.memory_space<semaphore_mem>>
        %dma_start3A = arith.constant 0 : i32
        %dma_start3A_32 = arith.constant 0 : i32
        %dma_start3A_33 = tpu.memref_slice %arg7[%dma_start3A, %dma_start3A_32] : memref<10112x128xf32, #tpu.memory_space<hbm>> -> memref<10112x128xf32, #tpu.memory_space<hbm>>
        tpu.enqueue_indirect_dma source(%dma_start3A_33 : memref<10112x128xf32, #tpu.memory_space<hbm>>) target(%arg16 : memref<128x128xf32, #tpu.memory_space<vmem>>) offsets(%arg10 : memref<128xi32, #tpu.memory_space<vmem>>) semaphore(%run_scoped3A : memref<!tpu.dma_semaphore, #tpu.memory_space<semaphore_mem>>)
        %dma_wait3A = arith.constant 0 : i32
        %dma_wait3A_34 = arith.constant 0 : i32
        %dma_wait3A_35 = tpu.memref_slice %arg7[%dma_wait3A, %dma_wait3A_34] : memref<10112x128xf32, #tpu.memory_space<hbm>> -> memref<10112x128xf32, #tpu.memory_space<hbm>>
        tpu.wait_indirect_dma semaphore(%run_scoped3A : memref<!tpu.dma_semaphore, #tpu.memory_space<semaphore_mem>>) src(%dma_wait3A_35 : memref<10112x128xf32, #tpu.memory_space<hbm>>) dst(%arg16 : memref<128x128xf32, #tpu.memory_space<vmem>>)
        tpu.yield
      }) : () -> ()
      %scan3A_20 = arith.constant 0 : i32
      %scan3A_21 = arith.constant 0 : i32
      %scan3A_22 = arith.constant 128 : i32
      %scan3A_23 = arith.addi %scan3A_21, %scan3A_22 : i32
      %scan3A_24 = arith.constant 1 : i32
      scf.for %scan3A_32 = %scan3A_21 to %scan3A_23 step %scan3A_24  : i32 {
        %get3A = arith.index_cast %scan3A_32 : i32 to index
        %get3A_33 = arith.constant 0 : index
        %get3A_34 = tpu.vector_load %arg12[%get3A, %get3A_33] {strides = array<i32>} : memref<128x16xf32, #tpu.memory_space<vmem>>, vector<1x16xf32>,
        %get3A_35 = vector.shape_cast %get3A_34 : vector<1x16xf32> to vector<16xf32>
        %get3A_36 = arith.index_cast %scan3A_32 : i32 to index
        %get3A_37 = arith.constant 0 : index
        %get3A_38 = tpu.vector_load %arg13[%get3A_36, %get3A_37] {strides = array<i32>} : memref<128x16xf32, #tpu.memory_space<vmem>>, vector<1x16xf32>,
        %get3A_39 = vector.shape_cast %get3A_38 : vector<1x16xf32> to vector<16xf32>
        %get3A_40 = arith.index_cast %scan3A_32 : i32 to index
        %get3A_41 = arith.constant 0 : index
        %get3A_42 = tpu.vector_load %arg14[%get3A_40, %get3A_41] {strides = array<i32>} : memref<128x16xf32, #tpu.memory_space<vmem>>, vector<1x16xf32>,
        %get3A_43 = vector.shape_cast %get3A_42 : vector<1x16xf32> to vector<16xf32>
        %add3A_44 = arith.addf %get3A_39, %get3A_43 : vector<16xf32>
        %add3A_45 = arith.constant 1.000000e-16 : f32
        %add3A_46 = vector.broadcast %add3A_45 : f32 to vector<16xf32>
        %add3A_47 = arith.addf %add3A_44, %add3A_46 : vector<16xf32>
        %div3A = arith.divf %get3A_35, %add3A_47 : vector<16xf32>
        %swap3A = arith.index_cast %scan3A_32 : i32 to index
        %swap3A_48 = arith.constant 0 : index
        %swap3A_49 = tpu.vector_load %arg15[%swap3A, %swap3A_48] {strides = array<i32>} : memref<128x16xf32, #tpu.memory_space<vmem>>, vector<1x16xf32>,
        %swap3A_50 = vector.shape_cast %swap3A_49 : vector<1x16xf32> to vector<16xf32>
        %swap3A_51 = vector.shape_cast %div3A : vector<16xf32> to vector<1x16xf32>
        tpu.vector_store %arg15[%swap3A, %swap3A_48], %swap3A_51 {strides = array<i32>} : memref<128x16xf32, #tpu.memory_space<vmem>>, vector<1x16xf32>,
      }
      %scan3A_25 = arith.constant 128 : i32
      %scan3A_26 = arith.constant 0 : i32
      %scan3A_27 = arith.constant 0 : i32
      %scan3A_28 = arith.constant 128 : i32
      %scan3A_29 = arith.addi %scan3A_27, %scan3A_28 : i32
      %scan3A_30 = arith.constant 1 : i32
      scf.for %scan3A_32 = %scan3A_27 to %scan3A_29 step %scan3A_30  : i32 {
        %get3A = arith.index_cast %scan3A_32 : i32 to index
        %get3A_33 = arith.constant 0 : index
        %get3A_34 = tpu.vector_load %arg15[%get3A, %get3A_33] {strides = array<i32>} : memref<128x16xf32, #tpu.memory_space<vmem>>, vector<1x16xf32>,
        %get3A_35 = vector.shape_cast %get3A_34 : vector<1x16xf32> to vector<16xf32>
        %slice3A = vector.extract_strided_slice %get3A_35 {offsets = [0], sizes = [1], strides = [1]} : vector<16xf32> to vector<1xf32>
        %squeeze3A = vector.extract %slice3A[0] : f32 from vector<1xf32>
        %slice3A_36 = vector.extract_strided_slice %get3A_35 {offsets = [1], sizes = [1], strides = [1]} : vector<16xf32> to vector<1xf32>
        %squeeze3A_37 = vector.extract %slice3A_36[0] : f32 from vector<1xf32>
        %get3A_38 = arith.index_cast %scan3A_32 : i32 to index
        %get3A_39 = arith.constant 0 : index
        %get3A_40 = tpu.vector_load %arg16[%get3A_38, %get3A_39] {strides = array<i32>} : memref<128x128xf32, #tpu.memory_space<vmem>>, vector<1x16xf32>,
        %get3A_41 = vector.shape_cast %get3A_40 : vector<1x16xf32> to vector<16xf32>
        %mul3A_42 = vector.broadcast %squeeze3A : f32 to vector<16xf32>
        %mul3A_43 = arith.mulf %get3A_41, %mul3A_42 : vector<16xf32>
        %swap3A = arith.index_cast %scan3A_32 : i32 to index
        %swap3A_44 = arith.constant 0 : index
        %swap3A_45 = tpu.vector_load %arg17[%swap3A, %swap3A_44] {strides = array<i32>} : memref<128x128xf32, #tpu.memory_space<vmem>>, vector<1x16xf32>,
        %swap3A_46 = vector.shape_cast %swap3A_45 : vector<1x16xf32> to vector<16xf32>
        %swap3A_47 = vector.shape_cast %mul3A_43 : vector<16xf32> to vector<1x16xf32>
        tpu.vector_store %arg17[%swap3A, %swap3A_44], %swap3A_47 {strides = array<i32>} : memref<128x128xf32, #tpu.memory_space<vmem>>, vector<1x16xf32>,
        %get3A_48 = arith.index_cast %scan3A_32 : i32 to index
        %get3A_49 = arith.constant 16 : index
        %get3A_50 = tpu.vector_load %arg16[%get3A_48, %get3A_49] {strides = array<i32>} : memref<128x128xf32, #tpu.memory_space<vmem>>, vector<1x16xf32>,
        %get3A_51 = vector.shape_cast %get3A_50 : vector<1x16xf32> to vector<16xf32>
        %mul3A_52 = vector.broadcast %squeeze3A : f32 to vector<16xf32>
        %mul3A_53 = arith.mulf %get3A_51, %mul3A_52 : vector<16xf32>
        %swap3A_54 = arith.index_cast %scan3A_32 : i32 to index
        %swap3A_55 = arith.constant 16 : index
        %swap3A_56 = tpu.vector_load %arg17[%swap3A_54, %swap3A_55] {strides = array<i32>} : memref<128x128xf32, #tpu.memory_space<vmem>>, vector<1x16xf32>,
        %swap3A_57 = vector.shape_cast %swap3A_56 : vector<1x16xf32> to vector<16xf32>
        %swap3A_58 = vector.shape_cast %mul3A_53 : vector<16xf32> to vector<1x16xf32>
        tpu.vector_store %arg17[%swap3A_54, %swap3A_55], %swap3A_58 {strides = array<i32>} : memref<128x128xf32, #tpu.memory_space<vmem>>, vector<1x16xf32>,
        %get3A_59 = arith.index_cast %scan3A_32 : i32 to index
        %get3A_60 = arith.constant 32 : index
        %get3A_61 = tpu.vector_load %arg16[%get3A_59, %get3A_60] {strides = array<i32>} : memref<128x128xf32, #tpu.memory_space<vmem>>, vector<1x16xf32>,
        %get3A_62 = vector.shape_cast %get3A_61 : vector<1x16xf32> to vector<16xf32>
        %mul3A_63 = vector.broadcast %squeeze3A : f32 to vector<16xf32>
        %mul3A_64 = arith.mulf %get3A_62, %mul3A_63 : vector<16xf32>
        %swap3A_65 = arith.index_cast %scan3A_32 : i32 to index
        %swap3A_66 = arith.constant 32 : index
        %swap3A_67 = tpu.vector_load %arg17[%swap3A_65, %swap3A_66] {strides = array<i32>} : memref<128x128xf32, #tpu.memory_space<vmem>>, vector<1x16xf32>,
        %swap3A_68 = vector.shape_cast %swap3A_67 : vector<1x16xf32> to vector<16xf32>
        %swap3A_69 = vector.shape_cast %mul3A_64 : vector<16xf32> to vector<1x16xf32>
        tpu.vector_store %arg17[%swap3A_65, %swap3A_66], %swap3A_69 {strides = array<i32>} : memref<128x128xf32, #tpu.memory_space<vmem>>, vector<1x16xf32>,
        %get3A_70 = arith.index_cast %scan3A_32 : i32 to index
        %get3A_71 = arith.constant 48 : index
        %get3A_72 = tpu.vector_load %arg16[%get3A_70, %get3A_71] {strides = array<i32>} : memref<128x128xf32, #tpu.memory_space<vmem>>, vector<1x16xf32>,
        %get3A_73 = vector.shape_cast %get3A_72 : vector<1x16xf32> to vector<16xf32>
        %mul3A_74 = vector.broadcast %squeeze3A : f32 to vector<16xf32>
        %mul3A_75 = arith.mulf %get3A_73, %mul3A_74 : vector<16xf32>
        %swap3A_76 = arith.index_cast %scan3A_32 : i32 to index
        %swap3A_77 = arith.constant 48 : index
        %swap3A_78 = tpu.vector_load %arg17[%swap3A_76, %swap3A_77] {strides = array<i32>} : memref<128x128xf32, #tpu.memory_space<vmem>>, vector<1x16xf32>,
        %swap3A_79 = vector.shape_cast %swap3A_78 : vector<1x16xf32> to vector<16xf32>
        %swap3A_80 = vector.shape_cast %mul3A_75 : vector<16xf32> to vector<1x16xf32>
        tpu.vector_store %arg17[%swap3A_76, %swap3A_77], %swap3A_80 {strides = array<i32>} : memref<128x128xf32, #tpu.memory_space<vmem>>, vector<1x16xf32>,
        %get3A_81 = arith.index_cast %scan3A_32 : i32 to index
        %get3A_82 = arith.constant 64 : index
        %get3A_83 = tpu.vector_load %arg16[%get3A_81, %get3A_82] {strides = array<i32>} : memref<128x128xf32, #tpu.memory_space<vmem>>, vector<1x16xf32>,
        %get3A_84 = vector.shape_cast %get3A_83 : vector<1x16xf32> to vector<16xf32>
        %mul3A_85 = vector.broadcast %squeeze3A_37 : f32 to vector<16xf32>
        %mul3A_86 = arith.mulf %get3A_84, %mul3A_85 : vector<16xf32>
        %swap3A_87 = arith.index_cast %scan3A_32 : i32 to index
        %swap3A_88 = arith.constant 64 : index
        %swap3A_89 = tpu.vector_load %arg17[%swap3A_87, %swap3A_88] {strides = array<i32>} : memref<128x128xf32, #tpu.memory_space<vmem>>, vector<1x16xf32>,
        %swap3A_90 = vector.shape_cast %swap3A_89 : vector<1x16xf32> to vector<16xf32>
        %swap3A_91 = vector.shape_cast %mul3A_86 : vector<16xf32> to vector<1x16xf32>
        tpu.vector_store %arg17[%swap3A_87, %swap3A_88], %swap3A_91 {strides = array<i32>} : memref<128x128xf32, #tpu.memory_space<vmem>>, vector<1x16xf32>,
        %get3A_92 = arith.index_cast %scan3A_32 : i32 to index
        %get3A_93 = arith.constant 80 : index
        %get3A_94 = tpu.vector_load %arg16[%get3A_92, %get3A_93] {strides = array<i32>} : memref<128x128xf32, #tpu.memory_space<vmem>>, vector<1x16xf32>,
        %get3A_95 = vector.shape_cast %get3A_94 : vector<1x16xf32> to vector<16xf32>
        %mul3A_96 = vector.broadcast %squeeze3A_37 : f32 to vector<16xf32>
        %mul3A_97 = arith.mulf %get3A_95, %mul3A_96 : vector<16xf32>
        %swap3A_98 = arith.index_cast %scan3A_32 : i32 to index
        %swap3A_99 = arith.constant 80 : index
        %swap3A_100 = tpu.vector_load %arg17[%swap3A_98, %swap3A_99] {strides = array<i32>} : memref<128x128xf32, #tpu.memory_space<vmem>>, vector<1x16xf32>,
        %swap3A_101 = vector.shape_cast %swap3A_100 : vector<1x16xf32> to vector<16xf32>
        %swap3A_102 = vector.shape_cast %mul3A_97 : vector<16xf32> to vector<1x16xf32>
        tpu.vector_store %arg17[%swap3A_98, %swap3A_99], %swap3A_102 {strides = array<i32>} : memref<128x128xf32, #tpu.memory_space<vmem>>, vector<1x16xf32>,
        %get3A_103 = arith.index_cast %scan3A_32 : i32 to index
        %get3A_104 = arith.constant 96 : index
        %get3A_105 = tpu.vector_load %arg16[%get3A_103, %get3A_104] {strides = array<i32>} : memref<128x128xf32, #tpu.memory_space<vmem>>, vector<1x16xf32>,
        %get3A_106 = vector.shape_cast %get3A_105 : vector<1x16xf32> to vector<16xf32>
        %mul3A_107 = vector.broadcast %squeeze3A_37 : f32 to vector<16xf32>
        %mul3A_108 = arith.mulf %get3A_106, %mul3A_107 : vector<16xf32>
        %swap3A_109 = arith.index_cast %scan3A_32 : i32 to index
        %swap3A_110 = arith.constant 96 : index
        %swap3A_111 = tpu.vector_load %arg17[%swap3A_109, %swap3A_110] {strides = array<i32>} : memref<128x128xf32, #tpu.memory_space<vmem>>, vector<1x16xf32>,
        %swap3A_112 = vector.shape_cast %swap3A_111 : vector<1x16xf32> to vector<16xf32>
        %swap3A_113 = vector.shape_cast %mul3A_108 : vector<16xf32> to vector<1x16xf32>
        tpu.vector_store %arg17[%swap3A_109, %swap3A_110], %swap3A_113 {strides = array<i32>} : memref<128x128xf32, #tpu.memory_space<vmem>>, vector<1x16xf32>,
        %get3A_114 = arith.index_cast %scan3A_32 : i32 to index
        %get3A_115 = arith.constant 112 : index
        %get3A_116 = tpu.vector_load %arg16[%get3A_114, %get3A_115] {strides = array<i32>} : memref<128x128xf32, #tpu.memory_space<vmem>>, vector<1x16xf32>,
        %get3A_117 = vector.shape_cast %get3A_116 : vector<1x16xf32> to vector<16xf32>
        %mul3A_118 = vector.broadcast %squeeze3A_37 : f32 to vector<16xf32>
        %mul3A_119 = arith.mulf %get3A_117, %mul3A_118 : vector<16xf32>
        %swap3A_120 = arith.index_cast %scan3A_32 : i32 to index
        %swap3A_121 = arith.constant 112 : index
        %swap3A_122 = tpu.vector_load %arg17[%swap3A_120, %swap3A_121] {strides = array<i32>} : memref<128x128xf32, #tpu.memory_space<vmem>>, vector<1x16xf32>,
        %swap3A_123 = vector.shape_cast %swap3A_122 : vector<1x16xf32> to vector<16xf32>
        %swap3A_124 = vector.shape_cast %mul3A_119 : vector<16xf32> to vector<1x16xf32>
        tpu.vector_store %arg17[%swap3A_120, %swap3A_121], %swap3A_124 {strides = array<i32>} : memref<128x128xf32, #tpu.memory_space<vmem>>, vector<1x16xf32>,
      }
      %scan3A_31 = arith.constant 128 : i32
      "tpu.region"() ({
        %run_scoped3A = tpu.sem_alloc : memref<!tpu.dma_semaphore, #tpu.memory_space<semaphore_mem>>
        %dma_start3A = arith.constant 0 : i32
        %dma_start3A_32 = arith.constant 0 : i32
        %dma_start3A_33 = tpu.memref_slice %arg18[%dma_start3A, %dma_start3A_32] : memref<10112x128xf32, #tpu.memory_space<vmem_shared>> -> memref<10112x128xf32, #tpu.memory_space<vmem_shared>>
        tpu.enqueue_indirect_dma source(%arg17 : memref<128x128xf32, #tpu.memory_space<vmem>>) target(%dma_start3A_33 : memref<10112x128xf32, #tpu.memory_space<vmem_shared>>) offsets(%arg11 : memref<128xi32, #tpu.memory_space<vmem>>) semaphore(%run_scoped3A : memref<!tpu.dma_semaphore, #tpu.memory_space<semaphore_mem>>) {add = true}
        %dma_wait3A = arith.constant 0 : i32
        %dma_wait3A_34 = arith.constant 0 : i32
        %dma_wait3A_35 = tpu.memref_slice %arg18[%dma_wait3A, %dma_wait3A_34] : memref<10112x128xf32, #tpu.memory_space<vmem_shared>> -> memref<10112x128xf32, #tpu.memory_space<vmem_shared>>
        tpu.wait_indirect_dma semaphore(%run_scoped3A : memref<!tpu.dma_semaphore, #tpu.memory_space<semaphore_mem>>) src(%arg17 : memref<128x128xf32, #tpu.memory_space<vmem>>) dst(%dma_wait3A_35 : memref<10112x128xf32, #tpu.memory_space<vmem_shared>>)
        tpu.yield
      }) : () -> ()
    }
    %scan3A_9 = arith.constant 81 : i32
    %barrier3A_10 = arith.constant 0 : index
    tpu.barrier barrier_id(%barrier3A_10)
    %eq3A_11 = arith.constant 0 : i32
    %eq3A_12 = arith.cmpi eq, %arg1, %eq3A_11 : i32
    %convert_element_type3A_13 = arith.extui %eq3A_12 : i1 to i32
    %cond3A_14 = arith.constant 0 : i32
    %cond3A_15 = arith.cmpi ne, %convert_element_type3A_13, %cond3A_14 : i32
    scf.if %cond3A_15 {
      "tpu.region"() ({
        %run_scoped3A = tpu.sem_alloc : memref<!tpu.dma_semaphore, #tpu.memory_space<semaphore_mem>>
        %dma_start3A = arith.constant 0 : i32
        %dma_start3A_16 = arith.constant 0 : i32
        %dma_start3A_17 = tpu.memref_slice %arg9[%arg0, %dma_start3A, %dma_start3A_16] : memref<2x10112x128xf32, #tpu.memory_space<hbm>> -> memref<1x10112x128xf32, #tpu.memory_space<hbm>>
        %dma_start3A_18 = tpu.memref_squeeze %dma_start3A_17 : memref<1x10112x128xf32, #tpu.memory_space<hbm>> -> memref<10112x128xf32, #tpu.memory_space<hbm>>
        tpu.enqueue_dma source(%arg18 : memref<10112x128xf32, #tpu.memory_space<vmem_shared>>) target(%dma_start3A_18 : memref<10112x128xf32, #tpu.memory_space<hbm>>) target_semaphore(%run_scoped3A : memref<!tpu.dma_semaphore, #tpu.memory_space<semaphore_mem>>)
        %dma_wait3A = arith.constant 0 : i32
        %dma_wait3A_19 = arith.constant 0 : i32
        %dma_wait3A_20 = tpu.memref_slice %arg9[%arg0, %dma_wait3A, %dma_wait3A_19] : memref<2x10112x128xf32, #tpu.memory_space<hbm>> -> memref<1x10112x128xf32, #tpu.memory_space<hbm>>
        %dma_wait3A_21 = tpu.memref_squeeze %dma_wait3A_20 : memref<1x10112x128xf32, #tpu.memory_space<hbm>> -> memref<10112x128xf32, #tpu.memory_space<hbm>>
        tpu.wait_dma2 semaphore(%run_scoped3A : memref<!tpu.dma_semaphore, #tpu.memory_space<semaphore_mem>>) src(%arg18 : memref<10112x128xf32, #tpu.memory_space<vmem_shared>>) dst(%dma_wait3A_21 : memref<10112x128xf32, #tpu.memory_space<hbm>>)
        tpu.yield
      }) : () -> ()
    } else {
    }
    return
  }
}

#map = affine_map<(d0, d1) -> (0)>
#map1 = affine_map<(d0, d1) -> (0, 0)>
#map2 = affine_map<(d0, d1) -> (0, 0, 0)>
module attributes {stable_mosaic.version = 14 : i64} {
  func.func @_sc_pass2(%arg0: i32, %arg1: i32, %arg2: memref<331776xi32, #tpu.memory_space<hbm>>, %arg3: memref<331776xi32, #tpu.memory_space<hbm>>, %arg4: memref<331776x16xf32, #tpu.memory_space<hbm>>, %arg5: memref<10112x16xf32, #tpu.memory_space<hbm>>, %arg6: memref<10112x16xf32, #tpu.memory_space<hbm>>, %arg7: memref<10112x128xf32, #tpu.memory_space<hbm>>, %arg8: memref<10112x128xf32, #tpu.memory_space<hbm>>, %arg9: memref<2x10112x128xf32, #tpu.memory_space<hbm>>, %arg10: memref<128xi32, #tpu.memory_space<vmem>>, %arg11: memref<128xi32, #tpu.memory_space<vmem>>, %arg12: memref<128x16xf32, #tpu.memory_space<vmem>>, %arg13: memref<128x16xf32, #tpu.memory_space<vmem>>, %arg14: memref<128x16xf32, #tpu.memory_space<vmem>>, %arg15: memref<128x16xf32, #tpu.memory_space<vmem>>, %arg16: memref<128x128xf32, #tpu.memory_space<vmem>>, %arg17: memref<128x128xf32, #tpu.memory_space<vmem>>, %arg18: memref<10112x128xf32, #tpu.memory_space<vmem_shared>>) attributes {dimension_semantics = [#tpu.dimension_semantics<core_parallel>, #tpu.dimension_semantics<subcore_parallel>], iteration_bounds = array<i64: 2, 16>, scalar_prefetch = 0 : i64, scratch_operands = 9 : i64, tpu.core_type = #tpu.core_type<sc_vector_subcore>, window_params = [{transform_indices = #map}, {transform_indices = #map}, {transform_indices = #map1}, {transform_indices = #map1}, {transform_indices = #map1}, {transform_indices = #map1}, {transform_indices = #map1}, {transform_indices = #map2}]} {
    %mul3A = arith.constant 2 : i32
    %mul3A_0 = arith.muli %arg1, %mul3A : i32
    %add3A = arith.addi %mul3A_0, %arg0 : i32
    %mul3A_1 = arith.constant 10368 : i32
    %mul3A_2 = arith.muli %add3A, %mul3A_1 : i32
    %eq3A = arith.constant 0 : i32
    %eq3A_3 = arith.cmpi eq, %arg1, %eq3A : i32
    %convert_element_type3A = arith.extui %eq3A_3 : i1 to i32
    %cond3A = arith.constant 0 : i32
    %cond3A_4 = arith.cmpi ne, %convert_element_type3A, %cond3A : i32
    scf.if %cond3A_4 {
      "tpu.region"() ({
        %run_scoped3A = tpu.sem_alloc : memref<!tpu.dma_semaphore, #tpu.memory_space<semaphore_mem>>
        tpu.enqueue_dma source(%arg8 : memref<10112x128xf32, #tpu.memory_space<hbm>>) target(%arg18 : memref<10112x128xf32, #tpu.memory_space<vmem_shared>>) target_semaphore(%run_scoped3A : memref<!tpu.dma_semaphore, #tpu.memory_space<semaphore_mem>>)
        tpu.wait_dma2 semaphore(%run_scoped3A : memref<!tpu.dma_semaphore, #tpu.memory_space<semaphore_mem>>) src(%arg8 : memref<10112x128xf32, #tpu.memory_space<hbm>>) dst(%arg18 : memref<10112x128xf32, #tpu.memory_space<vmem_shared>>)
        tpu.yield
      }) : () -> ()
    } else {
    }
    %barrier3A = arith.constant 0 : index
    tpu.barrier barrier_id(%barrier3A)
    %scan3A = arith.constant 0 : i32
    %scan3A_5 = arith.constant 0 : i32
    %scan3A_6 = arith.constant 81 : i32
    %scan3A_7 = arith.addi %scan3A_5, %scan3A_6 : i32
    %scan3A_8 = arith.constant 1 : i32
    scf.for %scan3A_16 = %scan3A_5 to %scan3A_7 step %scan3A_8  : i32 {
      %mul3A_17 = arith.constant 128 : i32
      %mul3A_18 = arith.muli %scan3A_16, %mul3A_17 : i32
      %add3A_19 = arith.addi %mul3A_2, %mul3A_18 : i32
      "tpu.region"() ({
        %run_scoped3A = tpu.sem_alloc : memref<!tpu.dma_semaphore, #tpu.memory_space<semaphore_mem>>
        %dma_start3A = tpu.memref_slice %arg2[%add3A_19] : memref<331776xi32, #tpu.memory_space<hbm>> -> memref<128xi32, #tpu.memory_space<hbm>>
        %dma_start3A_32 = tpu.memref_slice %arg2[%add3A_19] : memref<331776xi32, #tpu.memory_space<hbm>> -> memref<128xi32, #tpu.memory_space<hbm>>
        tpu.enqueue_dma source(%dma_start3A_32 : memref<128xi32, #tpu.memory_space<hbm>>) target(%arg10 : memref<128xi32, #tpu.memory_space<vmem>>) target_semaphore(%run_scoped3A : memref<!tpu.dma_semaphore, #tpu.memory_space<semaphore_mem>>)
        %dma_wait3A = tpu.memref_slice %arg2[%add3A_19] : memref<331776xi32, #tpu.memory_space<hbm>> -> memref<128xi32, #tpu.memory_space<hbm>>
        %dma_wait3A_33 = tpu.memref_slice %arg2[%add3A_19] : memref<331776xi32, #tpu.memory_space<hbm>> -> memref<128xi32, #tpu.memory_space<hbm>>
        tpu.wait_dma2 semaphore(%run_scoped3A : memref<!tpu.dma_semaphore, #tpu.memory_space<semaphore_mem>>) src(%dma_wait3A_33 : memref<128xi32, #tpu.memory_space<hbm>>) dst(%arg10 : memref<128xi32, #tpu.memory_space<vmem>>)
        tpu.yield
      }) : () -> ()
      "tpu.region"() ({
        %run_scoped3A = tpu.sem_alloc : memref<!tpu.dma_semaphore, #tpu.memory_space<semaphore_mem>>
        %dma_start3A = tpu.memref_slice %arg3[%add3A_19] : memref<331776xi32, #tpu.memory_space<hbm>> -> memref<128xi32, #tpu.memory_space<hbm>>
        %dma_start3A_32 = tpu.memref_slice %arg3[%add3A_19] : memref<331776xi32, #tpu.memory_space<hbm>> -> memref<128xi32, #tpu.memory_space<hbm>>
        tpu.enqueue_dma source(%dma_start3A_32 : memref<128xi32, #tpu.memory_space<hbm>>) target(%arg11 : memref<128xi32, #tpu.memory_space<vmem>>) target_semaphore(%run_scoped3A : memref<!tpu.dma_semaphore, #tpu.memory_space<semaphore_mem>>)
        %dma_wait3A = tpu.memref_slice %arg3[%add3A_19] : memref<331776xi32, #tpu.memory_space<hbm>> -> memref<128xi32, #tpu.memory_space<hbm>>
        %dma_wait3A_33 = tpu.memref_slice %arg3[%add3A_19] : memref<331776xi32, #tpu.memory_space<hbm>> -> memref<128xi32, #tpu.memory_space<hbm>>
        tpu.wait_dma2 semaphore(%run_scoped3A : memref<!tpu.dma_semaphore, #tpu.memory_space<semaphore_mem>>) src(%dma_wait3A_33 : memref<128xi32, #tpu.memory_space<hbm>>) dst(%arg11 : memref<128xi32, #tpu.memory_space<vmem>>)
        tpu.yield
      }) : () -> ()
      "tpu.region"() ({
        %run_scoped3A = tpu.sem_alloc : memref<!tpu.dma_semaphore, #tpu.memory_space<semaphore_mem>>
        %dma_start3A = arith.constant 0 : i32
        %dma_start3A_32 = tpu.memref_slice %arg4[%add3A_19, %dma_start3A] : memref<331776x16xf32, #tpu.memory_space<hbm>> -> memref<128x16xf32, #tpu.memory_space<hbm>>
        %dma_start3A_33 = arith.constant 0 : i32
        %dma_start3A_34 = tpu.memref_slice %arg4[%add3A_19, %dma_start3A_33] : memref<331776x16xf32, #tpu.memory_space<hbm>> -> memref<128x16xf32, #tpu.memory_space<hbm>>
        tpu.enqueue_dma source(%dma_start3A_34 : memref<128x16xf32, #tpu.memory_space<hbm>>) target(%arg12 : memref<128x16xf32, #tpu.memory_space<vmem>>) target_semaphore(%run_scoped3A : memref<!tpu.dma_semaphore, #tpu.memory_space<semaphore_mem>>)
        %dma_wait3A = arith.constant 0 : i32
        %dma_wait3A_35 = tpu.memref_slice %arg4[%add3A_19, %dma_wait3A] : memref<331776x16xf32, #tpu.memory_space<hbm>> -> memref<128x16xf32, #tpu.memory_space<hbm>>
        %dma_wait3A_36 = arith.constant 0 : i32
        %dma_wait3A_37 = tpu.memref_slice %arg4[%add3A_19, %dma_wait3A_36] : memref<331776x16xf32, #tpu.memory_space<hbm>> -> memref<128x16xf32, #tpu.memory_space<hbm>>
        tpu.wait_dma2 semaphore(%run_scoped3A : memref<!tpu.dma_semaphore, #tpu.memory_space<semaphore_mem>>) src(%dma_wait3A_37 : memref<128x16xf32, #tpu.memory_space<hbm>>) dst(%arg12 : memref<128x16xf32, #tpu.memory_space<vmem>>)
        tpu.yield
      }) : () -> ()
      "tpu.region"() ({
        %run_scoped3A = tpu.sem_alloc : memref<!tpu.dma_semaphore, #tpu.memory_space<semaphore_mem>>
        %dma_start3A = arith.constant 0 : i32
        %dma_start3A_32 = arith.constant 0 : i32
        %dma_start3A_33 = tpu.memref_slice %arg5[%dma_start3A, %dma_start3A_32] : memref<10112x16xf32, #tpu.memory_space<hbm>> -> memref<10112x16xf32, #tpu.memory_space<hbm>>
        tpu.enqueue_indirect_dma source(%dma_start3A_33 : memref<10112x16xf32, #tpu.memory_space<hbm>>) target(%arg13 : memref<128x16xf32, #tpu.memory_space<vmem>>) offsets(%arg11 : memref<128xi32, #tpu.memory_space<vmem>>) semaphore(%run_scoped3A : memref<!tpu.dma_semaphore, #tpu.memory_space<semaphore_mem>>)
        %dma_wait3A = arith.constant 0 : i32
        %dma_wait3A_34 = arith.constant 0 : i32
        %dma_wait3A_35 = tpu.memref_slice %arg5[%dma_wait3A, %dma_wait3A_34] : memref<10112x16xf32, #tpu.memory_space<hbm>> -> memref<10112x16xf32, #tpu.memory_space<hbm>>
        tpu.wait_indirect_dma semaphore(%run_scoped3A : memref<!tpu.dma_semaphore, #tpu.memory_space<semaphore_mem>>) src(%dma_wait3A_35 : memref<10112x16xf32, #tpu.memory_space<hbm>>) dst(%arg13 : memref<128x16xf32, #tpu.memory_space<vmem>>)
        tpu.yield
      }) : () -> ()
      "tpu.region"() ({
        %run_scoped3A = tpu.sem_alloc : memref<!tpu.dma_semaphore, #tpu.memory_space<semaphore_mem>>
        %dma_start3A = arith.constant 0 : i32
        %dma_start3A_32 = arith.constant 0 : i32
        %dma_start3A_33 = tpu.memref_slice %arg6[%dma_start3A, %dma_start3A_32] : memref<10112x16xf32, #tpu.memory_space<hbm>> -> memref<10112x16xf32, #tpu.memory_space<hbm>>
        tpu.enqueue_indirect_dma source(%dma_start3A_33 : memref<10112x16xf32, #tpu.memory_space<hbm>>) target(%arg14 : memref<128x16xf32, #tpu.memory_space<vmem>>) offsets(%arg11 : memref<128xi32, #tpu.memory_space<vmem>>) semaphore(%run_scoped3A : memref<!tpu.dma_semaphore, #tpu.memory_space<semaphore_mem>>)
        %dma_wait3A = arith.constant 0 : i32
        %dma_wait3A_34 = arith.constant 0 : i32
        %dma_wait3A_35 = tpu.memref_slice %arg6[%dma_wait3A, %dma_wait3A_34] : memref<10112x16xf32, #tpu.memory_space<hbm>> -> memref<10112x16xf32, #tpu.memory_space<hbm>>
        tpu.wait_indirect_dma semaphore(%run_scoped3A : memref<!tpu.dma_semaphore, #tpu.memory_space<semaphore_mem>>) src(%dma_wait3A_35 : memref<10112x16xf32, #tpu.memory_space<hbm>>) dst(%arg14 : memref<128x16xf32, #tpu.memory_space<vmem>>)
        tpu.yield
      }) : () -> ()
      "tpu.region"() ({
        %run_scoped3A = tpu.sem_alloc : memref<!tpu.dma_semaphore, #tpu.memory_space<semaphore_mem>>
        %dma_start3A = arith.constant 0 : i32
        %dma_start3A_32 = arith.constant 0 : i32
        %dma_start3A_33 = tpu.memref_slice %arg7[%dma_start3A, %dma_start3A_32] : memref<10112x128xf32, #tpu.memory_space<hbm>> -> memref<10112x128xf32, #tpu.memory_space<hbm>>
        tpu.enqueue_indirect_dma source(%dma_start3A_33 : memref<10112x128xf32, #tpu.memory_space<hbm>>) target(%arg16 : memref<128x128xf32, #tpu.memory_space<vmem>>) offsets(%arg10 : memref<128xi32, #tpu.memory_space<vmem>>) semaphore(%run_scoped3A : memref<!tpu.dma_semaphore, #tpu.memory_space<semaphore_mem>>)
        %dma_wait3A = arith.constant 0 : i32
        %dma_wait3A_34 = arith.constant 0 : i32
        %dma_wait3A_35 = tpu.memref_slice %arg7[%dma_wait3A, %dma_wait3A_34] : memref<10112x128xf32, #tpu.memory_space<hbm>> -> memref<10112x128xf32, #tpu.memory_space<hbm>>
        tpu.wait_indirect_dma semaphore(%run_scoped3A : memref<!tpu.dma_semaphore, #tpu.memory_space<semaphore_mem>>) src(%dma_wait3A_35 : memref<10112x128xf32, #tpu.memory_space<hbm>>) dst(%arg16 : memref<128x128xf32, #tpu.memory_space<vmem>>)
        tpu.yield
      }) : () -> ()
      %scan3A_20 = arith.constant 0 : i32
      %scan3A_21 = arith.constant 0 : i32
      %scan3A_22 = arith.constant 128 : i32
      %scan3A_23 = arith.addi %scan3A_21, %scan3A_22 : i32
      %scan3A_24 = arith.constant 1 : i32
      scf.for %scan3A_32 = %scan3A_21 to %scan3A_23 step %scan3A_24  : i32 {
        %get3A = arith.index_cast %scan3A_32 : i32 to index
        %get3A_33 = arith.constant 0 : index
        %get3A_34 = tpu.vector_load %arg12[%get3A, %get3A_33] {strides = array<i32>} : memref<128x16xf32, #tpu.memory_space<vmem>>, vector<1x16xf32>,
        %get3A_35 = vector.shape_cast %get3A_34 : vector<1x16xf32> to vector<16xf32>
        %get3A_36 = arith.index_cast %scan3A_32 : i32 to index
        %get3A_37 = arith.constant 0 : index
        %get3A_38 = tpu.vector_load %arg13[%get3A_36, %get3A_37] {strides = array<i32>} : memref<128x16xf32, #tpu.memory_space<vmem>>, vector<1x16xf32>,
        %get3A_39 = vector.shape_cast %get3A_38 : vector<1x16xf32> to vector<16xf32>
        %get3A_40 = arith.index_cast %scan3A_32 : i32 to index
        %get3A_41 = arith.constant 0 : index
        %get3A_42 = tpu.vector_load %arg14[%get3A_40, %get3A_41] {strides = array<i32>} : memref<128x16xf32, #tpu.memory_space<vmem>>, vector<1x16xf32>,
        %get3A_43 = vector.shape_cast %get3A_42 : vector<1x16xf32> to vector<16xf32>
        %add3A_44 = arith.addf %get3A_39, %get3A_43 : vector<16xf32>
        %add3A_45 = arith.constant 1.000000e-16 : f32
        %add3A_46 = vector.broadcast %add3A_45 : f32 to vector<16xf32>
        %add3A_47 = arith.addf %add3A_44, %add3A_46 : vector<16xf32>
        %div3A = arith.divf %get3A_35, %add3A_47 : vector<16xf32>
        %swap3A = arith.index_cast %scan3A_32 : i32 to index
        %swap3A_48 = arith.constant 0 : index
        %swap3A_49 = tpu.vector_load %arg15[%swap3A, %swap3A_48] {strides = array<i32>} : memref<128x16xf32, #tpu.memory_space<vmem>>, vector<1x16xf32>,
        %swap3A_50 = vector.shape_cast %swap3A_49 : vector<1x16xf32> to vector<16xf32>
        %swap3A_51 = vector.shape_cast %div3A : vector<16xf32> to vector<1x16xf32>
        tpu.vector_store %arg15[%swap3A, %swap3A_48], %swap3A_51 {strides = array<i32>} : memref<128x16xf32, #tpu.memory_space<vmem>>, vector<1x16xf32>,
      }
      %scan3A_25 = arith.constant 128 : i32
      %scan3A_26 = arith.constant 0 : i32
      %scan3A_27 = arith.constant 0 : i32
      %scan3A_28 = arith.constant 128 : i32
      %scan3A_29 = arith.addi %scan3A_27, %scan3A_28 : i32
      %scan3A_30 = arith.constant 1 : i32
      scf.for %scan3A_32 = %scan3A_27 to %scan3A_29 step %scan3A_30  : i32 {
        %get3A = arith.index_cast %scan3A_32 : i32 to index
        %get3A_33 = arith.constant 0 : index
        %get3A_34 = tpu.vector_load %arg15[%get3A, %get3A_33] {strides = array<i32>} : memref<128x16xf32, #tpu.memory_space<vmem>>, vector<1x16xf32>,
        %get3A_35 = vector.shape_cast %get3A_34 : vector<1x16xf32> to vector<16xf32>
        %slice3A = vector.extract_strided_slice %get3A_35 {offsets = [0], sizes = [1], strides = [1]} : vector<16xf32> to vector<1xf32>
        %squeeze3A = vector.extract %slice3A[0] : f32 from vector<1xf32>
        %slice3A_36 = vector.extract_strided_slice %get3A_35 {offsets = [1], sizes = [1], strides = [1]} : vector<16xf32> to vector<1xf32>
        %squeeze3A_37 = vector.extract %slice3A_36[0] : f32 from vector<1xf32>
        %get3A_38 = arith.index_cast %scan3A_32 : i32 to index
        %get3A_39 = arith.constant 0 : index
        %get3A_40 = tpu.vector_load %arg16[%get3A_38, %get3A_39] {strides = array<i32>} : memref<128x128xf32, #tpu.memory_space<vmem>>, vector<1x16xf32>,
        %get3A_41 = vector.shape_cast %get3A_40 : vector<1x16xf32> to vector<16xf32>
        %mul3A_42 = vector.broadcast %squeeze3A : f32 to vector<16xf32>
        %mul3A_43 = arith.mulf %get3A_41, %mul3A_42 : vector<16xf32>
        %swap3A = arith.index_cast %scan3A_32 : i32 to index
        %swap3A_44 = arith.constant 0 : index
        %swap3A_45 = tpu.vector_load %arg17[%swap3A, %swap3A_44] {strides = array<i32>} : memref<128x128xf32, #tpu.memory_space<vmem>>, vector<1x16xf32>,
        %swap3A_46 = vector.shape_cast %swap3A_45 : vector<1x16xf32> to vector<16xf32>
        %swap3A_47 = vector.shape_cast %mul3A_43 : vector<16xf32> to vector<1x16xf32>
        tpu.vector_store %arg17[%swap3A, %swap3A_44], %swap3A_47 {strides = array<i32>} : memref<128x128xf32, #tpu.memory_space<vmem>>, vector<1x16xf32>,
        %get3A_48 = arith.index_cast %scan3A_32 : i32 to index
        %get3A_49 = arith.constant 16 : index
        %get3A_50 = tpu.vector_load %arg16[%get3A_48, %get3A_49] {strides = array<i32>} : memref<128x128xf32, #tpu.memory_space<vmem>>, vector<1x16xf32>,
        %get3A_51 = vector.shape_cast %get3A_50 : vector<1x16xf32> to vector<16xf32>
        %mul3A_52 = vector.broadcast %squeeze3A : f32 to vector<16xf32>
        %mul3A_53 = arith.mulf %get3A_51, %mul3A_52 : vector<16xf32>
        %swap3A_54 = arith.index_cast %scan3A_32 : i32 to index
        %swap3A_55 = arith.constant 16 : index
        %swap3A_56 = tpu.vector_load %arg17[%swap3A_54, %swap3A_55] {strides = array<i32>} : memref<128x128xf32, #tpu.memory_space<vmem>>, vector<1x16xf32>,
        %swap3A_57 = vector.shape_cast %swap3A_56 : vector<1x16xf32> to vector<16xf32>
        %swap3A_58 = vector.shape_cast %mul3A_53 : vector<16xf32> to vector<1x16xf32>
        tpu.vector_store %arg17[%swap3A_54, %swap3A_55], %swap3A_58 {strides = array<i32>} : memref<128x128xf32, #tpu.memory_space<vmem>>, vector<1x16xf32>,
        %get3A_59 = arith.index_cast %scan3A_32 : i32 to index
        %get3A_60 = arith.constant 32 : index
        %get3A_61 = tpu.vector_load %arg16[%get3A_59, %get3A_60] {strides = array<i32>} : memref<128x128xf32, #tpu.memory_space<vmem>>, vector<1x16xf32>,
        %get3A_62 = vector.shape_cast %get3A_61 : vector<1x16xf32> to vector<16xf32>
        %mul3A_63 = vector.broadcast %squeeze3A : f32 to vector<16xf32>
        %mul3A_64 = arith.mulf %get3A_62, %mul3A_63 : vector<16xf32>
        %swap3A_65 = arith.index_cast %scan3A_32 : i32 to index
        %swap3A_66 = arith.constant 32 : index
        %swap3A_67 = tpu.vector_load %arg17[%swap3A_65, %swap3A_66] {strides = array<i32>} : memref<128x128xf32, #tpu.memory_space<vmem>>, vector<1x16xf32>,
        %swap3A_68 = vector.shape_cast %swap3A_67 : vector<1x16xf32> to vector<16xf32>
        %swap3A_69 = vector.shape_cast %mul3A_64 : vector<16xf32> to vector<1x16xf32>
        tpu.vector_store %arg17[%swap3A_65, %swap3A_66], %swap3A_69 {strides = array<i32>} : memref<128x128xf32, #tpu.memory_space<vmem>>, vector<1x16xf32>,
        %get3A_70 = arith.index_cast %scan3A_32 : i32 to index
        %get3A_71 = arith.constant 48 : index
        %get3A_72 = tpu.vector_load %arg16[%get3A_70, %get3A_71] {strides = array<i32>} : memref<128x128xf32, #tpu.memory_space<vmem>>, vector<1x16xf32>,
        %get3A_73 = vector.shape_cast %get3A_72 : vector<1x16xf32> to vector<16xf32>
        %mul3A_74 = vector.broadcast %squeeze3A : f32 to vector<16xf32>
        %mul3A_75 = arith.mulf %get3A_73, %mul3A_74 : vector<16xf32>
        %swap3A_76 = arith.index_cast %scan3A_32 : i32 to index
        %swap3A_77 = arith.constant 48 : index
        %swap3A_78 = tpu.vector_load %arg17[%swap3A_76, %swap3A_77] {strides = array<i32>} : memref<128x128xf32, #tpu.memory_space<vmem>>, vector<1x16xf32>,
        %swap3A_79 = vector.shape_cast %swap3A_78 : vector<1x16xf32> to vector<16xf32>
        %swap3A_80 = vector.shape_cast %mul3A_75 : vector<16xf32> to vector<1x16xf32>
        tpu.vector_store %arg17[%swap3A_76, %swap3A_77], %swap3A_80 {strides = array<i32>} : memref<128x128xf32, #tpu.memory_space<vmem>>, vector<1x16xf32>,
        %get3A_81 = arith.index_cast %scan3A_32 : i32 to index
        %get3A_82 = arith.constant 64 : index
        %get3A_83 = tpu.vector_load %arg16[%get3A_81, %get3A_82] {strides = array<i32>} : memref<128x128xf32, #tpu.memory_space<vmem>>, vector<1x16xf32>,
        %get3A_84 = vector.shape_cast %get3A_83 : vector<1x16xf32> to vector<16xf32>
        %mul3A_85 = vector.broadcast %squeeze3A_37 : f32 to vector<16xf32>
        %mul3A_86 = arith.mulf %get3A_84, %mul3A_85 : vector<16xf32>
        %swap3A_87 = arith.index_cast %scan3A_32 : i32 to index
        %swap3A_88 = arith.constant 64 : index
        %swap3A_89 = tpu.vector_load %arg17[%swap3A_87, %swap3A_88] {strides = array<i32>} : memref<128x128xf32, #tpu.memory_space<vmem>>, vector<1x16xf32>,
        %swap3A_90 = vector.shape_cast %swap3A_89 : vector<1x16xf32> to vector<16xf32>
        %swap3A_91 = vector.shape_cast %mul3A_86 : vector<16xf32> to vector<1x16xf32>
        tpu.vector_store %arg17[%swap3A_87, %swap3A_88], %swap3A_91 {strides = array<i32>} : memref<128x128xf32, #tpu.memory_space<vmem>>, vector<1x16xf32>,
        %get3A_92 = arith.index_cast %scan3A_32 : i32 to index
        %get3A_93 = arith.constant 80 : index
        %get3A_94 = tpu.vector_load %arg16[%get3A_92, %get3A_93] {strides = array<i32>} : memref<128x128xf32, #tpu.memory_space<vmem>>, vector<1x16xf32>,
        %get3A_95 = vector.shape_cast %get3A_94 : vector<1x16xf32> to vector<16xf32>
        %mul3A_96 = vector.broadcast %squeeze3A_37 : f32 to vector<16xf32>
        %mul3A_97 = arith.mulf %get3A_95, %mul3A_96 : vector<16xf32>
        %swap3A_98 = arith.index_cast %scan3A_32 : i32 to index
        %swap3A_99 = arith.constant 80 : index
        %swap3A_100 = tpu.vector_load %arg17[%swap3A_98, %swap3A_99] {strides = array<i32>} : memref<128x128xf32, #tpu.memory_space<vmem>>, vector<1x16xf32>,
        %swap3A_101 = vector.shape_cast %swap3A_100 : vector<1x16xf32> to vector<16xf32>
        %swap3A_102 = vector.shape_cast %mul3A_97 : vector<16xf32> to vector<1x16xf32>
        tpu.vector_store %arg17[%swap3A_98, %swap3A_99], %swap3A_102 {strides = array<i32>} : memref<128x128xf32, #tpu.memory_space<vmem>>, vector<1x16xf32>,
        %get3A_103 = arith.index_cast %scan3A_32 : i32 to index
        %get3A_104 = arith.constant 96 : index
        %get3A_105 = tpu.vector_load %arg16[%get3A_103, %get3A_104] {strides = array<i32>} : memref<128x128xf32, #tpu.memory_space<vmem>>, vector<1x16xf32>,
        %get3A_106 = vector.shape_cast %get3A_105 : vector<1x16xf32> to vector<16xf32>
        %mul3A_107 = vector.broadcast %squeeze3A_37 : f32 to vector<16xf32>
        %mul3A_108 = arith.mulf %get3A_106, %mul3A_107 : vector<16xf32>
        %swap3A_109 = arith.index_cast %scan3A_32 : i32 to index
        %swap3A_110 = arith.constant 96 : index
        %swap3A_111 = tpu.vector_load %arg17[%swap3A_109, %swap3A_110] {strides = array<i32>} : memref<128x128xf32, #tpu.memory_space<vmem>>, vector<1x16xf32>,
        %swap3A_112 = vector.shape_cast %swap3A_111 : vector<1x16xf32> to vector<16xf32>
        %swap3A_113 = vector.shape_cast %mul3A_108 : vector<16xf32> to vector<1x16xf32>
        tpu.vector_store %arg17[%swap3A_109, %swap3A_110], %swap3A_113 {strides = array<i32>} : memref<128x128xf32, #tpu.memory_space<vmem>>, vector<1x16xf32>,
        %get3A_114 = arith.index_cast %scan3A_32 : i32 to index
        %get3A_115 = arith.constant 112 : index
        %get3A_116 = tpu.vector_load %arg16[%get3A_114, %get3A_115] {strides = array<i32>} : memref<128x128xf32, #tpu.memory_space<vmem>>, vector<1x16xf32>,
        %get3A_117 = vector.shape_cast %get3A_116 : vector<1x16xf32> to vector<16xf32>
        %mul3A_118 = vector.broadcast %squeeze3A_37 : f32 to vector<16xf32>
        %mul3A_119 = arith.mulf %get3A_117, %mul3A_118 : vector<16xf32>
        %swap3A_120 = arith.index_cast %scan3A_32 : i32 to index
        %swap3A_121 = arith.constant 112 : index
        %swap3A_122 = tpu.vector_load %arg17[%swap3A_120, %swap3A_121] {strides = array<i32>} : memref<128x128xf32, #tpu.memory_space<vmem>>, vector<1x16xf32>,
        %swap3A_123 = vector.shape_cast %swap3A_122 : vector<1x16xf32> to vector<16xf32>
        %swap3A_124 = vector.shape_cast %mul3A_119 : vector<16xf32> to vector<1x16xf32>
        tpu.vector_store %arg17[%swap3A_120, %swap3A_121], %swap3A_124 {strides = array<i32>} : memref<128x128xf32, #tpu.memory_space<vmem>>, vector<1x16xf32>,
      }
      %scan3A_31 = arith.constant 128 : i32
      "tpu.region"() ({
        %run_scoped3A = tpu.sem_alloc : memref<!tpu.dma_semaphore, #tpu.memory_space<semaphore_mem>>
        %dma_start3A = arith.constant 0 : i32
        %dma_start3A_32 = arith.constant 0 : i32
        %dma_start3A_33 = tpu.memref_slice %arg18[%dma_start3A, %dma_start3A_32] : memref<10112x128xf32, #tpu.memory_space<vmem_shared>> -> memref<10112x128xf32, #tpu.memory_space<vmem_shared>>
        tpu.enqueue_indirect_dma source(%arg17 : memref<128x128xf32, #tpu.memory_space<vmem>>) target(%dma_start3A_33 : memref<10112x128xf32, #tpu.memory_space<vmem_shared>>) offsets(%arg11 : memref<128xi32, #tpu.memory_space<vmem>>) semaphore(%run_scoped3A : memref<!tpu.dma_semaphore, #tpu.memory_space<semaphore_mem>>) {add = true}
        %dma_wait3A = arith.constant 0 : i32
        %dma_wait3A_34 = arith.constant 0 : i32
        %dma_wait3A_35 = tpu.memref_slice %arg18[%dma_wait3A, %dma_wait3A_34] : memref<10112x128xf32, #tpu.memory_space<vmem_shared>> -> memref<10112x128xf32, #tpu.memory_space<vmem_shared>>
        tpu.wait_indirect_dma semaphore(%run_scoped3A : memref<!tpu.dma_semaphore, #tpu.memory_space<semaphore_mem>>) src(%arg17 : memref<128x128xf32, #tpu.memory_space<vmem>>) dst(%dma_wait3A_35 : memref<10112x128xf32, #tpu.memory_space<vmem_shared>>)
        tpu.yield
      }) : () -> ()
    }
    %scan3A_9 = arith.constant 81 : i32
    %barrier3A_10 = arith.constant 0 : index
    tpu.barrier barrier_id(%barrier3A_10)
    %eq3A_11 = arith.constant 0 : i32
    %eq3A_12 = arith.cmpi eq, %arg1, %eq3A_11 : i32
    %convert_element_type3A_13 = arith.extui %eq3A_12 : i1 to i32
    %cond3A_14 = arith.constant 0 : i32
    %cond3A_15 = arith.cmpi ne, %convert_element_type3A_13, %cond3A_14 : i32
    scf.if %cond3A_15 {
      "tpu.region"() ({
        %run_scoped3A = tpu.sem_alloc : memref<!tpu.dma_semaphore, #tpu.memory_space<semaphore_mem>>
        %dma_start3A = arith.constant 0 : i32
        %dma_start3A_16 = arith.constant 0 : i32
        %dma_start3A_17 = tpu.memref_slice %arg9[%arg0, %dma_start3A, %dma_start3A_16] : memref<2x10112x128xf32, #tpu.memory_space<hbm>> -> memref<1x10112x128xf32, #tpu.memory_space<hbm>>
        %dma_start3A_18 = tpu.memref_squeeze %dma_start3A_17 : memref<1x10112x128xf32, #tpu.memory_space<hbm>> -> memref<10112x128xf32, #tpu.memory_space<hbm>>
        tpu.enqueue_dma source(%arg18 : memref<10112x128xf32, #tpu.memory_space<vmem_shared>>) target(%dma_start3A_18 : memref<10112x128xf32, #tpu.memory_space<hbm>>) target_semaphore(%run_scoped3A : memref<!tpu.dma_semaphore, #tpu.memory_space<semaphore_mem>>)
        %dma_wait3A = arith.constant 0 : i32
        %dma_wait3A_19 = arith.constant 0 : i32
        %dma_wait3A_20 = tpu.memref_slice %arg9[%arg0, %dma_wait3A, %dma_wait3A_19] : memref<2x10112x128xf32, #tpu.memory_space<hbm>> -> memref<1x10112x128xf32, #tpu.memory_space<hbm>>
        %dma_wait3A_21 = tpu.memref_squeeze %dma_wait3A_20 : memref<1x10112x128xf32, #tpu.memory_space<hbm>> -> memref<10112x128xf32, #tpu.memory_space<hbm>>
        tpu.wait_dma2 semaphore(%run_scoped3A : memref<!tpu.dma_semaphore, #tpu.memory_space<semaphore_mem>>) src(%arg18 : memref<10112x128xf32, #tpu.memory_space<vmem_shared>>) dst(%dma_wait3A_21 : memref<10112x128xf32, #tpu.memory_space<hbm>>)
        tpu.yield
      }) : () -> ()
    } else {
    }
    return
  }
}

#map = affine_map<(d0, d1) -> (0)>
#map1 = affine_map<(d0, d1) -> (0, 0)>
#map2 = affine_map<(d0, d1) -> (0, 0, 0)>
module attributes {stable_mosaic.version = 14 : i64} {
  func.func @_sc_pass2(%arg0: i32, %arg1: i32, %arg2: memref<331776xi32, #tpu.memory_space<hbm>>, %arg3: memref<331776xi32, #tpu.memory_space<hbm>>, %arg4: memref<331776x16xf32, #tpu.memory_space<hbm>>, %arg5: memref<10112x16xf32, #tpu.memory_space<hbm>>, %arg6: memref<10112x16xf32, #tpu.memory_space<hbm>>, %arg7: memref<10112x128xf32, #tpu.memory_space<hbm>>, %arg8: memref<10112x128xf32, #tpu.memory_space<hbm>>, %arg9: memref<2x10112x128xf32, #tpu.memory_space<hbm>>, %arg10: memref<128xi32, #tpu.memory_space<vmem>>, %arg11: memref<128xi32, #tpu.memory_space<vmem>>, %arg12: memref<128x16xf32, #tpu.memory_space<vmem>>, %arg13: memref<128x16xf32, #tpu.memory_space<vmem>>, %arg14: memref<128x16xf32, #tpu.memory_space<vmem>>, %arg15: memref<128x16xf32, #tpu.memory_space<vmem>>, %arg16: memref<128x128xf32, #tpu.memory_space<vmem>>, %arg17: memref<128x128xf32, #tpu.memory_space<vmem>>, %arg18: memref<10112x128xf32, #tpu.memory_space<vmem_shared>>) attributes {dimension_semantics = [#tpu.dimension_semantics<core_parallel>, #tpu.dimension_semantics<subcore_parallel>], iteration_bounds = array<i64: 2, 16>, scalar_prefetch = 0 : i64, scratch_operands = 9 : i64, tpu.core_type = #tpu.core_type<sc_vector_subcore>, window_params = [{transform_indices = #map}, {transform_indices = #map}, {transform_indices = #map1}, {transform_indices = #map1}, {transform_indices = #map1}, {transform_indices = #map1}, {transform_indices = #map1}, {transform_indices = #map2}]} {
    %mul3A = arith.constant 2 : i32
    %mul3A_0 = arith.muli %arg1, %mul3A : i32
    %add3A = arith.addi %mul3A_0, %arg0 : i32
    %mul3A_1 = arith.constant 10368 : i32
    %mul3A_2 = arith.muli %add3A, %mul3A_1 : i32
    %eq3A = arith.constant 0 : i32
    %eq3A_3 = arith.cmpi eq, %arg1, %eq3A : i32
    %convert_element_type3A = arith.extui %eq3A_3 : i1 to i32
    %cond3A = arith.constant 0 : i32
    %cond3A_4 = arith.cmpi ne, %convert_element_type3A, %cond3A : i32
    scf.if %cond3A_4 {
      "tpu.region"() ({
        %run_scoped3A = tpu.sem_alloc : memref<!tpu.dma_semaphore, #tpu.memory_space<semaphore_mem>>
        tpu.enqueue_dma source(%arg8 : memref<10112x128xf32, #tpu.memory_space<hbm>>) target(%arg18 : memref<10112x128xf32, #tpu.memory_space<vmem_shared>>) target_semaphore(%run_scoped3A : memref<!tpu.dma_semaphore, #tpu.memory_space<semaphore_mem>>)
        tpu.wait_dma2 semaphore(%run_scoped3A : memref<!tpu.dma_semaphore, #tpu.memory_space<semaphore_mem>>) src(%arg8 : memref<10112x128xf32, #tpu.memory_space<hbm>>) dst(%arg18 : memref<10112x128xf32, #tpu.memory_space<vmem_shared>>)
        tpu.yield
      }) : () -> ()
    } else {
    }
    %barrier3A = arith.constant 0 : index
    tpu.barrier barrier_id(%barrier3A)
    %scan3A = arith.constant 0 : i32
    %scan3A_5 = arith.constant 0 : i32
    %scan3A_6 = arith.constant 81 : i32
    %scan3A_7 = arith.addi %scan3A_5, %scan3A_6 : i32
    %scan3A_8 = arith.constant 1 : i32
    scf.for %scan3A_16 = %scan3A_5 to %scan3A_7 step %scan3A_8  : i32 {
      %mul3A_17 = arith.constant 128 : i32
      %mul3A_18 = arith.muli %scan3A_16, %mul3A_17 : i32
      %add3A_19 = arith.addi %mul3A_2, %mul3A_18 : i32
      "tpu.region"() ({
        %run_scoped3A = tpu.sem_alloc : memref<!tpu.dma_semaphore, #tpu.memory_space<semaphore_mem>>
        %dma_start3A = tpu.memref_slice %arg2[%add3A_19] : memref<331776xi32, #tpu.memory_space<hbm>> -> memref<128xi32, #tpu.memory_space<hbm>>
        %dma_start3A_32 = tpu.memref_slice %arg2[%add3A_19] : memref<331776xi32, #tpu.memory_space<hbm>> -> memref<128xi32, #tpu.memory_space<hbm>>
        tpu.enqueue_dma source(%dma_start3A_32 : memref<128xi32, #tpu.memory_space<hbm>>) target(%arg10 : memref<128xi32, #tpu.memory_space<vmem>>) target_semaphore(%run_scoped3A : memref<!tpu.dma_semaphore, #tpu.memory_space<semaphore_mem>>)
        %dma_wait3A = tpu.memref_slice %arg2[%add3A_19] : memref<331776xi32, #tpu.memory_space<hbm>> -> memref<128xi32, #tpu.memory_space<hbm>>
        %dma_wait3A_33 = tpu.memref_slice %arg2[%add3A_19] : memref<331776xi32, #tpu.memory_space<hbm>> -> memref<128xi32, #tpu.memory_space<hbm>>
        tpu.wait_dma2 semaphore(%run_scoped3A : memref<!tpu.dma_semaphore, #tpu.memory_space<semaphore_mem>>) src(%dma_wait3A_33 : memref<128xi32, #tpu.memory_space<hbm>>) dst(%arg10 : memref<128xi32, #tpu.memory_space<vmem>>)
        tpu.yield
      }) : () -> ()
      "tpu.region"() ({
        %run_scoped3A = tpu.sem_alloc : memref<!tpu.dma_semaphore, #tpu.memory_space<semaphore_mem>>
        %dma_start3A = tpu.memref_slice %arg3[%add3A_19] : memref<331776xi32, #tpu.memory_space<hbm>> -> memref<128xi32, #tpu.memory_space<hbm>>
        %dma_start3A_32 = tpu.memref_slice %arg3[%add3A_19] : memref<331776xi32, #tpu.memory_space<hbm>> -> memref<128xi32, #tpu.memory_space<hbm>>
        tpu.enqueue_dma source(%dma_start3A_32 : memref<128xi32, #tpu.memory_space<hbm>>) target(%arg11 : memref<128xi32, #tpu.memory_space<vmem>>) target_semaphore(%run_scoped3A : memref<!tpu.dma_semaphore, #tpu.memory_space<semaphore_mem>>)
        %dma_wait3A = tpu.memref_slice %arg3[%add3A_19] : memref<331776xi32, #tpu.memory_space<hbm>> -> memref<128xi32, #tpu.memory_space<hbm>>
        %dma_wait3A_33 = tpu.memref_slice %arg3[%add3A_19] : memref<331776xi32, #tpu.memory_space<hbm>> -> memref<128xi32, #tpu.memory_space<hbm>>
        tpu.wait_dma2 semaphore(%run_scoped3A : memref<!tpu.dma_semaphore, #tpu.memory_space<semaphore_mem>>) src(%dma_wait3A_33 : memref<128xi32, #tpu.memory_space<hbm>>) dst(%arg11 : memref<128xi32, #tpu.memory_space<vmem>>)
        tpu.yield
      }) : () -> ()
      "tpu.region"() ({
        %run_scoped3A = tpu.sem_alloc : memref<!tpu.dma_semaphore, #tpu.memory_space<semaphore_mem>>
        %dma_start3A = arith.constant 0 : i32
        %dma_start3A_32 = tpu.memref_slice %arg4[%add3A_19, %dma_start3A] : memref<331776x16xf32, #tpu.memory_space<hbm>> -> memref<128x16xf32, #tpu.memory_space<hbm>>
        %dma_start3A_33 = arith.constant 0 : i32
        %dma_start3A_34 = tpu.memref_slice %arg4[%add3A_19, %dma_start3A_33] : memref<331776x16xf32, #tpu.memory_space<hbm>> -> memref<128x16xf32, #tpu.memory_space<hbm>>
        tpu.enqueue_dma source(%dma_start3A_34 : memref<128x16xf32, #tpu.memory_space<hbm>>) target(%arg12 : memref<128x16xf32, #tpu.memory_space<vmem>>) target_semaphore(%run_scoped3A : memref<!tpu.dma_semaphore, #tpu.memory_space<semaphore_mem>>)
        %dma_wait3A = arith.constant 0 : i32
        %dma_wait3A_35 = tpu.memref_slice %arg4[%add3A_19, %dma_wait3A] : memref<331776x16xf32, #tpu.memory_space<hbm>> -> memref<128x16xf32, #tpu.memory_space<hbm>>
        %dma_wait3A_36 = arith.constant 0 : i32
        %dma_wait3A_37 = tpu.memref_slice %arg4[%add3A_19, %dma_wait3A_36] : memref<331776x16xf32, #tpu.memory_space<hbm>> -> memref<128x16xf32, #tpu.memory_space<hbm>>
        tpu.wait_dma2 semaphore(%run_scoped3A : memref<!tpu.dma_semaphore, #tpu.memory_space<semaphore_mem>>) src(%dma_wait3A_37 : memref<128x16xf32, #tpu.memory_space<hbm>>) dst(%arg12 : memref<128x16xf32, #tpu.memory_space<vmem>>)
        tpu.yield
      }) : () -> ()
      "tpu.region"() ({
        %run_scoped3A = tpu.sem_alloc : memref<!tpu.dma_semaphore, #tpu.memory_space<semaphore_mem>>
        %dma_start3A = arith.constant 0 : i32
        %dma_start3A_32 = arith.constant 0 : i32
        %dma_start3A_33 = tpu.memref_slice %arg5[%dma_start3A, %dma_start3A_32] : memref<10112x16xf32, #tpu.memory_space<hbm>> -> memref<10112x16xf32, #tpu.memory_space<hbm>>
        tpu.enqueue_indirect_dma source(%dma_start3A_33 : memref<10112x16xf32, #tpu.memory_space<hbm>>) target(%arg13 : memref<128x16xf32, #tpu.memory_space<vmem>>) offsets(%arg11 : memref<128xi32, #tpu.memory_space<vmem>>) semaphore(%run_scoped3A : memref<!tpu.dma_semaphore, #tpu.memory_space<semaphore_mem>>)
        %dma_wait3A = arith.constant 0 : i32
        %dma_wait3A_34 = arith.constant 0 : i32
        %dma_wait3A_35 = tpu.memref_slice %arg5[%dma_wait3A, %dma_wait3A_34] : memref<10112x16xf32, #tpu.memory_space<hbm>> -> memref<10112x16xf32, #tpu.memory_space<hbm>>
        tpu.wait_indirect_dma semaphore(%run_scoped3A : memref<!tpu.dma_semaphore, #tpu.memory_space<semaphore_mem>>) src(%dma_wait3A_35 : memref<10112x16xf32, #tpu.memory_space<hbm>>) dst(%arg13 : memref<128x16xf32, #tpu.memory_space<vmem>>)
        tpu.yield
      }) : () -> ()
      "tpu.region"() ({
        %run_scoped3A = tpu.sem_alloc : memref<!tpu.dma_semaphore, #tpu.memory_space<semaphore_mem>>
        %dma_start3A = arith.constant 0 : i32
        %dma_start3A_32 = arith.constant 0 : i32
        %dma_start3A_33 = tpu.memref_slice %arg6[%dma_start3A, %dma_start3A_32] : memref<10112x16xf32, #tpu.memory_space<hbm>> -> memref<10112x16xf32, #tpu.memory_space<hbm>>
        tpu.enqueue_indirect_dma source(%dma_start3A_33 : memref<10112x16xf32, #tpu.memory_space<hbm>>) target(%arg14 : memref<128x16xf32, #tpu.memory_space<vmem>>) offsets(%arg11 : memref<128xi32, #tpu.memory_space<vmem>>) semaphore(%run_scoped3A : memref<!tpu.dma_semaphore, #tpu.memory_space<semaphore_mem>>)
        %dma_wait3A = arith.constant 0 : i32
        %dma_wait3A_34 = arith.constant 0 : i32
        %dma_wait3A_35 = tpu.memref_slice %arg6[%dma_wait3A, %dma_wait3A_34] : memref<10112x16xf32, #tpu.memory_space<hbm>> -> memref<10112x16xf32, #tpu.memory_space<hbm>>
        tpu.wait_indirect_dma semaphore(%run_scoped3A : memref<!tpu.dma_semaphore, #tpu.memory_space<semaphore_mem>>) src(%dma_wait3A_35 : memref<10112x16xf32, #tpu.memory_space<hbm>>) dst(%arg14 : memref<128x16xf32, #tpu.memory_space<vmem>>)
        tpu.yield
      }) : () -> ()
      "tpu.region"() ({
        %run_scoped3A = tpu.sem_alloc : memref<!tpu.dma_semaphore, #tpu.memory_space<semaphore_mem>>
        %dma_start3A = arith.constant 0 : i32
        %dma_start3A_32 = arith.constant 0 : i32
        %dma_start3A_33 = tpu.memref_slice %arg7[%dma_start3A, %dma_start3A_32] : memref<10112x128xf32, #tpu.memory_space<hbm>> -> memref<10112x128xf32, #tpu.memory_space<hbm>>
        tpu.enqueue_indirect_dma source(%dma_start3A_33 : memref<10112x128xf32, #tpu.memory_space<hbm>>) target(%arg16 : memref<128x128xf32, #tpu.memory_space<vmem>>) offsets(%arg10 : memref<128xi32, #tpu.memory_space<vmem>>) semaphore(%run_scoped3A : memref<!tpu.dma_semaphore, #tpu.memory_space<semaphore_mem>>)
        %dma_wait3A = arith.constant 0 : i32
        %dma_wait3A_34 = arith.constant 0 : i32
        %dma_wait3A_35 = tpu.memref_slice %arg7[%dma_wait3A, %dma_wait3A_34] : memref<10112x128xf32, #tpu.memory_space<hbm>> -> memref<10112x128xf32, #tpu.memory_space<hbm>>
        tpu.wait_indirect_dma semaphore(%run_scoped3A : memref<!tpu.dma_semaphore, #tpu.memory_space<semaphore_mem>>) src(%dma_wait3A_35 : memref<10112x128xf32, #tpu.memory_space<hbm>>) dst(%arg16 : memref<128x128xf32, #tpu.memory_space<vmem>>)
        tpu.yield
      }) : () -> ()
      %scan3A_20 = arith.constant 0 : i32
      %scan3A_21 = arith.constant 0 : i32
      %scan3A_22 = arith.constant 128 : i32
      %scan3A_23 = arith.addi %scan3A_21, %scan3A_22 : i32
      %scan3A_24 = arith.constant 1 : i32
      scf.for %scan3A_32 = %scan3A_21 to %scan3A_23 step %scan3A_24  : i32 {
        %get3A = arith.index_cast %scan3A_32 : i32 to index
        %get3A_33 = arith.constant 0 : index
        %get3A_34 = tpu.vector_load %arg12[%get3A, %get3A_33] {strides = array<i32>} : memref<128x16xf32, #tpu.memory_space<vmem>>, vector<1x16xf32>,
        %get3A_35 = vector.shape_cast %get3A_34 : vector<1x16xf32> to vector<16xf32>
        %get3A_36 = arith.index_cast %scan3A_32 : i32 to index
        %get3A_37 = arith.constant 0 : index
        %get3A_38 = tpu.vector_load %arg13[%get3A_36, %get3A_37] {strides = array<i32>} : memref<128x16xf32, #tpu.memory_space<vmem>>, vector<1x16xf32>,
        %get3A_39 = vector.shape_cast %get3A_38 : vector<1x16xf32> to vector<16xf32>
        %get3A_40 = arith.index_cast %scan3A_32 : i32 to index
        %get3A_41 = arith.constant 0 : index
        %get3A_42 = tpu.vector_load %arg14[%get3A_40, %get3A_41] {strides = array<i32>} : memref<128x16xf32, #tpu.memory_space<vmem>>, vector<1x16xf32>,
        %get3A_43 = vector.shape_cast %get3A_42 : vector<1x16xf32> to vector<16xf32>
        %add3A_44 = arith.addf %get3A_39, %get3A_43 : vector<16xf32>
        %add3A_45 = arith.constant 1.000000e-16 : f32
        %add3A_46 = vector.broadcast %add3A_45 : f32 to vector<16xf32>
        %add3A_47 = arith.addf %add3A_44, %add3A_46 : vector<16xf32>
        %div3A = arith.divf %get3A_35, %add3A_47 : vector<16xf32>
        %swap3A = arith.index_cast %scan3A_32 : i32 to index
        %swap3A_48 = arith.constant 0 : index
        %swap3A_49 = tpu.vector_load %arg15[%swap3A, %swap3A_48] {strides = array<i32>} : memref<128x16xf32, #tpu.memory_space<vmem>>, vector<1x16xf32>,
        %swap3A_50 = vector.shape_cast %swap3A_49 : vector<1x16xf32> to vector<16xf32>
        %swap3A_51 = vector.shape_cast %div3A : vector<16xf32> to vector<1x16xf32>
        tpu.vector_store %arg15[%swap3A, %swap3A_48], %swap3A_51 {strides = array<i32>} : memref<128x16xf32, #tpu.memory_space<vmem>>, vector<1x16xf32>,
      }
      %scan3A_25 = arith.constant 128 : i32
      %scan3A_26 = arith.constant 0 : i32
      %scan3A_27 = arith.constant 0 : i32
      %scan3A_28 = arith.constant 128 : i32
      %scan3A_29 = arith.addi %scan3A_27, %scan3A_28 : i32
      %scan3A_30 = arith.constant 1 : i32
      scf.for %scan3A_32 = %scan3A_27 to %scan3A_29 step %scan3A_30  : i32 {
        %get3A = arith.index_cast %scan3A_32 : i32 to index
        %get3A_33 = arith.constant 0 : index
        %get3A_34 = tpu.vector_load %arg15[%get3A, %get3A_33] {strides = array<i32>} : memref<128x16xf32, #tpu.memory_space<vmem>>, vector<1x16xf32>,
        %get3A_35 = vector.shape_cast %get3A_34 : vector<1x16xf32> to vector<16xf32>
        %slice3A = vector.extract_strided_slice %get3A_35 {offsets = [2], sizes = [1], strides = [1]} : vector<16xf32> to vector<1xf32>
        %squeeze3A = vector.extract %slice3A[0] : f32 from vector<1xf32>
        %slice3A_36 = vector.extract_strided_slice %get3A_35 {offsets = [3], sizes = [1], strides = [1]} : vector<16xf32> to vector<1xf32>
        %squeeze3A_37 = vector.extract %slice3A_36[0] : f32 from vector<1xf32>
        %get3A_38 = arith.index_cast %scan3A_32 : i32 to index
        %get3A_39 = arith.constant 0 : index
        %get3A_40 = tpu.vector_load %arg16[%get3A_38, %get3A_39] {strides = array<i32>} : memref<128x128xf32, #tpu.memory_space<vmem>>, vector<1x16xf32>,
        %get3A_41 = vector.shape_cast %get3A_40 : vector<1x16xf32> to vector<16xf32>
        %mul3A_42 = vector.broadcast %squeeze3A : f32 to vector<16xf32>
        %mul3A_43 = arith.mulf %get3A_41, %mul3A_42 : vector<16xf32>
        %swap3A = arith.index_cast %scan3A_32 : i32 to index
        %swap3A_44 = arith.constant 0 : index
        %swap3A_45 = tpu.vector_load %arg17[%swap3A, %swap3A_44] {strides = array<i32>} : memref<128x128xf32, #tpu.memory_space<vmem>>, vector<1x16xf32>,
        %swap3A_46 = vector.shape_cast %swap3A_45 : vector<1x16xf32> to vector<16xf32>
        %swap3A_47 = vector.shape_cast %mul3A_43 : vector<16xf32> to vector<1x16xf32>
        tpu.vector_store %arg17[%swap3A, %swap3A_44], %swap3A_47 {strides = array<i32>} : memref<128x128xf32, #tpu.memory_space<vmem>>, vector<1x16xf32>,
        %get3A_48 = arith.index_cast %scan3A_32 : i32 to index
        %get3A_49 = arith.constant 16 : index
        %get3A_50 = tpu.vector_load %arg16[%get3A_48, %get3A_49] {strides = array<i32>} : memref<128x128xf32, #tpu.memory_space<vmem>>, vector<1x16xf32>,
        %get3A_51 = vector.shape_cast %get3A_50 : vector<1x16xf32> to vector<16xf32>
        %mul3A_52 = vector.broadcast %squeeze3A : f32 to vector<16xf32>
        %mul3A_53 = arith.mulf %get3A_51, %mul3A_52 : vector<16xf32>
        %swap3A_54 = arith.index_cast %scan3A_32 : i32 to index
        %swap3A_55 = arith.constant 16 : index
        %swap3A_56 = tpu.vector_load %arg17[%swap3A_54, %swap3A_55] {strides = array<i32>} : memref<128x128xf32, #tpu.memory_space<vmem>>, vector<1x16xf32>,
        %swap3A_57 = vector.shape_cast %swap3A_56 : vector<1x16xf32> to vector<16xf32>
        %swap3A_58 = vector.shape_cast %mul3A_53 : vector<16xf32> to vector<1x16xf32>
        tpu.vector_store %arg17[%swap3A_54, %swap3A_55], %swap3A_58 {strides = array<i32>} : memref<128x128xf32, #tpu.memory_space<vmem>>, vector<1x16xf32>,
        %get3A_59 = arith.index_cast %scan3A_32 : i32 to index
        %get3A_60 = arith.constant 32 : index
        %get3A_61 = tpu.vector_load %arg16[%get3A_59, %get3A_60] {strides = array<i32>} : memref<128x128xf32, #tpu.memory_space<vmem>>, vector<1x16xf32>,
        %get3A_62 = vector.shape_cast %get3A_61 : vector<1x16xf32> to vector<16xf32>
        %mul3A_63 = vector.broadcast %squeeze3A : f32 to vector<16xf32>
        %mul3A_64 = arith.mulf %get3A_62, %mul3A_63 : vector<16xf32>
        %swap3A_65 = arith.index_cast %scan3A_32 : i32 to index
        %swap3A_66 = arith.constant 32 : index
        %swap3A_67 = tpu.vector_load %arg17[%swap3A_65, %swap3A_66] {strides = array<i32>} : memref<128x128xf32, #tpu.memory_space<vmem>>, vector<1x16xf32>,
        %swap3A_68 = vector.shape_cast %swap3A_67 : vector<1x16xf32> to vector<16xf32>
        %swap3A_69 = vector.shape_cast %mul3A_64 : vector<16xf32> to vector<1x16xf32>
        tpu.vector_store %arg17[%swap3A_65, %swap3A_66], %swap3A_69 {strides = array<i32>} : memref<128x128xf32, #tpu.memory_space<vmem>>, vector<1x16xf32>,
        %get3A_70 = arith.index_cast %scan3A_32 : i32 to index
        %get3A_71 = arith.constant 48 : index
        %get3A_72 = tpu.vector_load %arg16[%get3A_70, %get3A_71] {strides = array<i32>} : memref<128x128xf32, #tpu.memory_space<vmem>>, vector<1x16xf32>,
        %get3A_73 = vector.shape_cast %get3A_72 : vector<1x16xf32> to vector<16xf32>
        %mul3A_74 = vector.broadcast %squeeze3A : f32 to vector<16xf32>
        %mul3A_75 = arith.mulf %get3A_73, %mul3A_74 : vector<16xf32>
        %swap3A_76 = arith.index_cast %scan3A_32 : i32 to index
        %swap3A_77 = arith.constant 48 : index
        %swap3A_78 = tpu.vector_load %arg17[%swap3A_76, %swap3A_77] {strides = array<i32>} : memref<128x128xf32, #tpu.memory_space<vmem>>, vector<1x16xf32>,
        %swap3A_79 = vector.shape_cast %swap3A_78 : vector<1x16xf32> to vector<16xf32>
        %swap3A_80 = vector.shape_cast %mul3A_75 : vector<16xf32> to vector<1x16xf32>
        tpu.vector_store %arg17[%swap3A_76, %swap3A_77], %swap3A_80 {strides = array<i32>} : memref<128x128xf32, #tpu.memory_space<vmem>>, vector<1x16xf32>,
        %get3A_81 = arith.index_cast %scan3A_32 : i32 to index
        %get3A_82 = arith.constant 64 : index
        %get3A_83 = tpu.vector_load %arg16[%get3A_81, %get3A_82] {strides = array<i32>} : memref<128x128xf32, #tpu.memory_space<vmem>>, vector<1x16xf32>,
        %get3A_84 = vector.shape_cast %get3A_83 : vector<1x16xf32> to vector<16xf32>
        %mul3A_85 = vector.broadcast %squeeze3A_37 : f32 to vector<16xf32>
        %mul3A_86 = arith.mulf %get3A_84, %mul3A_85 : vector<16xf32>
        %swap3A_87 = arith.index_cast %scan3A_32 : i32 to index
        %swap3A_88 = arith.constant 64 : index
        %swap3A_89 = tpu.vector_load %arg17[%swap3A_87, %swap3A_88] {strides = array<i32>} : memref<128x128xf32, #tpu.memory_space<vmem>>, vector<1x16xf32>,
        %swap3A_90 = vector.shape_cast %swap3A_89 : vector<1x16xf32> to vector<16xf32>
        %swap3A_91 = vector.shape_cast %mul3A_86 : vector<16xf32> to vector<1x16xf32>
        tpu.vector_store %arg17[%swap3A_87, %swap3A_88], %swap3A_91 {strides = array<i32>} : memref<128x128xf32, #tpu.memory_space<vmem>>, vector<1x16xf32>,
        %get3A_92 = arith.index_cast %scan3A_32 : i32 to index
        %get3A_93 = arith.constant 80 : index
        %get3A_94 = tpu.vector_load %arg16[%get3A_92, %get3A_93] {strides = array<i32>} : memref<128x128xf32, #tpu.memory_space<vmem>>, vector<1x16xf32>,
        %get3A_95 = vector.shape_cast %get3A_94 : vector<1x16xf32> to vector<16xf32>
        %mul3A_96 = vector.broadcast %squeeze3A_37 : f32 to vector<16xf32>
        %mul3A_97 = arith.mulf %get3A_95, %mul3A_96 : vector<16xf32>
        %swap3A_98 = arith.index_cast %scan3A_32 : i32 to index
        %swap3A_99 = arith.constant 80 : index
        %swap3A_100 = tpu.vector_load %arg17[%swap3A_98, %swap3A_99] {strides = array<i32>} : memref<128x128xf32, #tpu.memory_space<vmem>>, vector<1x16xf32>,
        %swap3A_101 = vector.shape_cast %swap3A_100 : vector<1x16xf32> to vector<16xf32>
        %swap3A_102 = vector.shape_cast %mul3A_97 : vector<16xf32> to vector<1x16xf32>
        tpu.vector_store %arg17[%swap3A_98, %swap3A_99], %swap3A_102 {strides = array<i32>} : memref<128x128xf32, #tpu.memory_space<vmem>>, vector<1x16xf32>,
        %get3A_103 = arith.index_cast %scan3A_32 : i32 to index
        %get3A_104 = arith.constant 96 : index
        %get3A_105 = tpu.vector_load %arg16[%get3A_103, %get3A_104] {strides = array<i32>} : memref<128x128xf32, #tpu.memory_space<vmem>>, vector<1x16xf32>,
        %get3A_106 = vector.shape_cast %get3A_105 : vector<1x16xf32> to vector<16xf32>
        %mul3A_107 = vector.broadcast %squeeze3A_37 : f32 to vector<16xf32>
        %mul3A_108 = arith.mulf %get3A_106, %mul3A_107 : vector<16xf32>
        %swap3A_109 = arith.index_cast %scan3A_32 : i32 to index
        %swap3A_110 = arith.constant 96 : index
        %swap3A_111 = tpu.vector_load %arg17[%swap3A_109, %swap3A_110] {strides = array<i32>} : memref<128x128xf32, #tpu.memory_space<vmem>>, vector<1x16xf32>,
        %swap3A_112 = vector.shape_cast %swap3A_111 : vector<1x16xf32> to vector<16xf32>
        %swap3A_113 = vector.shape_cast %mul3A_108 : vector<16xf32> to vector<1x16xf32>
        tpu.vector_store %arg17[%swap3A_109, %swap3A_110], %swap3A_113 {strides = array<i32>} : memref<128x128xf32, #tpu.memory_space<vmem>>, vector<1x16xf32>,
        %get3A_114 = arith.index_cast %scan3A_32 : i32 to index
        %get3A_115 = arith.constant 112 : index
        %get3A_116 = tpu.vector_load %arg16[%get3A_114, %get3A_115] {strides = array<i32>} : memref<128x128xf32, #tpu.memory_space<vmem>>, vector<1x16xf32>,
        %get3A_117 = vector.shape_cast %get3A_116 : vector<1x16xf32> to vector<16xf32>
        %mul3A_118 = vector.broadcast %squeeze3A_37 : f32 to vector<16xf32>
        %mul3A_119 = arith.mulf %get3A_117, %mul3A_118 : vector<16xf32>
        %swap3A_120 = arith.index_cast %scan3A_32 : i32 to index
        %swap3A_121 = arith.constant 112 : index
        %swap3A_122 = tpu.vector_load %arg17[%swap3A_120, %swap3A_121] {strides = array<i32>} : memref<128x128xf32, #tpu.memory_space<vmem>>, vector<1x16xf32>,
        %swap3A_123 = vector.shape_cast %swap3A_122 : vector<1x16xf32> to vector<16xf32>
        %swap3A_124 = vector.shape_cast %mul3A_119 : vector<16xf32> to vector<1x16xf32>
        tpu.vector_store %arg17[%swap3A_120, %swap3A_121], %swap3A_124 {strides = array<i32>} : memref<128x128xf32, #tpu.memory_space<vmem>>, vector<1x16xf32>,
      }
      %scan3A_31 = arith.constant 128 : i32
      "tpu.region"() ({
        %run_scoped3A = tpu.sem_alloc : memref<!tpu.dma_semaphore, #tpu.memory_space<semaphore_mem>>
        %dma_start3A = arith.constant 0 : i32
        %dma_start3A_32 = arith.constant 0 : i32
        %dma_start3A_33 = tpu.memref_slice %arg18[%dma_start3A, %dma_start3A_32] : memref<10112x128xf32, #tpu.memory_space<vmem_shared>> -> memref<10112x128xf32, #tpu.memory_space<vmem_shared>>
        tpu.enqueue_indirect_dma source(%arg17 : memref<128x128xf32, #tpu.memory_space<vmem>>) target(%dma_start3A_33 : memref<10112x128xf32, #tpu.memory_space<vmem_shared>>) offsets(%arg11 : memref<128xi32, #tpu.memory_space<vmem>>) semaphore(%run_scoped3A : memref<!tpu.dma_semaphore, #tpu.memory_space<semaphore_mem>>) {add = true}
        %dma_wait3A = arith.constant 0 : i32
        %dma_wait3A_34 = arith.constant 0 : i32
        %dma_wait3A_35 = tpu.memref_slice %arg18[%dma_wait3A, %dma_wait3A_34] : memref<10112x128xf32, #tpu.memory_space<vmem_shared>> -> memref<10112x128xf32, #tpu.memory_space<vmem_shared>>
        tpu.wait_indirect_dma semaphore(%run_scoped3A : memref<!tpu.dma_semaphore, #tpu.memory_space<semaphore_mem>>) src(%arg17 : memref<128x128xf32, #tpu.memory_space<vmem>>) dst(%dma_wait3A_35 : memref<10112x128xf32, #tpu.memory_space<vmem_shared>>)
        tpu.yield
      }) : () -> ()
    }
    %scan3A_9 = arith.constant 81 : i32
    %barrier3A_10 = arith.constant 0 : index
    tpu.barrier barrier_id(%barrier3A_10)
    %eq3A_11 = arith.constant 0 : i32
    %eq3A_12 = arith.cmpi eq, %arg1, %eq3A_11 : i32
    %convert_element_type3A_13 = arith.extui %eq3A_12 : i1 to i32
    %cond3A_14 = arith.constant 0 : i32
    %cond3A_15 = arith.cmpi ne, %convert_element_type3A_13, %cond3A_14 : i32
    scf.if %cond3A_15 {
      "tpu.region"() ({
        %run_scoped3A = tpu.sem_alloc : memref<!tpu.dma_semaphore, #tpu.memory_space<semaphore_mem>>
        %dma_start3A = arith.constant 0 : i32
        %dma_start3A_16 = arith.constant 0 : i32
        %dma_start3A_17 = tpu.memref_slice %arg9[%arg0, %dma_start3A, %dma_start3A_16] : memref<2x10112x128xf32, #tpu.memory_space<hbm>> -> memref<1x10112x128xf32, #tpu.memory_space<hbm>>
        %dma_start3A_18 = tpu.memref_squeeze %dma_start3A_17 : memref<1x10112x128xf32, #tpu.memory_space<hbm>> -> memref<10112x128xf32, #tpu.memory_space<hbm>>
        tpu.enqueue_dma source(%arg18 : memref<10112x128xf32, #tpu.memory_space<vmem_shared>>) target(%dma_start3A_18 : memref<10112x128xf32, #tpu.memory_space<hbm>>) target_semaphore(%run_scoped3A : memref<!tpu.dma_semaphore, #tpu.memory_space<semaphore_mem>>)
        %dma_wait3A = arith.constant 0 : i32
        %dma_wait3A_19 = arith.constant 0 : i32
        %dma_wait3A_20 = tpu.memref_slice %arg9[%arg0, %dma_wait3A, %dma_wait3A_19] : memref<2x10112x128xf32, #tpu.memory_space<hbm>> -> memref<1x10112x128xf32, #tpu.memory_space<hbm>>
        %dma_wait3A_21 = tpu.memref_squeeze %dma_wait3A_20 : memref<1x10112x128xf32, #tpu.memory_space<hbm>> -> memref<10112x128xf32, #tpu.memory_space<hbm>>
        tpu.wait_dma2 semaphore(%run_scoped3A : memref<!tpu.dma_semaphore, #tpu.memory_space<semaphore_mem>>) src(%arg18 : memref<10112x128xf32, #tpu.memory_space<vmem_shared>>) dst(%dma_wait3A_21 : memref<10112x128xf32, #tpu.memory_space<hbm>>)
        tpu.yield
      }) : () -> ()
    } else {
    }
    return
  }
}

module attributes {stable_mosaic.version = 14 : i64} {
  func.func @_t1_body(%arg0: i32, %arg1: memref<128x128xf32, #tpu.memory_space<vmem>>, %arg2: memref<128x256xf32, #tpu.memory_space<vmem>>, %arg3: memref<8x64xf32, #tpu.memory_space<vmem>>, %arg4: memref<8x64xf32, #tpu.memory_space<vmem>>, %arg5: memref<128x256xf32, #tpu.memory_space<vmem>>, %arg6: memref<128x16xf32, #tpu.memory_space<vmem>>, %arg7: memref<128x16xf32, #tpu.memory_space<vmem>>) attributes {dimension_semantics = [#tpu.dimension_semantics<arbitrary>], iteration_bounds = array<i64: 79>, scalar_prefetch = 0 : i64, scratch_operands = 0 : i64, tpu.core_type = #tpu.core_type<tc>, window_params = [{transform_indices = @transform_0, window_bounds = array<i64: 128, 128>}, {pipeline_mode = #tpu.pipeline_mode<synchronous>, transform_indices = @transform_1, window_bounds = array<i64: 128, 256>}, {pipeline_mode = #tpu.pipeline_mode<synchronous>, transform_indices = @transform_2, window_bounds = array<i64: 8, 64>}, {pipeline_mode = #tpu.pipeline_mode<synchronous>, transform_indices = @transform_3, window_bounds = array<i64: 8, 64>}, {transform_indices = @transform_4, window_bounds = array<i64: 128, 256>}, {transform_indices = @transform_5, window_bounds = array<i64: 128, 16>}, {transform_indices = @transform_6, window_bounds = array<i64: 128, 16>}]} {
    %get3A = arith.constant 0 : index
    %get3A_0 = arith.constant 0 : index
    %get3A_1 = vector.load %arg1[%get3A, %get3A_0] : memref<128x128xf32, #tpu.memory_space<vmem>>, vector<128x128xf32>
    %get3A_2 = arith.constant 0 : index
    %get3A_3 = arith.constant 0 : index
    %get3A_4 = vector.load %arg2[%get3A_2, %get3A_3] : memref<128x256xf32, #tpu.memory_space<vmem>>, vector<128x256xf32>
    %dot_general3A = arith.constant dense<0.000000e+00> : vector<128x256xf32>
    %dot_general3A_5 = tpu.matmul %get3A_1, %get3A_4, %dot_general3A {dimension_numbers = #tpu.dot_dimension_numbers<[1], [0], [0], [1], [0, 0, 1, 1], [], []>, transpose_lhs_hint = false} : vector<128x128xf32>, vector<128x256xf32>, vector<128x256xf32> -> vector<128x256xf32>
    %swap3A = arith.constant 0 : index
    %swap3A_6 = arith.constant 0 : index
    %swap3A_7 = vector.load %arg5[%swap3A, %swap3A_6] : memref<128x256xf32, #tpu.memory_space<vmem>>, vector<128x256xf32>
    tpu.vector_store %arg5[%swap3A, %swap3A_6], %dot_general3A_5 {strides = array<i32>} : memref<128x256xf32, #tpu.memory_space<vmem>>, vector<128x256xf32>,
    %reshape3A = vector.shape_cast %dot_general3A_5 : vector<128x256xf32> to vector<128x4x64xf32>
    %get3A_8 = arith.constant 0 : index
    %get3A_9 = arith.constant 0 : index
    %get3A_10 = vector.load %arg3[%get3A_8, %get3A_9] : memref<8x64xf32, #tpu.memory_space<vmem>>, vector<8x64xf32>
    %slice3A = vector.extract_strided_slice %get3A_10 {offsets = [0, 0], sizes = [4, 64], strides = [1, 1]} : vector<8x64xf32> to vector<4x64xf32>
    %broadcast_in_dim3A = vector.shape_cast %slice3A : vector<4x64xf32> to vector<1x4x64xf32>
    %mul3A = vector.broadcast %broadcast_in_dim3A : vector<1x4x64xf32> to vector<128x4x64xf32>
    %mul3A_11 = arith.mulf %reshape3A, %mul3A : vector<128x4x64xf32>
    %reduce_sum3A = arith.constant dense<0.000000e+00> : vector<128x4xf32>
    %reduce_sum3A_12 = vector.multi_reduction <add>, %mul3A_11, %reduce_sum3A [2] : vector<128x4x64xf32> to vector<128x4xf32>
    %get3A_13 = arith.constant 0 : index
    %get3A_14 = arith.constant 0 : index
    %get3A_15 = vector.load %arg4[%get3A_13, %get3A_14] : memref<8x64xf32, #tpu.memory_space<vmem>>, vector<8x64xf32>
    %slice3A_16 = vector.extract_strided_slice %get3A_15 {offsets = [0, 0], sizes = [4, 64], strides = [1, 1]} : vector<8x64xf32> to vector<4x64xf32>
    %broadcast_in_dim3A_17 = vector.shape_cast %slice3A_16 : vector<4x64xf32> to vector<1x4x64xf32>
    %mul3A_18 = vector.broadcast %broadcast_in_dim3A_17 : vector<1x4x64xf32> to vector<128x4x64xf32>
    %mul3A_19 = arith.mulf %reshape3A, %mul3A_18 : vector<128x4x64xf32>
    %reduce_sum3A_20 = arith.constant dense<0.000000e+00> : vector<128x4xf32>
    %reduce_sum3A_21 = vector.multi_reduction <add>, %mul3A_19, %reduce_sum3A_20 [2] : vector<128x4x64xf32> to vector<128x4xf32>
    %concatenate3A = tpu.concatenate %reduce_sum3A_12, %reduce_sum3A_12, %reduce_sum3A_12, %reduce_sum3A_12 in 1 : vector<128x4xf32>, vector<128x4xf32>, vector<128x4xf32>, vector<128x4xf32> -> vector<128x16xf32>
    %swap3A_22 = arith.constant 0 : index
    %swap3A_23 = arith.constant 0 : index
    %swap3A_24 = vector.load %arg6[%swap3A_22, %swap3A_23] : memref<128x16xf32, #tpu.memory_space<vmem>>, vector<128x16xf32>
    tpu.vector_store %arg6[%swap3A_22, %swap3A_23], %concatenate3A {strides = array<i32>} : memref<128x16xf32, #tpu.memory_space<vmem>>, vector<128x16xf32>,
    %concatenate3A_25 = tpu.concatenate %reduce_sum3A_21, %reduce_sum3A_21, %reduce_sum3A_21, %reduce_sum3A_21 in 1 : vector<128x4xf32>, vector<128x4xf32>, vector<128x4xf32>, vector<128x4xf32> -> vector<128x16xf32>
    %swap3A_26 = arith.constant 0 : index
    %swap3A_27 = arith.constant 0 : index
    %swap3A_28 = vector.load %arg7[%swap3A_26, %swap3A_27] : memref<128x16xf32, #tpu.memory_space<vmem>>, vector<128x16xf32>
    tpu.vector_store %arg7[%swap3A_26, %swap3A_27], %concatenate3A_25 {strides = array<i32>} : memref<128x16xf32, #tpu.memory_space<vmem>>, vector<128x16xf32>,
    return
  }
  func.func @transform_0(%arg0: i32) -> (i32, i32) {
    %c0_i32 = arith.constant 0 : i32
    %c0_i32_0 = arith.constant 0 : i32
    return %arg0, %c0_i32 : i32, i32
  }
  func.func @transform_1(%arg0: i32) -> (i32, i32) {
    %c0_i32 = arith.constant 0 : i32
    %c0_i32_0 = arith.constant 0 : i32
    %c0_i32_1 = arith.constant 0 : i32
    return %c0_i32, %c0_i32_0 : i32, i32
  }
  func.func @transform_2(%arg0: i32) -> (i32, i32) {
    %c0_i32 = arith.constant 0 : i32
    %c0_i32_0 = arith.constant 0 : i32
    %c0_i32_1 = arith.constant 0 : i32
    return %c0_i32, %c0_i32_0 : i32, i32
  }
  func.func @transform_3(%arg0: i32) -> (i32, i32) {
    %c0_i32 = arith.constant 0 : i32
    %c0_i32_0 = arith.constant 0 : i32
    %c0_i32_1 = arith.constant 0 : i32
    return %c0_i32, %c0_i32_0 : i32, i32
  }
  func.func @transform_4(%arg0: i32) -> (i32, i32) {
    %c0_i32 = arith.constant 0 : i32
    %c0_i32_0 = arith.constant 0 : i32
    return %arg0, %c0_i32 : i32, i32
  }
  func.func @transform_5(%arg0: i32) -> (i32, i32) {
    %c0_i32 = arith.constant 0 : i32
    %c0_i32_0 = arith.constant 0 : i32
    return %arg0, %c0_i32 : i32, i32
  }
  func.func @transform_6(%arg0: i32) -> (i32, i32) {
    %c0_i32 = arith.constant 0 : i32
    %c0_i32_0 = arith.constant 0 : i32
    return %arg0, %c0_i32 : i32, i32
  }
}

module attributes {stable_mosaic.version = 14 : i64} {
  func.func @_tmerge_body(%arg0: i32, %arg1: memref<128x128xf32, #tpu.memory_space<vmem>>, %arg2: memref<128x128xf32, #tpu.memory_space<vmem>>, %arg3: memref<128x128xf32, #tpu.memory_space<vmem>>, %arg4: memref<128x128xf32, #tpu.memory_space<vmem>>, %arg5: memref<8x256xf32, #tpu.memory_space<vmem>>, %arg6: memref<256x256xf32, #tpu.memory_space<vmem>>, %arg7: memref<8x64xf32, #tpu.memory_space<vmem>>, %arg8: memref<8x64xf32, #tpu.memory_space<vmem>>, %arg9: memref<128x256xf32, #tpu.memory_space<vmem>>, %arg10: memref<128x16xf32, #tpu.memory_space<vmem>>, %arg11: memref<128x16xf32, #tpu.memory_space<vmem>>) attributes {dimension_semantics = [#tpu.dimension_semantics<arbitrary>], iteration_bounds = array<i64: 79>, scalar_prefetch = 0 : i64, scratch_operands = 0 : i64, tpu.core_type = #tpu.core_type<tc>, window_params = [{transform_indices = @transform_0, window_bounds = array<i64: 128, 128>}, {transform_indices = @transform_1, window_bounds = array<i64: 128, 128>}, {transform_indices = @transform_2, window_bounds = array<i64: 128, 128>}, {transform_indices = @transform_3, window_bounds = array<i64: 128, 128>}, {pipeline_mode = #tpu.pipeline_mode<synchronous>, transform_indices = @transform_4, window_bounds = array<i64: 8, 256>}, {pipeline_mode = #tpu.pipeline_mode<synchronous>, transform_indices = @transform_5, window_bounds = array<i64: 256, 256>}, {pipeline_mode = #tpu.pipeline_mode<synchronous>, transform_indices = @transform_6, window_bounds = array<i64: 8, 64>}, {pipeline_mode = #tpu.pipeline_mode<synchronous>, transform_indices = @transform_7, window_bounds = array<i64: 8, 64>}, {transform_indices = @transform_8, window_bounds = array<i64: 128, 256>}, {transform_indices = @transform_9, window_bounds = array<i64: 128, 16>}, {transform_indices = @transform_10, window_bounds = array<i64: 128, 16>}]} {
    %get3A = arith.constant 0 : index
    %get3A_0 = arith.constant 0 : index
    %get3A_1 = vector.load %arg1[%get3A, %get3A_0] : memref<128x128xf32, #tpu.memory_space<vmem>>, vector<128x128xf32>
    %get3A_2 = arith.constant 0 : index
    %get3A_3 = arith.constant 0 : index
    %get3A_4 = vector.load %arg2[%get3A_2, %get3A_3] : memref<128x128xf32, #tpu.memory_space<vmem>>, vector<128x128xf32>
    %add3A = arith.addf %get3A_1, %get3A_4 : vector<128x128xf32>
    %get3A_5 = arith.constant 0 : index
    %get3A_6 = arith.constant 0 : index
    %get3A_7 = vector.load %arg3[%get3A_5, %get3A_6] : memref<128x128xf32, #tpu.memory_space<vmem>>, vector<128x128xf32>
    %get3A_8 = arith.constant 0 : index
    %get3A_9 = arith.constant 0 : index
    %get3A_10 = vector.load %arg4[%get3A_8, %get3A_9] : memref<128x128xf32, #tpu.memory_space<vmem>>, vector<128x128xf32>
    %add3A_11 = arith.addf %get3A_7, %get3A_10 : vector<128x128xf32>
    %concatenate3A = tpu.concatenate %add3A, %add3A_11 in 1 : vector<128x128xf32>, vector<128x128xf32> -> vector<128x256xf32>
    %get3A_12 = arith.constant 0 : index
    %get3A_13 = arith.constant 0 : index
    %get3A_14 = vector.load %arg5[%get3A_12, %get3A_13] : memref<8x256xf32, #tpu.memory_space<vmem>>, vector<8x256xf32>
    %slice3A = vector.extract_strided_slice %get3A_14 {offsets = [0, 0], sizes = [1, 256], strides = [1, 1]} : vector<8x256xf32> to vector<1x256xf32>
    %add3A_15 = vector.broadcast %slice3A : vector<1x256xf32> to vector<128x256xf32>
    %add3A_16 = arith.addf %concatenate3A, %add3A_15 : vector<128x256xf32>
    %gt3A = arith.constant 0.000000e+00 : f32
    %gt3A_17 = vector.broadcast %gt3A : f32 to vector<128x256xf32>
    %gt3A_18 = arith.cmpf ogt, %add3A_16, %gt3A_17 : vector<128x256xf32>
    %min3A = arith.constant 0.000000e+00 : f32
    %min3A_19 = vector.broadcast %min3A : f32 to vector<128x256xf32>
    %min3A_20 = arith.minimumf %add3A_16, %min3A_19 : vector<128x256xf32>
    %exp3A = math.exp %min3A_20 : vector<128x256xf32>
    %sub3A = arith.constant 1.000000e+00 : f32
    %sub3A_21 = vector.broadcast %sub3A : f32 to vector<128x256xf32>
    %sub3A_22 = arith.subf %exp3A, %sub3A_21 : vector<128x256xf32>
    %select_n3A = arith.select %gt3A_18, %add3A_16, %sub3A_22 : vector<128x256xi1>, vector<128x256xf32>
    %get3A_23 = arith.constant 0 : index
    %get3A_24 = arith.constant 0 : index
    %get3A_25 = vector.load %arg6[%get3A_23, %get3A_24] : memref<256x256xf32, #tpu.memory_space<vmem>>, vector<256x256xf32>
    %dot_general3A = arith.constant dense<0.000000e+00> : vector<128x256xf32>
    %dot_general3A_26 = tpu.matmul %select_n3A, %get3A_25, %dot_general3A {dimension_numbers = #tpu.dot_dimension_numbers<[1], [0], [0], [1], [0, 0, 1, 1], [], []>, transpose_lhs_hint = false} : vector<128x256xf32>, vector<256x256xf32>, vector<128x256xf32> -> vector<128x256xf32>
    %swap3A = arith.constant 0 : index
    %swap3A_27 = arith.constant 0 : index
    %swap3A_28 = vector.load %arg9[%swap3A, %swap3A_27] : memref<128x256xf32, #tpu.memory_space<vmem>>, vector<128x256xf32>
    tpu.vector_store %arg9[%swap3A, %swap3A_27], %dot_general3A_26 {strides = array<i32>} : memref<128x256xf32, #tpu.memory_space<vmem>>, vector<128x256xf32>,
    %reshape3A = vector.shape_cast %dot_general3A_26 : vector<128x256xf32> to vector<128x4x64xf32>
    %get3A_29 = arith.constant 0 : index
    %get3A_30 = arith.constant 0 : index
    %get3A_31 = vector.load %arg7[%get3A_29, %get3A_30] : memref<8x64xf32, #tpu.memory_space<vmem>>, vector<8x64xf32>
    %slice3A_32 = vector.extract_strided_slice %get3A_31 {offsets = [0, 0], sizes = [4, 64], strides = [1, 1]} : vector<8x64xf32> to vector<4x64xf32>
    %broadcast_in_dim3A = vector.shape_cast %slice3A_32 : vector<4x64xf32> to vector<1x4x64xf32>
    %mul3A = vector.broadcast %broadcast_in_dim3A : vector<1x4x64xf32> to vector<128x4x64xf32>
    %mul3A_33 = arith.mulf %reshape3A, %mul3A : vector<128x4x64xf32>
    %reduce_sum3A = arith.constant dense<0.000000e+00> : vector<128x4xf32>
    %reduce_sum3A_34 = vector.multi_reduction <add>, %mul3A_33, %reduce_sum3A [2] : vector<128x4x64xf32> to vector<128x4xf32>
    %get3A_35 = arith.constant 0 : index
    %get3A_36 = arith.constant 0 : index
    %get3A_37 = vector.load %arg8[%get3A_35, %get3A_36] : memref<8x64xf32, #tpu.memory_space<vmem>>, vector<8x64xf32>
    %slice3A_38 = vector.extract_strided_slice %get3A_37 {offsets = [0, 0], sizes = [4, 64], strides = [1, 1]} : vector<8x64xf32> to vector<4x64xf32>
    %broadcast_in_dim3A_39 = vector.shape_cast %slice3A_38 : vector<4x64xf32> to vector<1x4x64xf32>
    %mul3A_40 = vector.broadcast %broadcast_in_dim3A_39 : vector<1x4x64xf32> to vector<128x4x64xf32>
    %mul3A_41 = arith.mulf %reshape3A, %mul3A_40 : vector<128x4x64xf32>
    %reduce_sum3A_42 = arith.constant dense<0.000000e+00> : vector<128x4xf32>
    %reduce_sum3A_43 = vector.multi_reduction <add>, %mul3A_41, %reduce_sum3A_42 [2] : vector<128x4x64xf32> to vector<128x4xf32>
    %concatenate3A_44 = tpu.concatenate %reduce_sum3A_34, %reduce_sum3A_34, %reduce_sum3A_34, %reduce_sum3A_34 in 1 : vector<128x4xf32>, vector<128x4xf32>, vector<128x4xf32>, vector<128x4xf32> -> vector<128x16xf32>
    %swap3A_45 = arith.constant 0 : index
    %swap3A_46 = arith.constant 0 : index
    %swap3A_47 = vector.load %arg10[%swap3A_45, %swap3A_46] : memref<128x16xf32, #tpu.memory_space<vmem>>, vector<128x16xf32>
    tpu.vector_store %arg10[%swap3A_45, %swap3A_46], %concatenate3A_44 {strides = array<i32>} : memref<128x16xf32, #tpu.memory_space<vmem>>, vector<128x16xf32>,
    %concatenate3A_48 = tpu.concatenate %reduce_sum3A_43, %reduce_sum3A_43, %reduce_sum3A_43, %reduce_sum3A_43 in 1 : vector<128x4xf32>, vector<128x4xf32>, vector<128x4xf32>, vector<128x4xf32> -> vector<128x16xf32>
    %swap3A_49 = arith.constant 0 : index
    %swap3A_50 = arith.constant 0 : index
    %swap3A_51 = vector.load %arg11[%swap3A_49, %swap3A_50] : memref<128x16xf32, #tpu.memory_space<vmem>>, vector<128x16xf32>
    tpu.vector_store %arg11[%swap3A_49, %swap3A_50], %concatenate3A_48 {strides = array<i32>} : memref<128x16xf32, #tpu.memory_space<vmem>>, vector<128x16xf32>,
    return
  }
  func.func @transform_0(%arg0: i32) -> (i32, i32) {
    %c0_i32 = arith.constant 0 : i32
    %c0_i32_0 = arith.constant 0 : i32
    return %arg0, %c0_i32 : i32, i32
  }
  func.func @transform_1(%arg0: i32) -> (i32, i32) {
    %c0_i32 = arith.constant 0 : i32
    %c0_i32_0 = arith.constant 0 : i32
    return %arg0, %c0_i32 : i32, i32
  }
  func.func @transform_2(%arg0: i32) -> (i32, i32) {
    %c0_i32 = arith.constant 0 : i32
    %c0_i32_0 = arith.constant 0 : i32
    return %arg0, %c0_i32 : i32, i32
  }
  func.func @transform_3(%arg0: i32) -> (i32, i32) {
    %c0_i32 = arith.constant 0 : i32
    %c0_i32_0 = arith.constant 0 : i32
    return %arg0, %c0_i32 : i32, i32
  }
  func.func @transform_4(%arg0: i32) -> (i32, i32) {
    %c0_i32 = arith.constant 0 : i32
    %c0_i32_0 = arith.constant 0 : i32
    %c0_i32_1 = arith.constant 0 : i32
    return %c0_i32, %c0_i32_0 : i32, i32
  }
  func.func @transform_5(%arg0: i32) -> (i32, i32) {
    %c0_i32 = arith.constant 0 : i32
    %c0_i32_0 = arith.constant 0 : i32
    %c0_i32_1 = arith.constant 0 : i32
    return %c0_i32, %c0_i32_0 : i32, i32
  }
  func.func @transform_6(%arg0: i32) -> (i32, i32) {
    %c0_i32 = arith.constant 0 : i32
    %c0_i32_0 = arith.constant 0 : i32
    %c0_i32_1 = arith.constant 0 : i32
    return %c0_i32, %c0_i32_0 : i32, i32
  }
  func.func @transform_7(%arg0: i32) -> (i32, i32) {
    %c0_i32 = arith.constant 0 : i32
    %c0_i32_0 = arith.constant 0 : i32
    %c0_i32_1 = arith.constant 0 : i32
    return %c0_i32, %c0_i32_0 : i32, i32
  }
  func.func @transform_8(%arg0: i32) -> (i32, i32) {
    %c0_i32 = arith.constant 0 : i32
    %c0_i32_0 = arith.constant 0 : i32
    return %arg0, %c0_i32 : i32, i32
  }
  func.func @transform_9(%arg0: i32) -> (i32, i32) {
    %c0_i32 = arith.constant 0 : i32
    %c0_i32_0 = arith.constant 0 : i32
    return %arg0, %c0_i32 : i32, i32
  }
  func.func @transform_10(%arg0: i32) -> (i32, i32) {
    %c0_i32 = arith.constant 0 : i32
    %c0_i32_0 = arith.constant 0 : i32
    return %arg0, %c0_i32 : i32, i32
  }
}

module attributes {stable_mosaic.version = 14 : i64} {
  func.func @_tfinal_body(%arg0: i32, %arg1: memref<128x128xf32, #tpu.memory_space<vmem>>, %arg2: memref<128x128xf32, #tpu.memory_space<vmem>>, %arg3: memref<128x128xf32, #tpu.memory_space<vmem>>, %arg4: memref<128x128xf32, #tpu.memory_space<vmem>>, %arg5: memref<8x64xf32, #tpu.memory_space<vmem>>, %arg6: memref<128x64xf32, #tpu.memory_space<vmem>>) attributes {dimension_semantics = [#tpu.dimension_semantics<arbitrary>], iteration_bounds = array<i64: 79>, scalar_prefetch = 0 : i64, scratch_operands = 0 : i64, tpu.core_type = #tpu.core_type<tc>, window_params = [{transform_indices = @transform_0, window_bounds = array<i64: 128, 128>}, {transform_indices = @transform_1, window_bounds = array<i64: 128, 128>}, {transform_indices = @transform_2, window_bounds = array<i64: 128, 128>}, {transform_indices = @transform_3, window_bounds = array<i64: 128, 128>}, {pipeline_mode = #tpu.pipeline_mode<synchronous>, transform_indices = @transform_4, window_bounds = array<i64: 8, 64>}, {transform_indices = @transform_5, window_bounds = array<i64: 128, 64>}]} {
    %get3A = arith.constant 0 : index
    %get3A_0 = arith.constant 0 : index
    %get3A_1 = vector.load %arg1[%get3A, %get3A_0] : memref<128x128xf32, #tpu.memory_space<vmem>>, vector<128x128xf32>
    %get3A_2 = arith.constant 0 : index
    %get3A_3 = arith.constant 0 : index
    %get3A_4 = vector.load %arg2[%get3A_2, %get3A_3] : memref<128x128xf32, #tpu.memory_space<vmem>>, vector<128x128xf32>
    %add3A = arith.addf %get3A_1, %get3A_4 : vector<128x128xf32>
    %reshape3A = vector.shape_cast %add3A : vector<128x128xf32> to vector<128x2x64xf32>
    %reduce_sum3A = arith.constant dense<0.000000e+00> : vector<128x64xf32>
    %reduce_sum3A_5 = vector.multi_reduction <add>, %reshape3A, %reduce_sum3A [1] : vector<128x2x64xf32> to vector<128x64xf32>
    %get3A_6 = arith.constant 0 : index
    %get3A_7 = arith.constant 0 : index
    %get3A_8 = vector.load %arg3[%get3A_6, %get3A_7] : memref<128x128xf32, #tpu.memory_space<vmem>>, vector<128x128xf32>
    %get3A_9 = arith.constant 0 : index
    %get3A_10 = arith.constant 0 : index
    %get3A_11 = vector.load %arg4[%get3A_9, %get3A_10] : memref<128x128xf32, #tpu.memory_space<vmem>>, vector<128x128xf32>
    %add3A_12 = arith.addf %get3A_8, %get3A_11 : vector<128x128xf32>
    %reshape3A_13 = vector.shape_cast %add3A_12 : vector<128x128xf32> to vector<128x2x64xf32>
    %reduce_sum3A_14 = arith.constant dense<0.000000e+00> : vector<128x64xf32>
    %reduce_sum3A_15 = vector.multi_reduction <add>, %reshape3A_13, %reduce_sum3A_14 [1] : vector<128x2x64xf32> to vector<128x64xf32>
    %add3A_16 = arith.addf %reduce_sum3A_5, %reduce_sum3A_15 : vector<128x64xf32>
    %mul3A = arith.constant 2.500000e-01 : f32
    %mul3A_17 = vector.broadcast %mul3A : f32 to vector<128x64xf32>
    %mul3A_18 = arith.mulf %add3A_16, %mul3A_17 : vector<128x64xf32>
    %get3A_19 = arith.constant 0 : index
    %get3A_20 = arith.constant 0 : index
    %get3A_21 = vector.load %arg5[%get3A_19, %get3A_20] : memref<8x64xf32, #tpu.memory_space<vmem>>, vector<8x64xf32>
    %slice3A = vector.extract_strided_slice %get3A_21 {offsets = [0, 0], sizes = [1, 64], strides = [1, 1]} : vector<8x64xf32> to vector<1x64xf32>
    %add3A_22 = vector.broadcast %slice3A : vector<1x64xf32> to vector<128x64xf32>
    %add3A_23 = arith.addf %mul3A_18, %add3A_22 : vector<128x64xf32>
    %swap3A = arith.constant 0 : index
    %swap3A_24 = arith.constant 0 : index
    %swap3A_25 = vector.load %arg6[%swap3A, %swap3A_24] : memref<128x64xf32, #tpu.memory_space<vmem>>, vector<128x64xf32>
    tpu.vector_store %arg6[%swap3A, %swap3A_24], %add3A_23 {strides = array<i32>} : memref<128x64xf32, #tpu.memory_space<vmem>>, vector<128x64xf32>,
    return
  }
  func.func @transform_0(%arg0: i32) -> (i32, i32) {
    %c0_i32 = arith.constant 0 : i32
    %c0_i32_0 = arith.constant 0 : i32
    return %arg0, %c0_i32 : i32, i32
  }
  func.func @transform_1(%arg0: i32) -> (i32, i32) {
    %c0_i32 = arith.constant 0 : i32
    %c0_i32_0 = arith.constant 0 : i32
    return %arg0, %c0_i32 : i32, i32
  }
  func.func @transform_2(%arg0: i32) -> (i32, i32) {
    %c0_i32 = arith.constant 0 : i32
    %c0_i32_0 = arith.constant 0 : i32
    return %arg0, %c0_i32 : i32, i32
  }
  func.func @transform_3(%arg0: i32) -> (i32, i32) {
    %c0_i32 = arith.constant 0 : i32
    %c0_i32_0 = arith.constant 0 : i32
    return %arg0, %c0_i32 : i32, i32
  }
  func.func @transform_4(%arg0: i32) -> (i32, i32) {
    %c0_i32 = arith.constant 0 : i32
    %c0_i32_0 = arith.constant 0 : i32
    %c0_i32_1 = arith.constant 0 : i32
    return %c0_i32, %c0_i32_0 : i32, i32
  }
  func.func @transform_5(%arg0: i32) -> (i32, i32) {
    %c0_i32 = arith.constant 0 : i32
    %c0_i32_0 = arith.constant 0 : i32
    return %arg0, %c0_i32 : i32, i32
  }
}

</mosaic_0001>

<sc_bundles>
// kernel: kernel.11.cloned.1.call-start
scs
__scs_entry_jumppad:
0x0: {  	(pc) =	sbr.rel $0x88, $3  }
0x1: {  	(tag) =	ssettag $0x0;
	lr =	simm.s32 $0x1  }
0x2: {  	[smem:$0x3F97] =	sst lr;
	_ =	strace $0xD0000000  }
0x3: {  	_ = 	snop  }
0x4: {  	_ = 	snop  }
0x5: {  	_ = 	snop  }
0x6: {  	_ = 	snop  }
0x7: {  	_ = 	snop  }
__scs_overlays_trampoline_lowered:
0x8: {  	[smem:$0x3FA6] =	sst s0  }
0x9: {  	[smem:$0x3FA7] =	sst s1  }
0xa: {  	[smem:$0x3FA8] =	sst s2  }
0xb: {  	[smem:$0x3FA9] =	sst s3  }
0xc: {  	[smem:$0x3FAA] =	sst s4  }
0xd: {  	[smem:$0x3FAB] =	sst s5  }
0xe: {  	[smem:$0x3FAC] =	sst s6  }
0xf: {  	[smem:$0x3FAD] =	sst s7  }
0x10: {  	[smem:$0x3FAE] =	sst s8  }
0x11: {  	[smem:$0x3FAF] =	sst s9;
	s0 =	simm.s32 @!p0 $0x0  }
0x12: {  	s1 =	sld [smem:$0x3F95];
	s0 =	simm.s32 @p0 $0x1  }
0x13: {  	[smem:$0x3FB0] =	sst s0;
	s0 =	simm.s32 @!p1 $0x0  }
0x14: {  	s2 =	sld [smem:$0x3F94];
	s0 =	simm.s32 @p1 $0x1  }
0x15: {  	[smem:$0x3FB1] =	sst s0;
	s0 =	simm.s32 @!p2 $0x0  }
0x16: {  	s3 =	sld [smem:$0x3FDB];
	s0 =	simm.s32 @p2 $0x1  }
0x17: {  	s4 =	simm.s32 $0x1BF5;
	[smem:$0x3FB3] =	sst s0  }
0x18: {  	s0 =	sld [smem:$0x3F96];
	_ =	swait.ge [sflag:s4], $0x0  }
0x19: {  	s7 =	sld [smem:$0x3F97]  }
0x1a: {  	s8 =	sadd.s32 $0xFFFFE003, lr  }
0x1b: {  	s9 =	sadd.s32 $0xFFFFFEF7, lr;
	s5 =	simm.s32 $0xFFFFFFFF;
	p2 =	slt.u32 s8, $0xFFFFF086  }
0x1c: {  	p1 =	slt.u32 s9, $0xF7A;
	s5 =	simm.s32 @!p2 $0x0  }
0x1d: {  	s5 =	simm.s32 @p1 $0x1;
	p0 =	seq.s32 s7, s2  }
0x1e: {  	s7 =	smul.u32 @!p0 $0xF7A, s2;
	p2 =	seq.s32 @!p0 s5, $0x0  }
0x1f: {  	s9 =	smul.u32 $0xF7A, s1;
	s8 =	simm.s32 @!p0 $0x1BF5;
	p2 =	por !p2, p0  }
0x20: {  	[sflag:s8] =	ssyncset.s32 @!p0 $0xFFFFF086;
	s6 =	sadd.s32 @!p0 s3, s7;
	s7 =	simm.s32 @!p0 $0x108  }
0x21: {  	s3 =	sadd.s32 s3, s9;
	s6 =	sadd.s32 @!p0 $0x88, s6;
	s7 =	simm.s32 @p2 $0x1082  }
0x22: {  	[simem:s7], [sflag:s8] =	dma.local @!p0 [hbm:s6], $0xF7A  }
0x23: {  	s9 =	sor.u32 $0xD0000000, s2;
	s6 =	simm.s32 $0x108;
	_ =	swait.ge @!p0 [sflag:s8], $0x0  }
0x24: {  	s3 =	sadd.s32 $0x88, s3;
	s6 =	simm.s32 @!p1 $0x1082;
	[sflag:s4] =	ssyncset.s32 $0xFFFFF086  }
0x25: {  	[simem:s6], [sflag:s4] =	dma.local [hbm:s3], $0xF7A  }
0x26: {  	[smem:$0x3F97] =	sst s1;
	(tag) =	ssettag s2;
	_ =	strace s9  }
0x27: {  	s1 =	sld [smem:$0x3FA7]  }
0x28: {  	s2 =	sld [smem:$0x3FA8]  }
0x29: {  	s4 =	sld [smem:$0x3FAA]  }
0x2a: {  	p0 =	seq.s32 s5, $0x0;
	s5 =	sld [smem:$0x3FAB]  }
0x2b: {  	s6 =	sld [smem:$0x3FAC]  }
0x2c: {  	s7 =	sld [smem:$0x3FAD]  }
0x2d: {  	s3 =	simm.s32 $0x108;
	s8 =	sld [smem:$0x3FAE]  }
0x2e: {  	s3 =	simm.s32 @!p0 $0x1082;
	s9 =	sld [smem:$0x3FAF]  }
0x2f: {  	lr =	sadd.s32 s0, s3;
	s0 =	sld [smem:$0x3FA6]  }
0x30: {  	s3 =	sld [smem:$0x3FA9]  }
0x31: {  	[smem:$0x3FB2] =	sst s10  }
0x32: {  	s10 =	sld [smem:$0x3FB0];
	_ =	sdelay $0x3  }
0x33: {  	p0 =	seq.s32 s10, $0x1;
	s10 =	sld [smem:$0x3FB2];
	_ =	sdelay $0x3  }
0x34: {  	[smem:$0x3FB2] =	sst s10  }
0x35: {  	s10 =	sld [smem:$0x3FB1];
	_ =	sdelay $0x3  }
0x36: {  	p1 =	seq.s32 s10, $0x1;
	s10 =	sld [smem:$0x3FB2];
	_ =	sdelay $0x3  }
0x37: {  	[smem:$0x3FB2] =	sst s10  }
0x38: {  	s10 =	sld [smem:$0x3FB3]  }
0x39: {  	_ = 	snop;
	(pc) =	sbr.ind lr, $3  }
0x3a: {  	_ = 	snop  }
0x3b: {  	_ = 	snop  }
0x3c: {  	p2 =	seq.s32 s10, $0x1;
	s10 =	sld [smem:$0x3FB2]  }
0x3d: {  	_ =	shalt  }
0x3e: {  	_ =	shalt  }
0x3f: {  	_ =	shalt  }
0x40: {  	_ =	shalt  }
0x41: {  	_ =	shalt  }
0x42: {  	_ =	shalt  }
0x43: {  	_ =	shalt  }
0x44: {  	_ =	shalt  }
0x45: {  	_ =	shalt  }
0x46: {  	_ =	shalt  }
0x47: {  	_ =	shalt  }
0x48: {  	_ =	shalt  }
0x49: {  	_ =	shalt  }
0x4a: {  	_ =	shalt  }
0x4b: {  	_ =	shalt  }
0x4c: {  	_ =	shalt  }
0x4d: {  	_ =	shalt  }
0x4e: {  	_ =	shalt  }
0x4f: {  	_ =	shalt  }
0x50: {  	_ =	shalt  }
0x51: {  	_ =	shalt  }
0x52: {  	_ =	shalt  }
0x53: {  	_ =	shalt  }
0x54: {  	_ =	shalt  }
0x55: {  	_ =	shalt  }
0x56: {  	_ =	shalt  }
0x57: {  	_ =	shalt  }
0x58: {  	_ =	shalt  }
0x59: {  	_ =	shalt  }
0x5a: {  	_ =	shalt  }
0x5b: {  	_ =	shalt  }
0x5c: {  	_ =	shalt  }
0x5d: {  	_ =	shalt  }
0x5e: {  	_ =	shalt  }
0x5f: {  	_ =	shalt  }
0x60: {  	_ =	shalt  }
0x61: {  	_ =	shalt  }
0x62: {  	_ =	shalt  }
0x63: {  	_ =	shalt  }
0x64: {  	_ =	shalt  }
0x65: {  	_ =	shalt  }
0x66: {  	_ =	shalt  }
0x67: {  	_ =	shalt  }
0x68: {  	_ =	shalt  }
0x69: {  	_ =	shalt  }
0x6a: {  	_ =	shalt  }
0x6b: {  	_ =	shalt  }
0x6c: {  	_ =	shalt  }
0x6d: {  	_ =	shalt  }
0x6e: {  	_ =	shalt  }
0x6f: {  	_ =	shalt  }
0x70: {  	_ =	shalt  }
0x71: {  	_ =	shalt  }
0x72: {  	_ =	shalt  }
0x73: {  	_ =	shalt  }
0x74: {  	_ =	shalt  }
0x75: {  	_ =	shalt  }
0x76: {  	_ =	shalt  }
0x77: {  	_ =	shalt  }
0x78: {  	_ =	shalt  }
0x79: {  	_ =	shalt  }
0x7a: {  	_ =	shalt  }
0x7b: {  	_ =	shalt  }
0x7c: {  	_ =	shalt  }
0x7d: {  	_ =	shalt  }
0x7e: {  	_ =	shalt  }
0x7f: {  	_ =	shalt  }
0x80: {  	_ =	shalt  }
0x81: {  	_ =	shalt  }
0x82: {  	_ =	shalt  }
0x83: {  	_ =	shalt  }
0x84: {  	_ =	shalt  }
0x85: {  	_ =	shalt  }
0x86: {  	_ =	shalt  }
0x87: {  	_ =	shalt  }
.Lfunc_end0:
.L_simem_size_0:
called_computation_lowered:
.L_overlay_start_0:
0x88: {  	s2 =	sld [smem:$0x3FD9]  }
0x89: {  	s3 =	sld [smem:$0x3FFE];
	_ =	sdelay $0x1  }
0x8a: {  	s1 =	srdreg.scid  }
0x8b: {  	s0 =	sand.u32 $0x1, s1  }
0x8c: {  	s17 =	sshll.u32 s0, $0xA;
	s2 =	sadd.s32 s3, s2  }
0x8d: {  	s2 =	sadd.s32 s2, s17  }
0x8e: {  	[smem:$0x3FBE] =	sst s2  }
0x8f: {  	_ = 	snop  }
0x90: {  	s2 =	sld [smem:$0x3FD0];
	(tm) =	ssettm $0x1  }
0x91: {  	s18 =	sld [smem:$0x3FFB];
	_ =	sdelay $0x3  }
0x92: {  	_ =	strace s18  }
0x93: {  	s3 =	sld [smem:$0x3FFC];
	_ =	sdelay $0x3  }
0x94: {  	_ =	strace s3  }
0x95: {  	s3 =	sld [smem:$0x3FFD];
	_ =	sdelay $0x3  }
0x96: {  	_ =	strace s3  }
0x97: {  	_ =	strace $0x8FFFFFFF  }
0x98: {  	s19 =	sld [smem:$0x3FDB];
	_ =	sdelay $0x1  }
0x99: {  	s4 =	simm.s32 $_scs_section_size  }
0x9a: {  	s5 =	simm.s32 $_size__tile_overlayer_lowered;
	s6 =	simm.s32 $_tile_overlayer_lowered  }
0x9b: {  	s22 =	simm.s32 $0x1BFF;
	s21 =	sshll.u32 s6, $0x1;
	s3 =	sadd.s32 s4, s19  }
0x9c: {  	s7 =	simm.s32 $0x0;
	s20 =	sshll.u32 s5, $0x1;
	s5 =	sadd.s32 s21, s3  }
0x9d: {  	[timem:s7], [sflag:s22] =	dma.local [hbm:s5], s20  }
0x9e: {  	_ =	swait.ge [sflag:s22], s20  }
0x9f: {  	s4 =	ssub.s32 $0x0, s20;
	[sflag:s22] =	ssyncset.done $0x0  }
0xa0: {  	[sflag:s22] =	ssyncadd.s32 s4;
	_ =	sdelay $0x1  }
0xa1: {  	s23 =	simm.s32 $0x1B8B  }
0xa2: {  	_ =	swait.ge [sflag:s23], $0x1  }
0xa3: {  	[sflag:s23] =	ssyncset.done $0x0  }
0xa4: {  	s25 =	simm.s32 $0x1B8E;
	s24 =	sld [smem:$0x3FFE];
	[sflag:s23] =	ssyncadd.s32 $0xFFFFFFFF  }
0xa5: {  	s26 =	simm.s32 $execute0_lowered;
	[smem:$0x3FD2] =	sst s25  }
0xa6: {  	s5 =	sshll.u32 s26, $0x1;
	_ =	strace $0x80000046;
	[dreg:$0x1] =	wrdreg $0xFFFFFFFF  }
0xa7: {  	s28 =	simm.s32 $_size_execute0_lowered;
	s3 =	sadd.s32 s3, s5;
	[dreg:$0x0] =	wrdreg $0x0  }
0xa8: {  	s5 =	sshll.u32 s28, $0x1;
	[dreg:$0x2] =	wrdreg s3  }
0xa9: {  	[dreg:$0x3] =	wrdreg s5  }
0xaa: {  	[dreg:$0x4] =	wrdreg $0xC0  }
0xab: {  	_ =	task [dreg:s7], $0x5FFFF  }
0xac: {  	[dreg:$0x1] =	wrdreg $0xFFFFFFFF  }
0xad: {  	[dreg:$0x0] =	wrdreg $0x60  }
0xae: {  	[dreg:$0x2] =	wrdreg s2  }
0xaf: {  	[dreg:$0x3] =	wrdreg s24  }
0xb0: {  	[dreg:$0x4] =	wrdreg $0x19100  }
0xb1: {  	[dreg:$0x5] =	wrdreg $0x9  }
0xb2: {  	_ =	task.clear_ibuf [dreg:s7], $0x6FFFF;
	_ =	strace $0x90000046  }
0xb3: {  	s29 =	simm.s32 $0x9;
	_ =	strace $0x80000048  }
0xb4: {  	_ =	swait.ge [sflag:s29], $0x1  }
0xb5: {  	[sflag:s29] =	ssyncadd.s32 $0xFFFFFFFF  }
0xb6: {  	_ =	strace $0x90000048  }
0xb7: {  	_ =	sfence  }
0xb8: {  	s30 =	sld [smem:$0x0];
	_ =	sdelay $0x2  }
0xb9: {  	s31 =	sshll.u32 s1, $0xD;
	s1 =	sshrl.u32 s1, $0x2  }
0xba: {  	s3 =	sand.u32 $0x4000, s31;
	s1 =	sadd.s32 s1, s30  }
0xbb: {  	s0 =	sor.u32 s3, s0;
	s1 =	sshll.u32 s1, $0x11  }
0xbc: {  	s0 =	sor.u32 s1, s0  }
0xbd: {  	s0 =	sadd.s32 $0x8F2B, s0  }
0xbe: {  	[sflag:s0] =	ssyncadd.remote.s32 $0x1  }
0xbf: {  	_ =	sfence.sel $0xFFFF  }
0xc0: {  	[dreg:$0x0] =	wrdreg $0xFFFFFFFF;
	(pc) =	sbr.abs _section_cstart, $3  }
0xc1: {  	[dreg:$0x1] =	wrdreg $0xFFFFFFFF  }
0xc2: {  	_ =	task.clear_ibuf [dreg:s7], $0x2FFFF;
	_ =	strace $0x9FFFFFFF  }
0xc3: {  	(tm) =	ssettm $0x7FFFFFFF  }
tec
execute0_lowered:
.L_overlay_start_1:
0x0: {  	(tag) =	ssettag $0x1  }
0x1: {  	s1 =	rddreg [dreg:$0x0]  }
0x2: {  	s10 =	rddreg [dreg:$0x1]  }
0x3: {  	s2 =	rddreg [dreg:$0x2]  }
0x4: {  	s0 =	rddreg [dreg:$0x3];
	s3 =	simm.s32 $0x0  }
0x5: {  	s9 =	srdreg.scid;
	s13 =	stileid.u32;
	s17 =	simm.s32 $0x100  }
0x6: {  	s18 =	simm.s32 $0x900;
	s19 =	simm.s32 $0x1100;
	s20 =	simm.s32 $0x0  }
0x7: {  	[smem:$0x7FF] =	sst s3;
	s4 =	sadd.s32 $0x5CC00, s10;
	s5 =	sadd.s32 $0x52C00, s10  }
0x8: {  	s6 =	sadd.s32 $0x57C00, s10;
	s7 =	sadd.s32 $0x66E00, s10;
	s8 =	sadd.s32 $0x67000, s10  }
0x9: {  	s11 =	sand.u32 $0x1, s9;
	s9 =	sadd.s32 $0x75E00, s10;
	s16 =	sshll.u32 s13, $0x1  }
0xa: {  	p0 =	sne.s32 s13, $0x0;
	_ =	strace $0x80000047;
	s12 =	smul.u32 $0x4F00, s11  }
0xb: {  	s14 =	ssub.s32 $0x2, s11;
	s31 =	sor.u32 s11, s16;
	s13 =	sshrl.u32 @!p0 s2, $0x3  }
0xc: {  	s16 =	simm.s32 $0x80;
	s15 =	sshrl.u32 s14, $0x1;
	s12 =	sadd.s32 s12, s10  }
0xd: {  	s14 =	ssub.s32 s14, s15;
	s10 =	smul.u32 $0x2880, s31;
	s15 =	simm.s32 $0x1  }
0xe: {  	s11 =	sadd.s32 $0x6C000, s12;
	s12 =	smax.u32 s14, $0x1;
	s14 =	simm.s32 $0x1900  }
.LBB2_1:
0xf: {  	s21 =	simm.s32 @!p0 $0x1C01  }
0x10: {  	[spmem:s13], [sflag:s21] =	dma.local @!p0 [hbm:s8], $0x4F00  }
0x11: {  	s21 =	simm.s32 @!p0 $0x1  }
0x12: {  	_ =	swait.ge @!p0 [sflag:s21], $0x4F00  }
0x13: {  	[sflag:s21] =	ssyncset.done @!p0 $0x0  }
0x14: {  	[sflag:s21] =	ssyncadd.s32 @!p0 $0xFFFFB100  }
0x15: {  	[tilespmem:s14], [sflag:$0x1] =	stream.linear.gather [hbm4b:s7+s3], $0x10, $0x38;
	[tilespmem:$0x4090] =	vst v63  }
0x16: {  	_ =	swait.ge [sflag:s15], $0x10  }
0x17: {  	[sflag:s15] =	ssyncset.done $0x0  }
0x18: {  	[sflag:s15] =	ssyncadd.s32 $0xFFFFFFF0  }
0x19: {  	s21 =	simm.s32 $0x0;
	[bflag:$0x0] =	sbarrier.arrive $0xFFFF  }
.LBB2_2:
0x1a: {  	s22 =	sshll.u32 s21, $0x7  }
0x1b: {  	s22 =	sadd.s32 s10, s22  }
0x1c: {  	s23 =	sshrl.u32 s22, $0x3  }
0x1d: {  	s25 =	simm.s32 $0x0;
	s24 =	sadd.s32 s1, s23  }
0x1e: {  	[tilespmem:s25], [sflag:$0x1] =	stream.linear.gather [hbm4b:s24+s25], $0x80, $0x38;
	[tilespmem:$0x4090] =	vst v63  }
0x1f: {  	_ =	swait.ge [sflag:s15], $0x80  }
0x20: {  	[sflag:s15] =	ssyncset.done $0x0  }
0x21: {  	s23 =	sadd.s32 s4, s23;
	[sflag:s15] =	ssyncadd.s32 $0xFFFFFF80  }
0x22: {  	[tilespmem:s16], [sflag:$0x1] =	stream.linear.gather [hbm4b:s23+s25], $0x80, $0x38;
	[tilespmem:$0x4090] =	vst v63  }
0x23: {  	_ =	swait.ge [sflag:s15], $0x80  }
0x24: {  	[sflag:s15] =	ssyncset.done $0x0  }
0x25: {  	[sflag:s15] =	ssyncadd.s32 $0xFFFFFF80  }
0x26: {  	[tilespmem:s17], [sflag:$0x1] =	stream.indirect.gather [hbm4b:s5+s16], $0x10, s25, s16, $0xb8;
	[tilespmem:$0x4090] =	vst v63  }
0x27: {  	_ =	swait.ge [sflag:s15], $0x800  }
0x28: {  	[sflag:s15] =	ssyncset.done $0x0  }
0x29: {  	[sflag:s15] =	ssyncadd.s32 $0xFFFFF800  }
0x2a: {  	[tilespmem:s18], [sflag:$0x1] =	stream.indirect.gather [hbm4b:s6+s16], $0x10, s16, s16, $0xb8;
	[tilespmem:$0x4090] =	vst v63  }
0x2b: {  	_ =	swait.ge [sflag:s15], $0x800  }
0x2c: {  	[sflag:s15] =	ssyncset.done $0x0  }
0x2d: {  	s23 =	simm.s32 $0x0;
	[sflag:s15] =	ssyncadd.s32 $0xFFFFF800  }
0x2e: {  	v1 =	vld [tilespmem:s23+$0x100]  }
0x2f: {  	v2 =	vld [tilespmem:s23+$0x900];
	_ =	sdelay $0x1  }
0x30: {  	s24 =	simm.s32 $0x10  }
0x31: {  	v3 =	vld [tilespmem:s24+$0x100]  }
0x32: {  	v4 =	vld [tilespmem:s24+$0x900]  }
0x33: {  	v0 =	vld [tilespmem:$0x1900];
	v1 =	vadd.f32 v2, v1;
	_ =	sdelay $0x1  }
0x34: {  	v5 =	vmul.f32 $2.000000030e-01, v1;
	_ =	sdelay $0x1  }
0x35: {  	v3 =	vadd.f32 v4, v3;
	v1 =	vmax.f32 v1, v5  }
0x36: {  	s25 =	simm.s32 $0x20;
	v1 =	vsub.f32 v1, v0  }
0x37: {  	v2 =	vld [tilespmem:s25+$0x100];
	v6 =	vmul.f32 $2.000000030e-01, v3  }
0x38: {  	v4 =	vld [tilespmem:s25+$0x900];
	v1 =	vmul.f32 $1.442695020e+00, v1  }
0x39: {  	v3 =	vmax.f32 v3, v6  }
0x3a: {  	v3 =	vsub.f32 v3, v0;
	(erf) = vpow2.f32 v1;
	_ =	sdelay $0x1  }
0x3b: {  	s26 =	simm.s32 $0x30;
	v3 =	vmul.f32 $1.442695020e+00, v3  }
0x3c: {  	v4 =	vadd.f32 v4, v2;
	v2 =	vld [tilespmem:s26+$0x900]  }
0x3d: {  	v1 =	vld [tilespmem:s26+$0x100];
	(erf) = vpow2.f32 v3  }
0x3e: {  	v5 =	vmul.f32 $2.000000030e-01, v4;
	_ =	sdelay $0x1  }
0x3f: {  	s28 =	simm.s32 $0x100;
	v3 =	vmax.f32 v4, v5  }
.LBB2_3:
0x40: {  	s29 =	sshra.s32 s28, $0x2;
	v3 =	vsub.f32 v3, v0;
	p1 =	sne.s32 s28, $0x1FC0  }
.Ltmp0:
0x41: {  	s28 =	sadd.s32 $0x40, s28;
	v4 =	vadd.f32 v2, v1;
	v1 =	vld [tilespmem:s29+$0x100];
	v5 =	vpop (erf);
	(pc) =	sbr.rel @p1 .LBB2_3-.Ltmp0, $4  }
0x42: {  	v2 =	vld [tilespmem:s29+$0x900];
	v3 =	vmul.f32 $1.442695020e+00, v3;
	[tilespmem:s23+$0x1100] =	vst v5;
	s23 =	smov.u32 s24;
	s24 =	smov.u32 s25;
	s25 =	smov.u32 s26  }
0x43: {  	s26 =	smov.u32 s29;
	v5 =	vmul.f32 $2.000000030e-01, v4  }
0x44: {  	(erf) = vpow2.f32 v3  }
0x45: {  	v3 =	vmax.f32 v4, v5  }
0x46: {  	_ = 	snop  }
0x47: {  	v1 =	vadd.f32 v2, v1;
	_ =	sdelay $0x1  }
0x48: {  	v2 =	vmul.f32 $2.000000030e-01, v1;
	_ =	sdelay $0x1  }
0x49: {  	v3 =	vsub.f32 v3, v0;
	v1 =	vmax.f32 v1, v2  }
0x4a: {  	v58 =	vsub.f32 v1, v0  }
0x4b: {  	v59 =	vmul.f32 $1.442695020e+00, v3  }
0x4c: {  	v0 =	vmul.f32 $1.442695020e+00, v58  }
0x4d: {  	(erf) = vpow2.f32 v59  }
0x4e: {  	(erf) = vpow2.f32 v0;
	_ =	sdelay $0x5  }
0x4f: {  	v60 =	vpop (erf)  }
0x50: {  	[tilespmem:s23+$0x1100] =	vst v60;
	v61 =	vpop (erf)  }
0x51: {  	[tilespmem:s24+$0x1100] =	vst v61;
	v62 =	vpop (erf)  }
0x52: {  	s22 =	sshll.u32 s22, $0x1;
	[tilespmem:s25+$0x1100] =	vst v62;
	v63 =	vpop (erf)  }
0x53: {  	s22 =	sadd.s32 s9, s22;
	[tilespmem:s26+$0x1100] =	vst v63  }
0x54: {  	[hbm4b:s22+s3] =	stream.linear.scatter [tilespmem:s19], [sflag:$0x1], $0x800, $0x38;
	[tilespmem:$0x4090] =	vst v63  }
0x55: {  	s21 =	sadd.s32 $0x1, s21;
	_ =	swait.ge [sflag:s15], $0x800  }
0x56: {  	p1 =	sne.s32 s21, $0x51;
	[sflag:s15] =	ssyncset.done $0x0  }
.Ltmp1:
0x57: {  	[sflag:s15] =	ssyncadd.s32 $0xFFFFF800;
	(pc) =	sbr.rel @p1 .LBB2_2-.Ltmp1, $4  }
0x58: {  	[spmem:s2] =	stream.indirect.scatter.add.f32 [tilespmem:s19], [sflag:$0x1], $0x10, s16, s16, $0xb8;
	[tilespmem:$0x4090] =	vst v63  }
0x59: {  	_ =	swait.ge [sflag:s15], $0x800  }
0x5a: {  	[sflag:s15] =	ssyncset.done $0x0  }
0x5b: {  	[sflag:s15] =	ssyncadd.s32 $0xFFFFF800  }
0x5c: {  	[bflag:$0x0] =	sbarrier.arrive $0xFFFF;
	s21 =	simm.s32 @!p0 $0x1C01;
	s20 =	sadd.s32 $0x1, s20  }
0x5d: {  	[hbm:s11], [sflag:s21] =	dma.local @!p0 [spmem:s13], $0x4F00  }
0x5e: {  	p1 =	sne.s32 s20, s12  }
.Ltmp2:
0x5f: {  	_ = 	snop;
	(pc) =	sbr.rel @p1 .LBB2_1-.Ltmp2, $4  }
0x60: {  	s21 =	simm.s32 @!p0 $0x1  }
0x61: {  	_ =	swait.ge @!p0 [sflag:s21], $0x4F00  }
0x62: {  	[sflag:s21] =	ssyncset.done @!p0 $0x0  }
0x63: {  	[sflag:s21] =	ssyncadd.s32 @!p0 $0xFFFFB100  }
0x64: {  	_ =	sfence.sel $0x180000  }
0x65: {  	[bflag:$0x0] =	sbarrier.arrive $0xFFFF  }
0x66: {  	_ =	strace $0x90000047  }
0x67: {  	s0 =	sadd.s32 @!p0 $0x100000, s0;
	[bflag:$0x2] =	sbarrier.arrive $0xFFFF  }
0x68: {  	[sflag:s0] =	ssyncadd.tile.s32 @!p0 $0x1;
	_ =	shalt  }
.Lfunc_end2:
_tile_overlayer_lowered:
.L_overlay_start_2:
0x69: {  	(tag) =	ssettag $0x2  }
0x6a: {  	s0 =	rddreg [dreg:$0x0];
	s2 =	stileid.u32  }
0x6b: {  	s1 =	rddreg [dreg:$0x1];
	p0 =	sne.s32 s2, $0x0  }
0x6c: {  	s3 =	rddreg [dreg:$0x2];
	[bflag:$0x3] =	sbarrier.arrive $0xFFFF;
	s2 =	simm.s32 @!p0 $0x1C01  }
0x6d: {  	[timem:s3], [sflag:s2] =	dma.local @!p0 [hbm:s0], s1  }
0x6e: {  	s0 =	simm.s32 @!p0 $0x1  }
0x6f: {  	_ =	swait.ge @!p0 [sflag:s0], s1  }
0x70: {  	s1 =	ssub.s32 @!p0 $0x0, s1;
	[sflag:s0] =	ssyncset.done @!p0 $0x0  }
0x71: {  	[sflag:s0] =	ssyncadd.s32 @!p0 s1  }
0x72: {  	[bflag:$0x3] =	sbarrier.arrive $0xFFFF  }
0x73: {  	_ =	shalt  }

// kernel: kernel.14.cloned.1.call-start
scs
__scs_entry_jumppad:
0x0: {  	(pc) =	sbr.rel $0x88, $3  }
0x1: {  	(tag) =	ssettag $0x0;
	lr =	simm.s32 $0x1  }
0x2: {  	[smem:$0x3F97] =	sst lr;
	_ =	strace $0xD0000000  }
0x3: {  	_ = 	snop  }
0x4: {  	_ = 	snop  }
0x5: {  	_ = 	snop  }
0x6: {  	_ = 	snop  }
0x7: {  	_ = 	snop  }
__scs_overlays_trampoline_lowered:
0x8: {  	[smem:$0x3FA6] =	sst s0  }
0x9: {  	[smem:$0x3FA7] =	sst s1  }
0xa: {  	[smem:$0x3FA8] =	sst s2  }
0xb: {  	[smem:$0x3FA9] =	sst s3  }
0xc: {  	[smem:$0x3FAA] =	sst s4  }
0xd: {  	[smem:$0x3FAB] =	sst s5  }
0xe: {  	[smem:$0x3FAC] =	sst s6  }
0xf: {  	[smem:$0x3FAD] =	sst s7  }
0x10: {  	[smem:$0x3FAE] =	sst s8  }
0x11: {  	[smem:$0x3FAF] =	sst s9;
	s0 =	simm.s32 @!p0 $0x0  }
0x12: {  	s1 =	sld [smem:$0x3F95];
	s0 =	simm.s32 @p0 $0x1  }
0x13: {  	[smem:$0x3FB0] =	sst s0;
	s0 =	simm.s32 @!p1 $0x0  }
0x14: {  	s2 =	sld [smem:$0x3F94];
	s0 =	simm.s32 @p1 $0x1  }
0x15: {  	[smem:$0x3FB1] =	sst s0;
	s0 =	simm.s32 @!p2 $0x0  }
0x16: {  	s3 =	sld [smem:$0x3FDB];
	s0 =	simm.s32 @p2 $0x1  }
0x17: {  	s4 =	simm.s32 $0x1BF5;
	[smem:$0x3FB3] =	sst s0  }
0x18: {  	s0 =	sld [smem:$0x3F96];
	_ =	swait.ge [sflag:s4], $0x0  }
0x19: {  	s7 =	sld [smem:$0x3F97]  }
0x1a: {  	s8 =	sadd.s32 $0xFFFFE003, lr  }
0x1b: {  	s9 =	sadd.s32 $0xFFFFFEF7, lr;
	s5 =	simm.s32 $0xFFFFFFFF;
	p2 =	slt.u32 s8, $0xFFFFF086  }
0x1c: {  	p1 =	slt.u32 s9, $0xF7A;
	s5 =	simm.s32 @!p2 $0x0  }
0x1d: {  	s5 =	simm.s32 @p1 $0x1;
	p0 =	seq.s32 s7, s2  }
0x1e: {  	s7 =	smul.u32 @!p0 $0xF7A, s2;
	p2 =	seq.s32 @!p0 s5, $0x0  }
0x1f: {  	s9 =	smul.u32 $0xF7A, s1;
	s8 =	simm.s32 @!p0 $0x1BF5;
	p2 =	por !p2, p0  }
0x20: {  	[sflag:s8] =	ssyncset.s32 @!p0 $0xFFFFF086;
	s6 =	sadd.s32 @!p0 s3, s7;
	s7 =	simm.s32 @!p0 $0x108  }
0x21: {  	s3 =	sadd.s32 s3, s9;
	s6 =	sadd.s32 @!p0 $0x88, s6;
	s7 =	simm.s32 @p2 $0x1082  }
0x22: {  	[simem:s7], [sflag:s8] =	dma.local @!p0 [hbm:s6], $0xF7A  }
0x23: {  	s9 =	sor.u32 $0xD0000000, s2;
	s6 =	simm.s32 $0x108;
	_ =	swait.ge @!p0 [sflag:s8], $0x0  }
0x24: {  	s3 =	sadd.s32 $0x88, s3;
	s6 =	simm.s32 @!p1 $0x1082;
	[sflag:s4] =	ssyncset.s32 $0xFFFFF086  }
0x25: {  	[simem:s6], [sflag:s4] =	dma.local [hbm:s3], $0xF7A  }
0x26: {  	[smem:$0x3F97] =	sst s1;
	(tag) =	ssettag s2;
	_ =	strace s9  }
0x27: {  	s1 =	sld [smem:$0x3FA7]  }
0x28: {  	s2 =	sld [smem:$0x3FA8]  }
0x29: {  	s4 =	sld [smem:$0x3FAA]  }
0x2a: {  	p0 =	seq.s32 s5, $0x0;
	s5 =	sld [smem:$0x3FAB]  }
0x2b: {  	s6 =	sld [smem:$0x3FAC]  }
0x2c: {  	s7 =	sld [smem:$0x3FAD]  }
0x2d: {  	s3 =	simm.s32 $0x108;
	s8 =	sld [smem:$0x3FAE]  }
0x2e: {  	s3 =	simm.s32 @!p0 $0x1082;
	s9 =	sld [smem:$0x3FAF]  }
0x2f: {  	lr =	sadd.s32 s0, s3;
	s0 =	sld [smem:$0x3FA6]  }
0x30: {  	s3 =	sld [smem:$0x3FA9]  }
0x31: {  	[smem:$0x3FB2] =	sst s10  }
0x32: {  	s10 =	sld [smem:$0x3FB0];
	_ =	sdelay $0x3  }
0x33: {  	p0 =	seq.s32 s10, $0x1;
	s10 =	sld [smem:$0x3FB2];
	_ =	sdelay $0x3  }
0x34: {  	[smem:$0x3FB2] =	sst s10  }
0x35: {  	s10 =	sld [smem:$0x3FB1];
	_ =	sdelay $0x3  }
0x36: {  	p1 =	seq.s32 s10, $0x1;
	s10 =	sld [smem:$0x3FB2];
	_ =	sdelay $0x3  }
0x37: {  	[smem:$0x3FB2] =	sst s10  }
0x38: {  	s10 =	sld [smem:$0x3FB3]  }
0x39: {  	_ = 	snop;
	(pc) =	sbr.ind lr, $3  }
0x3a: {  	_ = 	snop  }
0x3b: {  	_ = 	snop  }
0x3c: {  	p2 =	seq.s32 s10, $0x1;
	s10 =	sld [smem:$0x3FB2]  }
0x3d: {  	_ =	shalt  }
0x3e: {  	_ =	shalt  }
0x3f: {  	_ =	shalt  }
0x40: {  	_ =	shalt  }
0x41: {  	_ =	shalt  }
0x42: {  	_ =	shalt  }
0x43: {  	_ =	shalt  }
0x44: {  	_ =	shalt  }
0x45: {  	_ =	shalt  }
0x46: {  	_ =	shalt  }
0x47: {  	_ =	shalt  }
0x48: {  	_ =	shalt  }
0x49: {  	_ =	shalt  }
0x4a: {  	_ =	shalt  }
0x4b: {  	_ =	shalt  }
0x4c: {  	_ =	shalt  }
0x4d: {  	_ =	shalt  }
0x4e: {  	_ =	shalt  }
0x4f: {  	_ =	shalt  }
0x50: {  	_ =	shalt  }
0x51: {  	_ =	shalt  }
0x52: {  	_ =	shalt  }
0x53: {  	_ =	shalt  }
0x54: {  	_ =	shalt  }
0x55: {  	_ =	shalt  }
0x56: {  	_ =	shalt  }
0x57: {  	_ =	shalt  }
0x58: {  	_ =	shalt  }
0x59: {  	_ =	shalt  }
0x5a: {  	_ =	shalt  }
0x5b: {  	_ =	shalt  }
0x5c: {  	_ =	shalt  }
0x5d: {  	_ =	shalt  }
0x5e: {  	_ =	shalt  }
0x5f: {  	_ =	shalt  }
0x60: {  	_ =	shalt  }
0x61: {  	_ =	shalt  }
0x62: {  	_ =	shalt  }
0x63: {  	_ =	shalt  }
0x64: {  	_ =	shalt  }
0x65: {  	_ =	shalt  }
0x66: {  	_ =	shalt  }
0x67: {  	_ =	shalt  }
0x68: {  	_ =	shalt  }
0x69: {  	_ =	shalt  }
0x6a: {  	_ =	shalt  }
0x6b: {  	_ =	shalt  }
0x6c: {  	_ =	shalt  }
0x6d: {  	_ =	shalt  }
0x6e: {  	_ =	shalt  }
0x6f: {  	_ =	shalt  }
0x70: {  	_ =	shalt  }
0x71: {  	_ =	shalt  }
0x72: {  	_ =	shalt  }
0x73: {  	_ =	shalt  }
0x74: {  	_ =	shalt  }
0x75: {  	_ =	shalt  }
0x76: {  	_ =	shalt  }
0x77: {  	_ =	shalt  }
0x78: {  	_ =	shalt  }
0x79: {  	_ =	shalt  }
0x7a: {  	_ =	shalt  }
0x7b: {  	_ =	shalt  }
0x7c: {  	_ =	shalt  }
0x7d: {  	_ =	shalt  }
0x7e: {  	_ =	shalt  }
0x7f: {  	_ =	shalt  }
0x80: {  	_ =	shalt  }
0x81: {  	_ =	shalt  }
0x82: {  	_ =	shalt  }
0x83: {  	_ =	shalt  }
0x84: {  	_ =	shalt  }
0x85: {  	_ =	shalt  }
0x86: {  	_ =	shalt  }
0x87: {  	_ =	shalt  }
.Lfunc_end0:
.L_simem_size_0:
called_computation.1_lowered:
.L_overlay_start_0:
0x88: {  	s2 =	sld [smem:$0x3FD9]  }
0x89: {  	s3 =	sld [smem:$0x3FFE];
	_ =	sdelay $0x1  }
0x8a: {  	s1 =	srdreg.scid  }
0x8b: {  	s0 =	sand.u32 $0x1, s1  }
0x8c: {  	s17 =	sshll.u32 s0, $0xA;
	s2 =	sadd.s32 s3, s2  }
0x8d: {  	s2 =	sadd.s32 s2, s17  }
0x8e: {  	[smem:$0x3FBE] =	sst s2  }
0x8f: {  	_ = 	snop  }
0x90: {  	s18 =	sld [smem:$0x3FD0];
	(tm) =	ssettm $0x1  }
0x91: {  	s19 =	sld [smem:$0x3FFB];
	_ =	sdelay $0x3  }
0x92: {  	_ =	strace s19  }
0x93: {  	s2 =	sld [smem:$0x3FFC];
	_ =	sdelay $0x3  }
0x94: {  	_ =	strace s2  }
0x95: {  	s2 =	sld [smem:$0x3FFD];
	_ =	sdelay $0x3  }
0x96: {  	_ =	strace s2  }
0x97: {  	_ =	strace $0x8FFFFFFF  }
0x98: {  	s20 =	sld [smem:$0x3FDB];
	_ =	sdelay $0x1  }
0x99: {  	s4 =	simm.s32 $_scs_section_size  }
0x9a: {  	s5 =	simm.s32 $_size__tile_overlayer_lowered;
	s6 =	simm.s32 $_tile_overlayer_lowered  }
0x9b: {  	s7 =	simm.s32 $0x1BFF;
	s21 =	sshll.u32 s6, $0x1;
	s4 =	sadd.s32 s4, s20  }
0x9c: {  	s22 =	simm.s32 $0x0;
	s5 =	sshll.u32 s5, $0x1;
	s6 =	sadd.s32 s21, s4  }
0x9d: {  	[timem:s22], [sflag:s7] =	dma.local [hbm:s6], s5  }
0x9e: {  	_ =	swait.ge [sflag:s7], s5  }
0x9f: {  	s5 =	ssub.s32 $0x0, s5;
	[sflag:s7] =	ssyncset.done $0x0  }
0xa0: {  	[sflag:s7] =	ssyncadd.s32 s5;
	_ =	sdelay $0x1  }
0xa1: {  	s23 =	simm.s32 $0x1B8B  }
0xa2: {  	_ =	swait.ge [sflag:s23], $0x1  }
0xa3: {  	[sflag:s23] =	ssyncset.done $0x0  }
0xa4: {  	[sflag:s23] =	ssyncadd.s32 $0xFFFFFFFF  }
0xa5: {  	s5 =	sld [smem:$0x0]  }
0xa6: {  	s6 =	sand.u32 $0xFFFFFFFE, s1  }
0xa7: {  	p0 =	sne.s32 s1, s6  }
0xa8: {  	s6 =	sshll.u32 @p0 s6, $0xE  }
0xa9: {  	s6 =	sadd.s32 @p0 $0x11B8D, s6;
	s7 =	sshll.u32 @p0 s5, $0x11  }
0xaa: {  	s6 =	sor.u32 @p0 s7, s6  }
0xab: {  	[sflag:s6] =	ssyncadd.remote.s32 @p0 $0x1;
	_ =	sdelay $0x1  }
0xac: {  	s6 =	simm.s32 @p0 $0x1B8D  }
0xad: {  	_ =	swait.eq @p0 [sflag:s6], $0x1  }
0xae: {  	[sflag:s6] =	ssyncadd.s32 @p0 $0xFFFFFFFF  }
0xaf: {  	s7 =	sshll.u32 @!p0 s1, $0xE  }
0xb0: {  	s7 =	sor.u32 @!p0 $0x4000, s7;
	s6 =	simm.s32 @!p0 $0x1B8D  }
0xb1: {  	s5 =	sshll.u32 @!p0 s5, $0x11;
	s7 =	sadd.s32 @!p0 $0x11B8D, s7;
	_ =	swait.eq @!p0 [sflag:s6], $0x1  }
0xb2: {  	s5 =	sor.u32 @!p0 s5, s7;
	[sflag:s6] =	ssyncadd.s32 @!p0 $0xFFFFFFFF  }
0xb3: {  	s25 =	simm.s32 $0x1B8E;
	s24 =	sld [smem:$0x3FFE];
	[sflag:s5] =	ssyncadd.remote.s32 @!p0 $0x1  }
0xb4: {  	s26 =	simm.s32 $execute0_lowered;
	[smem:$0x3FD2] =	sst s25  }
0xb5: {  	s6 =	sshll.u32 s26, $0x1;
	_ =	strace $0x8000004C;
	[dreg:$0x1] =	wrdreg $0xFFFFFFFF  }
0xb6: {  	s28 =	simm.s32 $_size_execute0_lowered;
	s4 =	sadd.s32 s4, s6;
	[dreg:$0x0] =	wrdreg $0x0  }
0xb7: {  	s6 =	sshll.u32 s28, $0x1;
	[dreg:$0x2] =	wrdreg s4  }
0xb8: {  	[dreg:$0x3] =	wrdreg s6  }
0xb9: {  	[dreg:$0x4] =	wrdreg $0xC0  }
0xba: {  	_ =	task [dreg:s22], $0x5FFFF  }
0xbb: {  	[dreg:$0x1] =	wrdreg $0xFFFFFFFF  }
0xbc: {  	[dreg:$0x0] =	wrdreg $0x60  }
0xbd: {  	[dreg:$0x2] =	wrdreg s18  }
0xbe: {  	[dreg:$0x3] =	wrdreg s24  }
0xbf: {  	[dreg:$0x4] =	wrdreg $0xA1000  }
0xc0: {  	[dreg:$0x5] =	wrdreg $0x9  }
0xc1: {  	_ =	task.clear_ibuf [dreg:s22], $0x6FFFF;
	_ =	strace $0x9000004C  }
0xc2: {  	s29 =	simm.s32 $0x9;
	_ =	strace $0x8000004E  }
0xc3: {  	_ =	swait.ge [sflag:s29], $0x1  }
0xc4: {  	[sflag:s29] =	ssyncadd.s32 $0xFFFFFFFF  }
0xc5: {  	_ =	strace $0x9000004E  }
0xc6: {  	_ =	sfence  }
0xc7: {  	s30 =	sld [smem:$0x0];
	_ =	sdelay $0x2  }
0xc8: {  	s31 =	sshll.u32 s1, $0xD;
	s1 =	sshrl.u32 s1, $0x2  }
0xc9: {  	s4 =	sand.u32 $0x4000, s31;
	s1 =	sadd.s32 s1, s30  }
0xca: {  	s0 =	sor.u32 s4, s0;
	s1 =	sshll.u32 s1, $0x11  }
0xcb: {  	s0 =	sor.u32 s1, s0  }
0xcc: {  	s0 =	sadd.s32 $0x8F2B, s0  }
0xcd: {  	[sflag:s0] =	ssyncadd.remote.s32 $0x1  }
0xce: {  	_ =	sfence.sel $0xFFFF  }
0xcf: {  	[dreg:$0x0] =	wrdreg $0xFFFFFFFF;
	(pc) =	sbr.abs _section_cstart, $3  }
0xd0: {  	[dreg:$0x1] =	wrdreg $0xFFFFFFFF  }
0xd1: {  	_ =	task.clear_ibuf [dreg:s22], $0x2FFFF;
	_ =	strace $0x9FFFFFFF  }
0xd2: {  	(tm) =	ssettm $0x7FFFFFFF  }
0xd3: {  	_ =	shalt  }
tec
execute0_lowered:
.L_overlay_start_1:
0x0: {  	(tag) =	ssettag $0x1  }
0x1: {  	s1 =	rddreg [dreg:$0x0]  }
0x2: {  	s10 =	rddreg [dreg:$0x1]  }
0x3: {  	s2 =	rddreg [dreg:$0x2]  }
0x4: {  	s0 =	rddreg [dreg:$0x3];
	s3 =	simm.s32 $0x0  }
0x5: {  	s9 =	srdreg.scid;
	s13 =	stileid.u32;
	s17 =	simm.s32 $0x900  }
0x6: {  	s18 =	simm.s32 $0x1100;
	s19 =	simm.s32 $0x2100;
	s20 =	simm.s32 $0x6100  }
0x7: {  	[smem:$0x7FF] =	sst s3;
	s4 =	sadd.s32 $0x5CC00, s10;
	s5 =	sadd.s32 $0x75E00, s10  }
0x8: {  	s6 =	sadd.s32 $0x6C000, s10;
	s7 =	sadd.s32 $0x52C00, s10;
	s8 =	sadd.s32 $0x2B400, s10  }
0x9: {  	s11 =	sand.u32 $0x1, s9;
	s9 =	sadd.s32 $0x117E00, s10;
	s16 =	sshll.u32 s13, $0x1  }
0xa: {  	p0 =	sne.s32 s13, $0x0;
	_ =	strace $0x8000004D;
	s12 =	smul.u32 $0x27800, s11  }
0xb: {  	s14 =	ssub.s32 $0x2, s11;
	s31 =	sor.u32 s11, s16;
	s13 =	sshrl.u32 @!p0 s2, $0x3  }
0xc: {  	s16 =	simm.s32 $0x100;
	s15 =	sshrl.u32 s14, $0x1;
	s12 =	sadd.s32 s12, s10  }
0xd: {  	s14 =	ssub.s32 s14, s15;
	s10 =	smul.u32 $0x2880, s31;
	s15 =	simm.s32 $0x80  }
0xe: {  	s11 =	sadd.s32 $0x18E600, s12;
	s12 =	smax.u32 s14, $0x1;
	s14 =	simm.s32 $0x1  }
.LBB2_1:
0xf: {  	s21 =	simm.s32 @!p0 $0x1C01  }
0x10: {  	[spmem:s13], [sflag:s21] =	dma.local @!p0 [hbm:s9], $0x27800  }
0x11: {  	s21 =	simm.s32 @!p0 $0x1  }
0x12: {  	_ =	swait.ge @!p0 [sflag:s21], $0x27800  }
0x13: {  	[sflag:s21] =	ssyncset.done @!p0 $0x0  }
0x14: {  	[sflag:s21] =	ssyncadd.s32 @!p0 $0xFFFD8800  }
0x15: {  	s21 =	simm.s32 $0x0;
	[bflag:$0x0] =	sbarrier.arrive $0xFFFF  }
.LBB2_2:
0x16: {  	s22 =	sshll.u32 s21, $0x7  }
0x17: {  	s22 =	sadd.s32 s10, s22  }
0x18: {  	s23 =	sshrl.u32 s22, $0x3  }
0x19: {  	s25 =	simm.s32 $0x0;
	s24 =	sadd.s32 s1, s23  }
0x1a: {  	[tilespmem:s25], [sflag:$0x1] =	stream.linear.gather [hbm4b:s24+s25], $0x80, $0x38;
	[tilespmem:$0x1DD00] =	vst v63  }
0x1b: {  	_ =	swait.ge [sflag:s14], $0x80  }
0x1c: {  	[sflag:s14] =	ssyncset.done $0x0  }
0x1d: {  	s23 =	sadd.s32 s4, s23;
	[sflag:s14] =	ssyncadd.s32 $0xFFFFFF80  }
0x1e: {  	[tilespmem:s15], [sflag:$0x1] =	stream.linear.gather [hbm4b:s23+s25], $0x80, $0x38;
	[tilespmem:$0x1DD00] =	vst v63  }
0x1f: {  	_ =	swait.ge [sflag:s14], $0x80  }
0x20: {  	s22 =	sshll.u32 s22, $0x1;
	[sflag:s14] =	ssyncset.done $0x0  }
0x21: {  	s22 =	sadd.s32 s5, s22;
	[sflag:s14] =	ssyncadd.s32 $0xFFFFFF80  }
0x22: {  	[tilespmem:s16], [sflag:$0x1] =	stream.linear.gather [hbm4b:s22+s25], $0x800, $0x38;
	[tilespmem:$0x1DD00] =	vst v63  }
0x23: {  	_ =	swait.ge [sflag:s14], $0x800  }
0x24: {  	[sflag:s14] =	ssyncset.done $0x0  }
0x25: {  	[sflag:s14] =	ssyncadd.s32 $0xFFFFF800  }
0x26: {  	[tilespmem:s17], [sflag:$0x1] =	stream.indirect.gather [hbm4b:s6+s15], $0x10, s15, s15, $0xb8;
	[tilespmem:$0x1DD00] =	vst v63  }
0x27: {  	_ =	swait.ge [sflag:s14], $0x800  }
0x28: {  	[sflag:s14] =	ssyncset.done $0x0  }
0x29: {  	[sflag:s14] =	ssyncadd.s32 $0xFFFFF800  }
0x2a: {  	[tilespmem:s18], [sflag:$0x1] =	stream.indirect.gather [hbm4b:s7+s15], $0x10, s15, s15, $0xb8;
	[tilespmem:$0x1DD00] =	vst v63  }
0x2b: {  	_ =	swait.ge [sflag:s14], $0x800  }
0x2c: {  	[sflag:s14] =	ssyncset.done $0x0  }
0x2d: {  	[sflag:s14] =	ssyncadd.s32 $0xFFFFF800  }
0x2e: {  	[tilespmem:s19], [sflag:$0x1] =	stream.indirect.gather [hbm4b:s8+s15], $0x80, s25, s15, $0xb8;
	[tilespmem:$0x1DD00] =	vst v63  }
0x2f: {  	_ =	swait.ge [sflag:s14], $0x4000  }
0x30: {  	[sflag:s14] =	ssyncset.done $0x0  }
0x31: {  	s22 =	simm.s32 $0x0;
	[sflag:s14] =	ssyncadd.s32 $0xFFFFC000  }
0x32: {  	v0 =	vld [tilespmem:s22+$0x900]  }
0x33: {  	s23 =	simm.s32 $0x10;
	v1 =	vld [tilespmem:s22+$0x1100]  }
0x34: {  	v2 =	vld [tilespmem:s23+$0x900]  }
0x35: {  	v3 =	vld [tilespmem:s23+$0x1100];
	_ =	sdelay $0x2  }
0x36: {  	v0 =	vadd.f32 v1, v0;
	_ =	sdelay $0x1  }
0x37: {  	v1 =	vadd.f32 v3, v2;
	v2 =	vadd.f32 $1.000000020e-16, v0;
	_ =	sdelay $0x1  }
0x38: {  	(erf) = vrcp.f32 v2  }
0x39: {  	s24 =	simm.s32 $0x20;
	v3 =	vadd.f32 $1.000000020e-16, v1  }
0x3a: {  	v0 =	vld [tilespmem:s24+$0x900]  }
0x3b: {  	v2 =	vld [tilespmem:s24+$0x1100];
	(erf) = vrcp.f32 v3;
	_ =	sdelay $0x1  }
0x3c: {  	v1 =	vld [tilespmem:s22+$0x100]  }
0x3d: {  	s26 =	simm.s32 $0xC0;
	s25 =	simm.s32 $0x0  }
.LBB2_3:
0x3e: {  	s28 =	sshra.s32 s26, $0x2;
	p1 =	sne.s32 s26, $0x1FC0  }
.Ltmp0:
0x3f: {  	s26 =	sadd.s32 $0x40, s26;
	v3 =	vadd.f32 v2, v0;
	v0 =	vld [tilespmem:s28+$0x900];
	(pc) =	sbr.rel @p1 .LBB2_3-.Ltmp0, $4  }
0x40: {  	v2 =	vld [tilespmem:s28+$0x1100];
	v4 =	vpop (erf)  }
0x41: {  	v3 =	vadd.f32 $1.000000020e-16, v3;
	v4 =	vmul.f32 v4, v1  }
0x42: {  	v1 =	vld [tilespmem:s23+$0x100]  }
0x43: {  	(erf) = vrcp.f32 v3;
	[tilespmem:s25+$0x1900] =	vst v4;
	s25 =	smov.u32 s23;
	s23 =	smov.u32 s24;
	s24 =	smov.u32 s28  }
0x44: {  	_ = 	snop  }
0x45: {  	v0 =	vadd.f32 v2, v0;
	_ =	sdelay $0x1  }
0x46: {  	v0 =	vadd.f32 $1.000000020e-16, v0;
	_ =	sdelay $0x2  }
0x47: {  	(erf) = vrcp.f32 v0  }
0x48: {  	v0 =	vpop (erf)  }
0x49: {  	v0 =	vmul.f32 v0, v1;
	_ =	sdelay $0x1  }
0x4a: {  	v1 =	vld [tilespmem:s23+$0x100];
	[tilespmem:s25+$0x1900] =	vst v0  }
0x4b: {  	v0 =	vld [tilespmem:s24+$0x100];
	_ =	sdelay $0x2  }
0x4c: {  	v2 =	vpop (erf)  }
0x4d: {  	v1 =	vmul.f32 v2, v1;
	v2 =	vpop (erf)  }
0x4e: {  	v0 =	vmul.f32 v2, v0  }
0x4f: {  	[tilespmem:s23+$0x1900] =	vst v1  }
0x50: {  	[tilespmem:s24+$0x1900] =	vst v0  }
0x51: {  	v0 =	vld [tilespmem:s22+$0x2100]  }
0x52: {  	v1 =	vld [tilespmem:s22+$0x2110]  }
0x53: {  	s23 =	simm.s32 $0x1900;
	v2 =	vld [tilespmem:s22+$0x2120]  }
0x54: {  	s24 =	simm.s32 $0x200;
	v3 =	vld [tilespmem:s23+$0x0]  }
.LBB2_5:
0x55: {  	p1 =	sne.s32 s24, $0xFE00;
	v4 =	vld [tilespmem:s22+$0x2130]  }
0x56: {  	v5 =	vld [tilespmem:s22+$0x2140]  }
0x57: {  	v6 =	vld [tilespmem:s22+$0x2150]  }
0x58: {  	v7 =	vld [tilespmem:s22+$0x2160]  }
0x59: {  	v8 =	vbroadcast v3, $0x0;
	v3 =	vbroadcast v3, $0x1;
	v9 =	vld [tilespmem:s22+$0x2170];
	_ =	sdelay $0x1  }
0x5a: {  	v0 =	vmul.f32 v8, v0;
	v1 =	vmul.f32 v1, v8  }
0x5b: {  	v2 =	vmul.f32 v2, v8;
	v4 =	vmul.f32 v4, v8  }
0x5c: {  	[tilespmem:s22+$0x6100] =	vst v0;
	v0 =	vmul.f32 v5, v3;
	v5 =	vmul.f32 v6, v3  }
0x5d: {  	v6 =	vmul.f32 v7, v3;
	[tilespmem:s22+$0x6110] =	vst v1;
	v3 =	vmul.f32 v9, v3  }
0x5e: {  	[tilespmem:s22+$0x6120] =	vst v2  }
0x5f: {  	[tilespmem:s22+$0x6130] =	vst v4  }
.Ltmp1:
0x60: {  	s25 =	sshra.s32 s24, $0x2;
	[tilespmem:s22+$0x6140] =	vst v0;
	(pc) =	sbr.rel @p1 .LBB2_5-.Ltmp1, $4  }
0x61: {  	v0 =	vld [tilespmem:s25+$0x2100];
	[tilespmem:s22+$0x6150] =	vst v5  }
0x62: {  	v1 =	vld [tilespmem:s25+$0x2110];
	[tilespmem:s22+$0x6160] =	vst v6  }
0x63: {  	s23 =	sadd.s32 $0x10, s23;
	v2 =	vld [tilespmem:s25+$0x2120];
	[tilespmem:s22+$0x6170] =	vst v3;
	s22 =	smov.u32 s25  }
0x64: {  	s24 =	sadd.s32 $0x200, s24;
	v3 =	vld [tilespmem:s23+$0x0]  }
0x65: {  	_ =	sdelay $0x3  }
0x66: {  	v4 =	vld [tilespmem:s22+$0x2130];
	v6 =	vbroadcast v3, $0x0  }
0x67: {  	v5 =	vld [tilespmem:s22+$0x2140]  }
0x68: {  	v7 =	vld [tilespmem:s22+$0x2150];
	v0 =	vmul.f32 v6, v0  }
0x69: {  	v8 =	vld [tilespmem:s22+$0x2160];
	v1 =	vmul.f32 v1, v6  }
0x6a: {  	v9 =	vld [tilespmem:s22+$0x2170];
	v58 =	vbroadcast v3, $0x1;
	v2 =	vmul.f32 v2, v6;
	[tilespmem:s22+$0x6100] =	vst v0  }
0x6b: {  	v59 =	vmul.f32 v4, v6;
	[tilespmem:s22+$0x6110] =	vst v1  }
0x6c: {  	v60 =	vmul.f32 v5, v58;
	[tilespmem:s22+$0x6120] =	vst v2  }
0x6d: {  	v61 =	vmul.f32 v7, v58;
	[tilespmem:s22+$0x6130] =	vst v59  }
0x6e: {  	v62 =	vmul.f32 v8, v58;
	[tilespmem:s22+$0x6140] =	vst v60  }
0x6f: {  	s21 =	sadd.s32 $0x1, s21;
	v63 =	vmul.f32 v9, v58;
	[tilespmem:s22+$0x6150] =	vst v61  }
0x70: {  	p1 =	sne.s32 s21, $0x51;
	[tilespmem:s22+$0x6160] =	vst v62  }
.Ltmp2:
0x71: {  	[tilespmem:s22+$0x6170] =	vst v63;
	(pc) =	sbr.rel @p1 .LBB2_2-.Ltmp2, $4  }
0x72: {  	[spmem:s2] =	stream.indirect.scatter.add.f32 [tilespmem:s20], [sflag:$0x1], $0x80, s15, s15, $0xb8;
	[tilespmem:$0x1DD00] =	vst v63  }
0x73: {  	_ =	swait.ge [sflag:s14], $0x4000  }
0x74: {  	[sflag:s14] =	ssyncset.done $0x0  }
0x75: {  	[sflag:s14] =	ssyncadd.s32 $0xFFFFC000  }
0x76: {  	[bflag:$0x0] =	sbarrier.arrive $0xFFFF;
	s21 =	simm.s32 @!p0 $0x1C01;
	s3 =	sadd.s32 $0x1, s3  }
0x77: {  	[hbm:s11], [sflag:s21] =	dma.local @!p0 [spmem:s13], $0x27800  }
0x78: {  	p1 =	sne.s32 s3, s12  }
.Ltmp3:
0x79: {  	_ = 	snop;
	(pc) =	sbr.rel @p1 .LBB2_1-.Ltmp3, $4  }
0x7a: {  	s21 =	simm.s32 @!p0 $0x1  }
0x7b: {  	_ =	swait.ge @!p0 [sflag:s21], $0x27800  }
0x7c: {  	[sflag:s21] =	ssyncset.done @!p0 $0x0  }
0x7d: {  	[sflag:s21] =	ssyncadd.s32 @!p0 $0xFFFD8800  }
0x7e: {  	_ =	sfence.sel $0x180000  }
0x7f: {  	[bflag:$0x0] =	sbarrier.arrive $0xFFFF  }
0x80: {  	_ =	strace $0x9000004D  }
0x81: {  	s0 =	sadd.s32 @!p0 $0x100000, s0;
	[bflag:$0x2] =	sbarrier.arrive $0xFFFF  }
0x82: {  	[sflag:s0] =	ssyncadd.tile.s32 @!p0 $0x1;
	_ =	shalt  }
.Lfunc_end2:
_tile_overlayer_lowered:
.L_overlay_start_2:
0x83: {  	(tag) =	ssettag $0x2  }
0x84: {  	s0 =	rddreg [dreg:$0x0];
	s2 =	stileid.u32  }
0x85: {  	s1 =	rddreg [dreg:$0x1];
	p0 =	sne.s32 s2, $0x0  }
0x86: {  	s3 =	rddreg [dreg:$0x2];
	[bflag:$0x3] =	sbarrier.arrive $0xFFFF;
	s2 =	simm.s32 @!p0 $0x1C01  }
0x87: {  	[timem:s3], [sflag:s2] =	dma.local @!p0 [hbm:s0], s1  }
0x88: {  	s0 =	simm.s32 @!p0 $0x1  }
0x89: {  	_ =	swait.ge @!p0 [sflag:s0], s1  }
0x8a: {  	s1 =	ssub.s32 @!p0 $0x0, s1;
	[sflag:s0] =	ssyncset.done @!p0 $0x0  }
0x8b: {  	[sflag:s0] =	ssyncadd.s32 @!p0 s1  }
0x8c: {  	[bflag:$0x3] =	sbarrier.arrive $0xFFFF  }
0x8d: {  	_ =	shalt  }

// kernel: kernel.17.cloned.1.call-start
scs
__scs_entry_jumppad:
0x0: {  	(pc) =	sbr.rel $0x88, $3  }
0x1: {  	(tag) =	ssettag $0x0;
	lr =	simm.s32 $0x1  }
0x2: {  	[smem:$0x3F97] =	sst lr;
	_ =	strace $0xD0000000  }
0x3: {  	_ = 	snop  }
0x4: {  	_ = 	snop  }
0x5: {  	_ = 	snop  }
0x6: {  	_ = 	snop  }
0x7: {  	_ = 	snop  }
__scs_overlays_trampoline_lowered:
0x8: {  	[smem:$0x3FA6] =	sst s0  }
0x9: {  	[smem:$0x3FA7] =	sst s1  }
0xa: {  	[smem:$0x3FA8] =	sst s2  }
0xb: {  	[smem:$0x3FA9] =	sst s3  }
0xc: {  	[smem:$0x3FAA] =	sst s4  }
0xd: {  	[smem:$0x3FAB] =	sst s5  }
0xe: {  	[smem:$0x3FAC] =	sst s6  }
0xf: {  	[smem:$0x3FAD] =	sst s7  }
0x10: {  	[smem:$0x3FAE] =	sst s8  }
0x11: {  	[smem:$0x3FAF] =	sst s9;
	s0 =	simm.s32 @!p0 $0x0  }
0x12: {  	s1 =	sld [smem:$0x3F95];
	s0 =	simm.s32 @p0 $0x1  }
0x13: {  	[smem:$0x3FB0] =	sst s0;
	s0 =	simm.s32 @!p1 $0x0  }
0x14: {  	s2 =	sld [smem:$0x3F94];
	s0 =	simm.s32 @p1 $0x1  }
0x15: {  	[smem:$0x3FB1] =	sst s0;
	s0 =	simm.s32 @!p2 $0x0  }
0x16: {  	s3 =	sld [smem:$0x3FDB];
	s0 =	simm.s32 @p2 $0x1  }
0x17: {  	s4 =	simm.s32 $0x1BF5;
	[smem:$0x3FB3] =	sst s0  }
0x18: {  	s0 =	sld [smem:$0x3F96];
	_ =	swait.ge [sflag:s4], $0x0  }
0x19: {  	s7 =	sld [smem:$0x3F97]  }
0x1a: {  	s8 =	sadd.s32 $0xFFFFE003, lr  }
0x1b: {  	s9 =	sadd.s32 $0xFFFFFEF7, lr;
	s5 =	simm.s32 $0xFFFFFFFF;
	p2 =	slt.u32 s8, $0xFFFFF086  }
0x1c: {  	p1 =	slt.u32 s9, $0xF7A;
	s5 =	simm.s32 @!p2 $0x0  }
0x1d: {  	s5 =	simm.s32 @p1 $0x1;
	p0 =	seq.s32 s7, s2  }
0x1e: {  	s7 =	smul.u32 @!p0 $0xF7A, s2;
	p2 =	seq.s32 @!p0 s5, $0x0  }
0x1f: {  	s9 =	smul.u32 $0xF7A, s1;
	s8 =	simm.s32 @!p0 $0x1BF5;
	p2 =	por !p2, p0  }
0x20: {  	[sflag:s8] =	ssyncset.s32 @!p0 $0xFFFFF086;
	s6 =	sadd.s32 @!p0 s3, s7;
	s7 =	simm.s32 @!p0 $0x108  }
0x21: {  	s3 =	sadd.s32 s3, s9;
	s6 =	sadd.s32 @!p0 $0x88, s6;
	s7 =	simm.s32 @p2 $0x1082  }
0x22: {  	[simem:s7], [sflag:s8] =	dma.local @!p0 [hbm:s6], $0xF7A  }
0x23: {  	s9 =	sor.u32 $0xD0000000, s2;
	s6 =	simm.s32 $0x108;
	_ =	swait.ge @!p0 [sflag:s8], $0x0  }
0x24: {  	s3 =	sadd.s32 $0x88, s3;
	s6 =	simm.s32 @!p1 $0x1082;
	[sflag:s4] =	ssyncset.s32 $0xFFFFF086  }
0x25: {  	[simem:s6], [sflag:s4] =	dma.local [hbm:s3], $0xF7A  }
0x26: {  	[smem:$0x3F97] =	sst s1;
	(tag) =	ssettag s2;
	_ =	strace s9  }
0x27: {  	s1 =	sld [smem:$0x3FA7]  }
0x28: {  	s2 =	sld [smem:$0x3FA8]  }
0x29: {  	s4 =	sld [smem:$0x3FAA]  }
0x2a: {  	p0 =	seq.s32 s5, $0x0;
	s5 =	sld [smem:$0x3FAB]  }
0x2b: {  	s6 =	sld [smem:$0x3FAC]  }
0x2c: {  	s7 =	sld [smem:$0x3FAD]  }
0x2d: {  	s3 =	simm.s32 $0x108;
	s8 =	sld [smem:$0x3FAE]  }
0x2e: {  	s3 =	simm.s32 @!p0 $0x1082;
	s9 =	sld [smem:$0x3FAF]  }
0x2f: {  	lr =	sadd.s32 s0, s3;
	s0 =	sld [smem:$0x3FA6]  }
0x30: {  	s3 =	sld [smem:$0x3FA9]  }
0x31: {  	[smem:$0x3FB2] =	sst s10  }
0x32: {  	s10 =	sld [smem:$0x3FB0];
	_ =	sdelay $0x3  }
0x33: {  	p0 =	seq.s32 s10, $0x1;
	s10 =	sld [smem:$0x3FB2];
	_ =	sdelay $0x3  }
0x34: {  	[smem:$0x3FB2] =	sst s10  }
0x35: {  	s10 =	sld [smem:$0x3FB1];
	_ =	sdelay $0x3  }
0x36: {  	p1 =	seq.s32 s10, $0x1;
	s10 =	sld [smem:$0x3FB2];
	_ =	sdelay $0x3  }
0x37: {  	[smem:$0x3FB2] =	sst s10  }
0x38: {  	s10 =	sld [smem:$0x3FB3]  }
0x39: {  	_ = 	snop;
	(pc) =	sbr.ind lr, $3  }
0x3a: {  	_ = 	snop  }
0x3b: {  	_ = 	snop  }
0x3c: {  	p2 =	seq.s32 s10, $0x1;
	s10 =	sld [smem:$0x3FB2]  }
0x3d: {  	_ =	shalt  }
0x3e: {  	_ =	shalt  }
0x3f: {  	_ =	shalt  }
0x40: {  	_ =	shalt  }
0x41: {  	_ =	shalt  }
0x42: {  	_ =	shalt  }
0x43: {  	_ =	shalt  }
0x44: {  	_ =	shalt  }
0x45: {  	_ =	shalt  }
0x46: {  	_ =	shalt  }
0x47: {  	_ =	shalt  }
0x48: {  	_ =	shalt  }
0x49: {  	_ =	shalt  }
0x4a: {  	_ =	shalt  }
0x4b: {  	_ =	shalt  }
0x4c: {  	_ =	shalt  }
0x4d: {  	_ =	shalt  }
0x4e: {  	_ =	shalt  }
0x4f: {  	_ =	shalt  }
0x50: {  	_ =	shalt  }
0x51: {  	_ =	shalt  }
0x52: {  	_ =	shalt  }
0x53: {  	_ =	shalt  }
0x54: {  	_ =	shalt  }
0x55: {  	_ =	shalt  }
0x56: {  	_ =	shalt  }
0x57: {  	_ =	shalt  }
0x58: {  	_ =	shalt  }
0x59: {  	_ =	shalt  }
0x5a: {  	_ =	shalt  }
0x5b: {  	_ =	shalt  }
0x5c: {  	_ =	shalt  }
0x5d: {  	_ =	shalt  }
0x5e: {  	_ =	shalt  }
0x5f: {  	_ =	shalt  }
0x60: {  	_ =	shalt  }
0x61: {  	_ =	shalt  }
0x62: {  	_ =	shalt  }
0x63: {  	_ =	shalt  }
0x64: {  	_ =	shalt  }
0x65: {  	_ =	shalt  }
0x66: {  	_ =	shalt  }
0x67: {  	_ =	shalt  }
0x68: {  	_ =	shalt  }
0x69: {  	_ =	shalt  }
0x6a: {  	_ =	shalt  }
0x6b: {  	_ =	shalt  }
0x6c: {  	_ =	shalt  }
0x6d: {  	_ =	shalt  }
0x6e: {  	_ =	shalt  }
0x6f: {  	_ =	shalt  }
0x70: {  	_ =	shalt  }
0x71: {  	_ =	shalt  }
0x72: {  	_ =	shalt  }
0x73: {  	_ =	shalt  }
0x74: {  	_ =	shalt  }
0x75: {  	_ =	shalt  }
0x76: {  	_ =	shalt  }
0x77: {  	_ =	shalt  }
0x78: {  	_ =	shalt  }
0x79: {  	_ =	shalt  }
0x7a: {  	_ =	shalt  }
0x7b: {  	_ =	shalt  }
0x7c: {  	_ =	shalt  }
0x7d: {  	_ =	shalt  }
0x7e: {  	_ =	shalt  }
0x7f: {  	_ =	shalt  }
0x80: {  	_ =	shalt  }
0x81: {  	_ =	shalt  }
0x82: {  	_ =	shalt  }
0x83: {  	_ =	shalt  }
0x84: {  	_ =	shalt  }
0x85: {  	_ =	shalt  }
0x86: {  	_ =	shalt  }
0x87: {  	_ =	shalt  }
.Lfunc_end0:
.L_simem_size_0:
called_computation.2_lowered:
.L_overlay_start_0:
0x88: {  	s2 =	sld [smem:$0x3FD9]  }
0x89: {  	s3 =	sld [smem:$0x3FFE];
	_ =	sdelay $0x1  }
0x8a: {  	s1 =	srdreg.scid  }
0x8b: {  	s0 =	sand.u32 $0x1, s1  }
0x8c: {  	s17 =	sshll.u32 s0, $0xA;
	s2 =	sadd.s32 s3, s2  }
0x8d: {  	s2 =	sadd.s32 s2, s17  }
0x8e: {  	[smem:$0x3FBE] =	sst s2  }
0x8f: {  	_ = 	snop  }
0x90: {  	s2 =	sld [smem:$0x3FD0];
	(tm) =	ssettm $0x1  }
0x91: {  	s18 =	sld [smem:$0x3FFB];
	_ =	sdelay $0x3  }
0x92: {  	_ =	strace s18  }
0x93: {  	s3 =	sld [smem:$0x3FFC];
	_ =	sdelay $0x3  }
0x94: {  	_ =	strace s3  }
0x95: {  	s3 =	sld [smem:$0x3FFD];
	_ =	sdelay $0x3  }
0x96: {  	_ =	strace s3  }
0x97: {  	_ =	strace $0x8FFFFFFF  }
0x98: {  	s19 =	sld [smem:$0x3FDB];
	_ =	sdelay $0x1  }
0x99: {  	s4 =	simm.s32 $_scs_section_size  }
0x9a: {  	s5 =	simm.s32 $_size__tile_overlayer_lowered;
	s6 =	simm.s32 $_tile_overlayer_lowered  }
0x9b: {  	s22 =	simm.s32 $0x1BFF;
	s21 =	sshll.u32 s6, $0x1;
	s3 =	sadd.s32 s4, s19  }
0x9c: {  	s7 =	simm.s32 $0x0;
	s20 =	sshll.u32 s5, $0x1;
	s5 =	sadd.s32 s21, s3  }
0x9d: {  	[timem:s7], [sflag:s22] =	dma.local [hbm:s5], s20  }
0x9e: {  	_ =	swait.ge [sflag:s22], s20  }
0x9f: {  	s4 =	ssub.s32 $0x0, s20;
	[sflag:s22] =	ssyncset.done $0x0  }
0xa0: {  	[sflag:s22] =	ssyncadd.s32 s4;
	_ =	sdelay $0x1  }
0xa1: {  	s23 =	simm.s32 $0x1B8B  }
0xa2: {  	_ =	swait.ge [sflag:s23], $0x1  }
0xa3: {  	[sflag:s23] =	ssyncset.done $0x0  }
0xa4: {  	s25 =	simm.s32 $0x1B8E;
	s24 =	sld [smem:$0x3FFE];
	[sflag:s23] =	ssyncadd.s32 $0xFFFFFFFF  }
0xa5: {  	s26 =	simm.s32 $execute0_lowered;
	[smem:$0x3FD2] =	sst s25  }
0xa6: {  	s5 =	sshll.u32 s26, $0x1;
	_ =	strace $0x80000049;
	[dreg:$0x1] =	wrdreg $0xFFFFFFFF  }
0xa7: {  	s28 =	simm.s32 $_size_execute0_lowered;
	s3 =	sadd.s32 s3, s5;
	[dreg:$0x0] =	wrdreg $0x0  }
0xa8: {  	s5 =	sshll.u32 s28, $0x1;
	[dreg:$0x2] =	wrdreg s3  }
0xa9: {  	[dreg:$0x3] =	wrdreg s5  }
0xaa: {  	[dreg:$0x4] =	wrdreg $0xC0  }
0xab: {  	_ =	task [dreg:s7], $0x5FFFF  }
0xac: {  	[dreg:$0x1] =	wrdreg $0xFFFFFFFF  }
0xad: {  	[dreg:$0x0] =	wrdreg $0x60  }
0xae: {  	[dreg:$0x2] =	wrdreg s2  }
0xaf: {  	[dreg:$0x3] =	wrdreg s24  }
0xb0: {  	[dreg:$0x4] =	wrdreg $0xA1000  }
0xb1: {  	[dreg:$0x5] =	wrdreg $0xA  }
0xb2: {  	_ =	task.clear_ibuf [dreg:s7], $0x6FFFF;
	_ =	strace $0x90000049  }
0xb3: {  	s29 =	simm.s32 $0xA;
	_ =	strace $0x8000004B  }
0xb4: {  	_ =	swait.ge [sflag:s29], $0x1  }
0xb5: {  	[sflag:s29] =	ssyncadd.s32 $0xFFFFFFFF  }
0xb6: {  	_ =	strace $0x9000004B  }
0xb7: {  	_ =	sfence  }
0xb8: {  	s30 =	sld [smem:$0x0];
	_ =	sdelay $0x2  }
0xb9: {  	s31 =	sshll.u32 s1, $0xD;
	s1 =	sshrl.u32 s1, $0x2  }
0xba: {  	s3 =	sand.u32 $0x4000, s31;
	s1 =	sadd.s32 s1, s30  }
0xbb: {  	s0 =	sor.u32 s3, s0;
	s1 =	sshll.u32 s1, $0x11  }
0xbc: {  	s0 =	sor.u32 s1, s0  }
0xbd: {  	s0 =	sadd.s32 $0x8F2B, s0  }
0xbe: {  	[sflag:s0] =	ssyncadd.remote.s32 $0x1  }
0xbf: {  	_ =	sfence.sel $0xFFFF  }
0xc0: {  	[dreg:$0x0] =	wrdreg $0xFFFFFFFF;
	(pc) =	sbr.abs _section_cstart, $3  }
0xc1: {  	[dreg:$0x1] =	wrdreg $0xFFFFFFFF  }
0xc2: {  	_ =	task.clear_ibuf [dreg:s7], $0x2FFFF;
	_ =	strace $0x9FFFFFFF  }
0xc3: {  	(tm) =	ssettm $0x7FFFFFFF  }
tec
execute0_lowered:
.L_overlay_start_1:
0x0: {  	(tag) =	ssettag $0x1  }
0x1: {  	s1 =	rddreg [dreg:$0x0]  }
0x2: {  	s10 =	rddreg [dreg:$0x1]  }
0x3: {  	s2 =	rddreg [dreg:$0x2]  }
0x4: {  	s0 =	rddreg [dreg:$0x3];
	s3 =	simm.s32 $0x0  }
0x5: {  	s9 =	srdreg.scid;
	s13 =	stileid.u32;
	s17 =	simm.s32 $0x900  }
0x6: {  	s18 =	simm.s32 $0x1100;
	s19 =	simm.s32 $0x2100;
	s20 =	simm.s32 $0x6100  }
0x7: {  	[smem:$0x7FF] =	sst s3;
	s4 =	sadd.s32 $0x5CC00, s10;
	s5 =	sadd.s32 $0x75E00, s10  }
0x8: {  	s6 =	sadd.s32 $0x6C000, s10;
	s7 =	sadd.s32 $0x52C00, s10;
	s8 =	sadd.s32 $0x3C00, s10  }
0x9: {  	s11 =	sand.u32 $0x1, s9;
	s9 =	sadd.s32 $0x117E00, s10;
	s16 =	sshll.u32 s13, $0x1  }
0xa: {  	p0 =	sne.s32 s13, $0x0;
	_ =	strace $0x8000004A;
	s12 =	smul.u32 $0x27800, s11  }
0xb: {  	s14 =	ssub.s32 $0x2, s11;
	s31 =	sor.u32 s11, s16;
	s13 =	sshrl.u32 @!p0 s2, $0x3  }
0xc: {  	s16 =	simm.s32 $0x100;
	s15 =	sshrl.u32 s14, $0x1;
	s12 =	sadd.s32 s12, s10  }
0xd: {  	s14 =	ssub.s32 s14, s15;
	s10 =	smul.u32 $0x2880, s31;
	s15 =	simm.s32 $0x80  }
0xe: {  	s11 =	sadd.s32 $0x13F600, s12;
	s12 =	smax.u32 s14, $0x1;
	s14 =	simm.s32 $0x1  }
.LBB2_1:
0xf: {  	s21 =	simm.s32 @!p0 $0x1C01  }
0x10: {  	[spmem:s13], [sflag:s21] =	dma.local @!p0 [hbm:s9], $0x27800  }
0x11: {  	s21 =	simm.s32 @!p0 $0x1  }
0x12: {  	_ =	swait.ge @!p0 [sflag:s21], $0x27800  }
0x13: {  	[sflag:s21] =	ssyncset.done @!p0 $0x0  }
0x14: {  	[sflag:s21] =	ssyncadd.s32 @!p0 $0xFFFD8800  }
0x15: {  	s21 =	simm.s32 $0x0;
	[bflag:$0x0] =	sbarrier.arrive $0xFFFF  }
.LBB2_2:
0x16: {  	s22 =	sshll.u32 s21, $0x7  }
0x17: {  	s22 =	sadd.s32 s10, s22  }
0x18: {  	s23 =	sshrl.u32 s22, $0x3  }
0x19: {  	s25 =	simm.s32 $0x0;
	s24 =	sadd.s32 s1, s23  }
0x1a: {  	[tilespmem:s25], [sflag:$0x1] =	stream.linear.gather [hbm4b:s24+s25], $0x80, $0x38;
	[tilespmem:$0x1DD00] =	vst v63  }
0x1b: {  	_ =	swait.ge [sflag:s14], $0x80  }
0x1c: {  	[sflag:s14] =	ssyncset.done $0x0  }
0x1d: {  	s23 =	sadd.s32 s4, s23;
	[sflag:s14] =	ssyncadd.s32 $0xFFFFFF80  }
0x1e: {  	[tilespmem:s15], [sflag:$0x1] =	stream.linear.gather [hbm4b:s23+s25], $0x80, $0x38;
	[tilespmem:$0x1DD00] =	vst v63  }
0x1f: {  	_ =	swait.ge [sflag:s14], $0x80  }
0x20: {  	s22 =	sshll.u32 s22, $0x1;
	[sflag:s14] =	ssyncset.done $0x0  }
0x21: {  	s22 =	sadd.s32 s5, s22;
	[sflag:s14] =	ssyncadd.s32 $0xFFFFFF80  }
0x22: {  	[tilespmem:s16], [sflag:$0x1] =	stream.linear.gather [hbm4b:s22+s25], $0x800, $0x38;
	[tilespmem:$0x1DD00] =	vst v63  }
0x23: {  	_ =	swait.ge [sflag:s14], $0x800  }
0x24: {  	[sflag:s14] =	ssyncset.done $0x0  }
0x25: {  	[sflag:s14] =	ssyncadd.s32 $0xFFFFF800  }
0x26: {  	[tilespmem:s17], [sflag:$0x1] =	stream.indirect.gather [hbm4b:s6+s15], $0x10, s15, s15, $0xb8;
	[tilespmem:$0x1DD00] =	vst v63  }
0x27: {  	_ =	swait.ge [sflag:s14], $0x800  }
0x28: {  	[sflag:s14] =	ssyncset.done $0x0  }
0x29: {  	[sflag:s14] =	ssyncadd.s32 $0xFFFFF800  }
0x2a: {  	[tilespmem:s18], [sflag:$0x1] =	stream.indirect.gather [hbm4b:s7+s15], $0x10, s15, s15, $0xb8;
	[tilespmem:$0x1DD00] =	vst v63  }
0x2b: {  	_ =	swait.ge [sflag:s14], $0x800  }
0x2c: {  	[sflag:s14] =	ssyncset.done $0x0  }
0x2d: {  	[sflag:s14] =	ssyncadd.s32 $0xFFFFF800  }
0x2e: {  	[tilespmem:s19], [sflag:$0x1] =	stream.indirect.gather [hbm4b:s8+s15], $0x80, s25, s15, $0xb8;
	[tilespmem:$0x1DD00] =	vst v63  }
0x2f: {  	_ =	swait.ge [sflag:s14], $0x4000  }
0x30: {  	[sflag:s14] =	ssyncset.done $0x0  }
0x31: {  	s22 =	simm.s32 $0x0;
	[sflag:s14] =	ssyncadd.s32 $0xFFFFC000  }
0x32: {  	v0 =	vld [tilespmem:s22+$0x900]  }
0x33: {  	s23 =	simm.s32 $0x10;
	v1 =	vld [tilespmem:s22+$0x1100]  }
0x34: {  	v2 =	vld [tilespmem:s23+$0x900]  }
0x35: {  	v3 =	vld [tilespmem:s23+$0x1100];
	_ =	sdelay $0x2  }
0x36: {  	v0 =	vadd.f32 v1, v0;
	_ =	sdelay $0x1  }
0x37: {  	v1 =	vadd.f32 v3, v2;
	v2 =	vadd.f32 $1.000000020e-16, v0;
	_ =	sdelay $0x1  }
0x38: {  	(erf) = vrcp.f32 v2  }
0x39: {  	s24 =	simm.s32 $0x20;
	v3 =	vadd.f32 $1.000000020e-16, v1  }
0x3a: {  	v0 =	vld [tilespmem:s24+$0x900]  }
0x3b: {  	v2 =	vld [tilespmem:s24+$0x1100];
	(erf) = vrcp.f32 v3;
	_ =	sdelay $0x1  }
0x3c: {  	v1 =	vld [tilespmem:s22+$0x100]  }
0x3d: {  	s26 =	simm.s32 $0xC0;
	s25 =	simm.s32 $0x0  }
.LBB2_3:
0x3e: {  	s28 =	sshra.s32 s26, $0x2;
	p1 =	sne.s32 s26, $0x1FC0  }
.Ltmp0:
0x3f: {  	s26 =	sadd.s32 $0x40, s26;
	v3 =	vadd.f32 v2, v0;
	v0 =	vld [tilespmem:s28+$0x900];
	(pc) =	sbr.rel @p1 .LBB2_3-.Ltmp0, $4  }
0x40: {  	v2 =	vld [tilespmem:s28+$0x1100];
	v4 =	vpop (erf)  }
0x41: {  	v3 =	vadd.f32 $1.000000020e-16, v3;
	v4 =	vmul.f32 v4, v1  }
0x42: {  	v1 =	vld [tilespmem:s23+$0x100]  }
0x43: {  	(erf) = vrcp.f32 v3;
	[tilespmem:s25+$0x1900] =	vst v4;
	s25 =	smov.u32 s23;
	s23 =	smov.u32 s24;
	s24 =	smov.u32 s28  }
0x44: {  	_ = 	snop  }
0x45: {  	v0 =	vadd.f32 v2, v0;
	_ =	sdelay $0x1  }
0x46: {  	v0 =	vadd.f32 $1.000000020e-16, v0;
	_ =	sdelay $0x2  }
0x47: {  	(erf) = vrcp.f32 v0  }
0x48: {  	v0 =	vpop (erf)  }
0x49: {  	v0 =	vmul.f32 v0, v1;
	_ =	sdelay $0x1  }
0x4a: {  	v1 =	vld [tilespmem:s23+$0x100];
	[tilespmem:s25+$0x1900] =	vst v0  }
0x4b: {  	v0 =	vld [tilespmem:s24+$0x100];
	_ =	sdelay $0x2  }
0x4c: {  	v2 =	vpop (erf)  }
0x4d: {  	v1 =	vmul.f32 v2, v1;
	v2 =	vpop (erf)  }
0x4e: {  	v0 =	vmul.f32 v2, v0  }
0x4f: {  	[tilespmem:s23+$0x1900] =	vst v1  }
0x50: {  	[tilespmem:s24+$0x1900] =	vst v0  }
0x51: {  	v0 =	vld [tilespmem:s22+$0x2100]  }
0x52: {  	v1 =	vld [tilespmem:s22+$0x2110]  }
0x53: {  	s23 =	simm.s32 $0x1900;
	v2 =	vld [tilespmem:s22+$0x2120]  }
0x54: {  	s24 =	simm.s32 $0x200;
	v3 =	vld [tilespmem:s23+$0x0]  }
.LBB2_5:
0x55: {  	p1 =	sne.s32 s24, $0xFE00;
	v4 =	vld [tilespmem:s22+$0x2130]  }
0x56: {  	v5 =	vld [tilespmem:s22+$0x2140]  }
0x57: {  	v6 =	vld [tilespmem:s22+$0x2150]  }
0x58: {  	v7 =	vld [tilespmem:s22+$0x2160]  }
0x59: {  	v8 =	vbroadcast v3, $0x2;
	v3 =	vbroadcast v3, $0x3;
	v9 =	vld [tilespmem:s22+$0x2170];
	_ =	sdelay $0x1  }
0x5a: {  	v0 =	vmul.f32 v8, v0;
	v1 =	vmul.f32 v1, v8  }
0x5b: {  	v2 =	vmul.f32 v2, v8;
	v4 =	vmul.f32 v4, v8  }
0x5c: {  	[tilespmem:s22+$0x6100] =	vst v0;
	v0 =	vmul.f32 v5, v3;
	v5 =	vmul.f32 v6, v3  }
0x5d: {  	v6 =	vmul.f32 v7, v3;
	[tilespmem:s22+$0x6110] =	vst v1;
	v3 =	vmul.f32 v9, v3  }
0x5e: {  	[tilespmem:s22+$0x6120] =	vst v2  }
0x5f: {  	[tilespmem:s22+$0x6130] =	vst v4  }
.Ltmp1:
0x60: {  	s25 =	sshra.s32 s24, $0x2;
	[tilespmem:s22+$0x6140] =	vst v0;
	(pc) =	sbr.rel @p1 .LBB2_5-.Ltmp1, $4  }
0x61: {  	v0 =	vld [tilespmem:s25+$0x2100];
	[tilespmem:s22+$0x6150] =	vst v5  }
0x62: {  	v1 =	vld [tilespmem:s25+$0x2110];
	[tilespmem:s22+$0x6160] =	vst v6  }
0x63: {  	s23 =	sadd.s32 $0x10, s23;
	v2 =	vld [tilespmem:s25+$0x2120];
	[tilespmem:s22+$0x6170] =	vst v3;
	s22 =	smov.u32 s25  }
0x64: {  	s24 =	sadd.s32 $0x200, s24;
	v3 =	vld [tilespmem:s23+$0x0]  }
0x65: {  	_ =	sdelay $0x3  }
0x66: {  	v4 =	vld [tilespmem:s22+$0x2130];
	v6 =	vbroadcast v3, $0x2  }
0x67: {  	v5 =	vld [tilespmem:s22+$0x2140]  }
0x68: {  	v7 =	vld [tilespmem:s22+$0x2150];
	v0 =	vmul.f32 v6, v0  }
0x69: {  	v8 =	vld [tilespmem:s22+$0x2160];
	v1 =	vmul.f32 v1, v6  }
0x6a: {  	v9 =	vld [tilespmem:s22+$0x2170];
	v58 =	vbroadcast v3, $0x3;
	v2 =	vmul.f32 v2, v6;
	[tilespmem:s22+$0x6100] =	vst v0  }
0x6b: {  	v59 =	vmul.f32 v4, v6;
	[tilespmem:s22+$0x6110] =	vst v1  }
0x6c: {  	v60 =	vmul.f32 v5, v58;
	[tilespmem:s22+$0x6120] =	vst v2  }
0x6d: {  	v61 =	vmul.f32 v7, v58;
	[tilespmem:s22+$0x6130] =	vst v59  }
0x6e: {  	v62 =	vmul.f32 v8, v58;
	[tilespmem:s22+$0x6140] =	vst v60  }
0x6f: {  	s21 =	sadd.s32 $0x1, s21;
	v63 =	vmul.f32 v9, v58;
	[tilespmem:s22+$0x6150] =	vst v61  }
0x70: {  	p1 =	sne.s32 s21, $0x51;
	[tilespmem:s22+$0x6160] =	vst v62  }
.Ltmp2:
0x71: {  	[tilespmem:s22+$0x6170] =	vst v63;
	(pc) =	sbr.rel @p1 .LBB2_2-.Ltmp2, $4  }
0x72: {  	[spmem:s2] =	stream.indirect.scatter.add.f32 [tilespmem:s20], [sflag:$0x1], $0x80, s15, s15, $0xb8;
	[tilespmem:$0x1DD00] =	vst v63  }
0x73: {  	_ =	swait.ge [sflag:s14], $0x4000  }
0x74: {  	[sflag:s14] =	ssyncset.done $0x0  }
0x75: {  	[sflag:s14] =	ssyncadd.s32 $0xFFFFC000  }
0x76: {  	[bflag:$0x0] =	sbarrier.arrive $0xFFFF;
	s21 =	simm.s32 @!p0 $0x1C01;
	s3 =	sadd.s32 $0x1, s3  }
0x77: {  	[hbm:s11], [sflag:s21] =	dma.local @!p0 [spmem:s13], $0x27800  }
0x78: {  	p1 =	sne.s32 s3, s12  }
.Ltmp3:
0x79: {  	_ = 	snop;
	(pc) =	sbr.rel @p1 .LBB2_1-.Ltmp3, $4  }
0x7a: {  	s21 =	simm.s32 @!p0 $0x1  }
0x7b: {  	_ =	swait.ge @!p0 [sflag:s21], $0x27800  }
0x7c: {  	[sflag:s21] =	ssyncset.done @!p0 $0x0  }
0x7d: {  	[sflag:s21] =	ssyncadd.s32 @!p0 $0xFFFD8800  }
0x7e: {  	_ =	sfence.sel $0x180000  }
0x7f: {  	[bflag:$0x0] =	sbarrier.arrive $0xFFFF  }
0x80: {  	_ =	strace $0x9000004A  }
0x81: {  	s0 =	sadd.s32 @!p0 $0x100000, s0;
	[bflag:$0x2] =	sbarrier.arrive $0xFFFF  }
0x82: {  	[sflag:s0] =	ssyncadd.tile.s32 @!p0 $0x1;
	_ =	shalt  }
.Lfunc_end2:
_tile_overlayer_lowered:
.L_overlay_start_2:
0x83: {  	(tag) =	ssettag $0x2  }
0x84: {  	s0 =	rddreg [dreg:$0x0];
	s2 =	stileid.u32  }
0x85: {  	s1 =	rddreg [dreg:$0x1];
	p0 =	sne.s32 s2, $0x0  }
0x86: {  	s3 =	rddreg [dreg:$0x2];
	[bflag:$0x3] =	sbarrier.arrive $0xFFFF;
	s2 =	simm.s32 @!p0 $0x1C01  }
0x87: {  	[timem:s3], [sflag:s2] =	dma.local @!p0 [hbm:s0], s1  }
0x88: {  	s0 =	simm.s32 @!p0 $0x1  }
0x89: {  	_ =	swait.ge @!p0 [sflag:s0], s1  }
0x8a: {  	s1 =	ssub.s32 @!p0 $0x0, s1;
	[sflag:s0] =	ssyncset.done @!p0 $0x0  }
0x8b: {  	[sflag:s0] =	ssyncadd.s32 @!p0 s1  }
0x8c: {  	[bflag:$0x3] =	sbarrier.arrive $0xFFFF  }
0x8d: {  	_ =	shalt  }

// kernel: kernel.20.cloned.1.call-start
scs
__scs_entry_jumppad:
0x0: {  	(pc) =	sbr.rel $0x88, $3  }
0x1: {  	(tag) =	ssettag $0x0;
	lr =	simm.s32 $0x1  }
0x2: {  	[smem:$0x3F97] =	sst lr;
	_ =	strace $0xD0000000  }
0x3: {  	_ = 	snop  }
0x4: {  	_ = 	snop  }
0x5: {  	_ = 	snop  }
0x6: {  	_ = 	snop  }
0x7: {  	_ = 	snop  }
__scs_overlays_trampoline_lowered:
0x8: {  	[smem:$0x3FA6] =	sst s0  }
0x9: {  	[smem:$0x3FA7] =	sst s1  }
0xa: {  	[smem:$0x3FA8] =	sst s2  }
0xb: {  	[smem:$0x3FA9] =	sst s3  }
0xc: {  	[smem:$0x3FAA] =	sst s4  }
0xd: {  	[smem:$0x3FAB] =	sst s5  }
0xe: {  	[smem:$0x3FAC] =	sst s6  }
0xf: {  	[smem:$0x3FAD] =	sst s7  }
0x10: {  	[smem:$0x3FAE] =	sst s8  }
0x11: {  	[smem:$0x3FAF] =	sst s9;
	s0 =	simm.s32 @!p0 $0x0  }
0x12: {  	s1 =	sld [smem:$0x3F95];
	s0 =	simm.s32 @p0 $0x1  }
0x13: {  	[smem:$0x3FB0] =	sst s0;
	s0 =	simm.s32 @!p1 $0x0  }
0x14: {  	s2 =	sld [smem:$0x3F94];
	s0 =	simm.s32 @p1 $0x1  }
0x15: {  	[smem:$0x3FB1] =	sst s0;
	s0 =	simm.s32 @!p2 $0x0  }
0x16: {  	s3 =	sld [smem:$0x3FDB];
	s0 =	simm.s32 @p2 $0x1  }
0x17: {  	s4 =	simm.s32 $0x1BF5;
	[smem:$0x3FB3] =	sst s0  }
0x18: {  	s0 =	sld [smem:$0x3F96];
	_ =	swait.ge [sflag:s4], $0x0  }
0x19: {  	s7 =	sld [smem:$0x3F97]  }
0x1a: {  	s8 =	sadd.s32 $0xFFFFE003, lr  }
0x1b: {  	s9 =	sadd.s32 $0xFFFFFEF7, lr;
	s5 =	simm.s32 $0xFFFFFFFF;
	p2 =	slt.u32 s8, $0xFFFFF086  }
0x1c: {  	p1 =	slt.u32 s9, $0xF7A;
	s5 =	simm.s32 @!p2 $0x0  }
0x1d: {  	s5 =	simm.s32 @p1 $0x1;
	p0 =	seq.s32 s7, s2  }
0x1e: {  	s7 =	smul.u32 @!p0 $0xF7A, s2;
	p2 =	seq.s32 @!p0 s5, $0x0  }
0x1f: {  	s9 =	smul.u32 $0xF7A, s1;
	s8 =	simm.s32 @!p0 $0x1BF5;
	p2 =	por !p2, p0  }
0x20: {  	[sflag:s8] =	ssyncset.s32 @!p0 $0xFFFFF086;
	s6 =	sadd.s32 @!p0 s3, s7;
	s7 =	simm.s32 @!p0 $0x108  }
0x21: {  	s3 =	sadd.s32 s3, s9;
	s6 =	sadd.s32 @!p0 $0x88, s6;
	s7 =	simm.s32 @p2 $0x1082  }
0x22: {  	[simem:s7], [sflag:s8] =	dma.local @!p0 [hbm:s6], $0xF7A  }
0x23: {  	s9 =	sor.u32 $0xD0000000, s2;
	s6 =	simm.s32 $0x108;
	_ =	swait.ge @!p0 [sflag:s8], $0x0  }
0x24: {  	s3 =	sadd.s32 $0x88, s3;
	s6 =	simm.s32 @!p1 $0x1082;
	[sflag:s4] =	ssyncset.s32 $0xFFFFF086  }
0x25: {  	[simem:s6], [sflag:s4] =	dma.local [hbm:s3], $0xF7A  }
0x26: {  	[smem:$0x3F97] =	sst s1;
	(tag) =	ssettag s2;
	_ =	strace s9  }
0x27: {  	s1 =	sld [smem:$0x3FA7]  }
0x28: {  	s2 =	sld [smem:$0x3FA8]  }
0x29: {  	s4 =	sld [smem:$0x3FAA]  }
0x2a: {  	p0 =	seq.s32 s5, $0x0;
	s5 =	sld [smem:$0x3FAB]  }
0x2b: {  	s6 =	sld [smem:$0x3FAC]  }
0x2c: {  	s7 =	sld [smem:$0x3FAD]  }
0x2d: {  	s3 =	simm.s32 $0x108;
	s8 =	sld [smem:$0x3FAE]  }
0x2e: {  	s3 =	simm.s32 @!p0 $0x1082;
	s9 =	sld [smem:$0x3FAF]  }
0x2f: {  	lr =	sadd.s32 s0, s3;
	s0 =	sld [smem:$0x3FA6]  }
0x30: {  	s3 =	sld [smem:$0x3FA9]  }
0x31: {  	[smem:$0x3FB2] =	sst s10  }
0x32: {  	s10 =	sld [smem:$0x3FB0];
	_ =	sdelay $0x3  }
0x33: {  	p0 =	seq.s32 s10, $0x1;
	s10 =	sld [smem:$0x3FB2];
	_ =	sdelay $0x3  }
0x34: {  	[smem:$0x3FB2] =	sst s10  }
0x35: {  	s10 =	sld [smem:$0x3FB1];
	_ =	sdelay $0x3  }
0x36: {  	p1 =	seq.s32 s10, $0x1;
	s10 =	sld [smem:$0x3FB2];
	_ =	sdelay $0x3  }
0x37: {  	[smem:$0x3FB2] =	sst s10  }
0x38: {  	s10 =	sld [smem:$0x3FB3]  }
0x39: {  	_ = 	snop;
	(pc) =	sbr.ind lr, $3  }
0x3a: {  	_ = 	snop  }
0x3b: {  	_ = 	snop  }
0x3c: {  	p2 =	seq.s32 s10, $0x1;
	s10 =	sld [smem:$0x3FB2]  }
0x3d: {  	_ =	shalt  }
0x3e: {  	_ =	shalt  }
0x3f: {  	_ =	shalt  }
0x40: {  	_ =	shalt  }
0x41: {  	_ =	shalt  }
0x42: {  	_ =	shalt  }
0x43: {  	_ =	shalt  }
0x44: {  	_ =	shalt  }
0x45: {  	_ =	shalt  }
0x46: {  	_ =	shalt  }
0x47: {  	_ =	shalt  }
0x48: {  	_ =	shalt  }
0x49: {  	_ =	shalt  }
0x4a: {  	_ =	shalt  }
0x4b: {  	_ =	shalt  }
0x4c: {  	_ =	shalt  }
0x4d: {  	_ =	shalt  }
0x4e: {  	_ =	shalt  }
0x4f: {  	_ =	shalt  }
0x50: {  	_ =	shalt  }
0x51: {  	_ =	shalt  }
0x52: {  	_ =	shalt  }
0x53: {  	_ =	shalt  }
0x54: {  	_ =	shalt  }
0x55: {  	_ =	shalt  }
0x56: {  	_ =	shalt  }
0x57: {  	_ =	shalt  }
0x58: {  	_ =	shalt  }
0x59: {  	_ =	shalt  }
0x5a: {  	_ =	shalt  }
0x5b: {  	_ =	shalt  }
0x5c: {  	_ =	shalt  }
0x5d: {  	_ =	shalt  }
0x5e: {  	_ =	shalt  }
0x5f: {  	_ =	shalt  }
0x60: {  	_ =	shalt  }
0x61: {  	_ =	shalt  }
0x62: {  	_ =	shalt  }
0x63: {  	_ =	shalt  }
0x64: {  	_ =	shalt  }
0x65: {  	_ =	shalt  }
0x66: {  	_ =	shalt  }
0x67: {  	_ =	shalt  }
0x68: {  	_ =	shalt  }
0x69: {  	_ =	shalt  }
0x6a: {  	_ =	shalt  }
0x6b: {  	_ =	shalt  }
0x6c: {  	_ =	shalt  }
0x6d: {  	_ =	shalt  }
0x6e: {  	_ =	shalt  }
0x6f: {  	_ =	shalt  }
0x70: {  	_ =	shalt  }
0x71: {  	_ =	shalt  }
0x72: {  	_ =	shalt  }
0x73: {  	_ =	shalt  }
0x74: {  	_ =	shalt  }
0x75: {  	_ =	shalt  }
0x76: {  	_ =	shalt  }
0x77: {  	_ =	shalt  }
0x78: {  	_ =	shalt  }
0x79: {  	_ =	shalt  }
0x7a: {  	_ =	shalt  }
0x7b: {  	_ =	shalt  }
0x7c: {  	_ =	shalt  }
0x7d: {  	_ =	shalt  }
0x7e: {  	_ =	shalt  }
0x7f: {  	_ =	shalt  }
0x80: {  	_ =	shalt  }
0x81: {  	_ =	shalt  }
0x82: {  	_ =	shalt  }
0x83: {  	_ =	shalt  }
0x84: {  	_ =	shalt  }
0x85: {  	_ =	shalt  }
0x86: {  	_ =	shalt  }
0x87: {  	_ =	shalt  }
.Lfunc_end0:
.L_simem_size_0:
called_computation.3_lowered:
.L_overlay_start_0:
0x88: {  	s2 =	sld [smem:$0x3FD9]  }
0x89: {  	s3 =	sld [smem:$0x3FFE];
	_ =	sdelay $0x1  }
0x8a: {  	s1 =	srdreg.scid  }
0x8b: {  	s0 =	sand.u32 $0x1, s1  }
0x8c: {  	s17 =	sshll.u32 s0, $0xA;
	s2 =	sadd.s32 s3, s2  }
0x8d: {  	s2 =	sadd.s32 s2, s17  }
0x8e: {  	[smem:$0x3FBE] =	sst s2  }
0x8f: {  	_ = 	snop  }
0x90: {  	s2 =	sld [smem:$0x3FD0];
	(tm) =	ssettm $0x1  }
0x91: {  	s18 =	sld [smem:$0x3FFB];
	_ =	sdelay $0x3  }
0x92: {  	_ =	strace s18  }
0x93: {  	s3 =	sld [smem:$0x3FFC];
	_ =	sdelay $0x3  }
0x94: {  	_ =	strace s3  }
0x95: {  	s3 =	sld [smem:$0x3FFD];
	_ =	sdelay $0x3  }
0x96: {  	_ =	strace s3  }
0x97: {  	_ =	strace $0x8FFFFFFF  }
0x98: {  	s19 =	sld [smem:$0x3FDB];
	_ =	sdelay $0x1  }
0x99: {  	s4 =	simm.s32 $_scs_section_size  }
0x9a: {  	s5 =	simm.s32 $_size__tile_overlayer_lowered;
	s6 =	simm.s32 $_tile_overlayer_lowered  }
0x9b: {  	s22 =	simm.s32 $0x1BFF;
	s21 =	sshll.u32 s6, $0x1;
	s3 =	sadd.s32 s4, s19  }
0x9c: {  	s7 =	simm.s32 $0x0;
	s20 =	sshll.u32 s5, $0x1;
	s5 =	sadd.s32 s21, s3  }
0x9d: {  	[timem:s7], [sflag:s22] =	dma.local [hbm:s5], s20  }
0x9e: {  	_ =	swait.ge [sflag:s22], s20  }
0x9f: {  	s4 =	ssub.s32 $0x0, s20;
	[sflag:s22] =	ssyncset.done $0x0  }
0xa0: {  	[sflag:s22] =	ssyncadd.s32 s4;
	_ =	sdelay $0x1  }
0xa1: {  	s23 =	simm.s32 $0x1B8B  }
0xa2: {  	_ =	swait.ge [sflag:s23], $0x1  }
0xa3: {  	[sflag:s23] =	ssyncset.done $0x0  }
0xa4: {  	s25 =	simm.s32 $0x1B8E;
	s24 =	sld [smem:$0x3FFE];
	[sflag:s23] =	ssyncadd.s32 $0xFFFFFFFF  }
0xa5: {  	s26 =	simm.s32 $execute0_lowered;
	[smem:$0x3FD2] =	sst s25  }
0xa6: {  	s5 =	sshll.u32 s26, $0x1;
	_ =	strace $0x8000004F;
	[dreg:$0x1] =	wrdreg $0xFFFFFFFF  }
0xa7: {  	s28 =	simm.s32 $_size_execute0_lowered;
	s3 =	sadd.s32 s3, s5;
	[dreg:$0x0] =	wrdreg $0x0  }
0xa8: {  	s5 =	sshll.u32 s28, $0x1;
	[dreg:$0x2] =	wrdreg s3  }
0xa9: {  	[dreg:$0x3] =	wrdreg s5  }
0xaa: {  	[dreg:$0x4] =	wrdreg $0xC0  }
0xab: {  	_ =	task [dreg:s7], $0x5FFFF  }
0xac: {  	[dreg:$0x1] =	wrdreg $0xFFFFFFFF  }
0xad: {  	[dreg:$0x0] =	wrdreg $0x60  }
0xae: {  	[dreg:$0x2] =	wrdreg s2  }
0xaf: {  	[dreg:$0x3] =	wrdreg s24  }
0xb0: {  	[dreg:$0x4] =	wrdreg $0x19100  }
0xb1: {  	[dreg:$0x5] =	wrdreg $0x9  }
0xb2: {  	_ =	task.clear_ibuf [dreg:s7], $0x6FFFF;
	_ =	strace $0x9000004F  }
0xb3: {  	s29 =	simm.s32 $0x9;
	_ =	strace $0x80000051  }
0xb4: {  	_ =	swait.ge [sflag:s29], $0x1  }
0xb5: {  	[sflag:s29] =	ssyncadd.s32 $0xFFFFFFFF  }
0xb6: {  	_ =	strace $0x90000051  }
0xb7: {  	_ =	sfence  }
0xb8: {  	s30 =	sld [smem:$0x0];
	_ =	sdelay $0x2  }
0xb9: {  	s31 =	sshll.u32 s1, $0xD;
	s1 =	sshrl.u32 s1, $0x2  }
0xba: {  	s3 =	sand.u32 $0x4000, s31;
	s1 =	sadd.s32 s1, s30  }
0xbb: {  	s0 =	sor.u32 s3, s0;
	s1 =	sshll.u32 s1, $0x11  }
0xbc: {  	s0 =	sor.u32 s1, s0  }
0xbd: {  	s0 =	sadd.s32 $0x8F2B, s0  }
0xbe: {  	[sflag:s0] =	ssyncadd.remote.s32 $0x1  }
0xbf: {  	_ =	sfence.sel $0xFFFF  }
0xc0: {  	[dreg:$0x0] =	wrdreg $0xFFFFFFFF;
	(pc) =	sbr.abs _section_cstart, $3  }
0xc1: {  	[dreg:$0x1] =	wrdreg $0xFFFFFFFF  }
0xc2: {  	_ =	task.clear_ibuf [dreg:s7], $0x2FFFF;
	_ =	strace $0x9FFFFFFF  }
0xc3: {  	(tm) =	ssettm $0x7FFFFFFF  }
tec
execute0_lowered:
.L_overlay_start_1:
0x0: {  	(tag) =	ssettag $0x1  }
0x1: {  	s1 =	rddreg [dreg:$0x0]  }
0x2: {  	s10 =	rddreg [dreg:$0x1]  }
0x3: {  	s2 =	rddreg [dreg:$0x2]  }
0x4: {  	s0 =	rddreg [dreg:$0x3];
	s3 =	simm.s32 $0x0  }
0x5: {  	s9 =	srdreg.scid;
	s13 =	stileid.u32;
	s17 =	simm.s32 $0x100  }
0x6: {  	s18 =	simm.s32 $0x900;
	s19 =	simm.s32 $0x1100;
	s20 =	simm.s32 $0x0  }
0x7: {  	[smem:$0x7FF] =	sst s3;
	s4 =	sadd.s32 $0x5CC00, s10;
	s5 =	sadd.s32 $0x3C00, s10  }
0x8: {  	s6 =	sadd.s32 $0x8C00, s10;
	s7 =	sadd.s32 $0x66E00, s10;
	s8 =	sadd.s32 $0x67000, s10  }
0x9: {  	s11 =	sand.u32 $0x1, s9;
	s9 =	sadd.s32 $0x13F600, s10;
	s16 =	sshll.u32 s13, $0x1  }
0xa: {  	p0 =	sne.s32 s13, $0x0;
	_ =	strace $0x80000050;
	s12 =	smul.u32 $0x4F00, s11  }
0xb: {  	s14 =	ssub.s32 $0x2, s11;
	s31 =	sor.u32 s11, s16;
	s13 =	sshrl.u32 @!p0 s2, $0x3  }
0xc: {  	s16 =	simm.s32 $0x80;
	s15 =	sshrl.u32 s14, $0x1;
	s12 =	sadd.s32 s12, s10  }
0xd: {  	s14 =	ssub.s32 s14, s15;
	s10 =	smul.u32 $0x2880, s31;
	s15 =	simm.s32 $0x1  }
0xe: {  	s11 =	sadd.s32 $0xDC00, s12;
	s12 =	smax.u32 s14, $0x1;
	s14 =	simm.s32 $0x1900  }
.LBB2_1:
0xf: {  	s21 =	simm.s32 @!p0 $0x1C01  }
0x10: {  	[spmem:s13], [sflag:s21] =	dma.local @!p0 [hbm:s8], $0x4F00  }
0x11: {  	s21 =	simm.s32 @!p0 $0x1  }
0x12: {  	_ =	swait.ge @!p0 [sflag:s21], $0x4F00  }
0x13: {  	[sflag:s21] =	ssyncset.done @!p0 $0x0  }
0x14: {  	[sflag:s21] =	ssyncadd.s32 @!p0 $0xFFFFB100  }
0x15: {  	[tilespmem:s14], [sflag:$0x1] =	stream.linear.gather [hbm4b:s7+s3], $0x10, $0x38;
	[tilespmem:$0x4090] =	vst v63  }
0x16: {  	_ =	swait.ge [sflag:s15], $0x10  }
0x17: {  	[sflag:s15] =	ssyncset.done $0x0  }
0x18: {  	[sflag:s15] =	ssyncadd.s32 $0xFFFFFFF0  }
0x19: {  	s21 =	simm.s32 $0x0;
	[bflag:$0x0] =	sbarrier.arrive $0xFFFF  }
.LBB2_2:
0x1a: {  	s22 =	sshll.u32 s21, $0x7  }
0x1b: {  	s22 =	sadd.s32 s10, s22  }
0x1c: {  	s23 =	sshrl.u32 s22, $0x3  }
0x1d: {  	s25 =	simm.s32 $0x0;
	s24 =	sadd.s32 s1, s23  }
0x1e: {  	[tilespmem:s25], [sflag:$0x1] =	stream.linear.gather [hbm4b:s24+s25], $0x80, $0x38;
	[tilespmem:$0x4090] =	vst v63  }
0x1f: {  	_ =	swait.ge [sflag:s15], $0x80  }
0x20: {  	[sflag:s15] =	ssyncset.done $0x0  }
0x21: {  	s23 =	sadd.s32 s4, s23;
	[sflag:s15] =	ssyncadd.s32 $0xFFFFFF80  }
0x22: {  	[tilespmem:s16], [sflag:$0x1] =	stream.linear.gather [hbm4b:s23+s25], $0x80, $0x38;
	[tilespmem:$0x4090] =	vst v63  }
0x23: {  	_ =	swait.ge [sflag:s15], $0x80  }
0x24: {  	[sflag:s15] =	ssyncset.done $0x0  }
0x25: {  	[sflag:s15] =	ssyncadd.s32 $0xFFFFFF80  }
0x26: {  	[tilespmem:s17], [sflag:$0x1] =	stream.indirect.gather [hbm4b:s5+s16], $0x10, s25, s16, $0xb8;
	[tilespmem:$0x4090] =	vst v63  }
0x27: {  	_ =	swait.ge [sflag:s15], $0x800  }
0x28: {  	[sflag:s15] =	ssyncset.done $0x0  }
0x29: {  	[sflag:s15] =	ssyncadd.s32 $0xFFFFF800  }
0x2a: {  	[tilespmem:s18], [sflag:$0x1] =	stream.indirect.gather [hbm4b:s6+s16], $0x10, s16, s16, $0xb8;
	[tilespmem:$0x4090] =	vst v63  }
0x2b: {  	_ =	swait.ge [sflag:s15], $0x800  }
0x2c: {  	[sflag:s15] =	ssyncset.done $0x0  }
0x2d: {  	s23 =	simm.s32 $0x0;
	[sflag:s15] =	ssyncadd.s32 $0xFFFFF800  }
0x2e: {  	v1 =	vld [tilespmem:s23+$0x100]  }
0x2f: {  	v2 =	vld [tilespmem:s23+$0x900];
	_ =	sdelay $0x1  }
0x30: {  	s24 =	simm.s32 $0x10  }
0x31: {  	v3 =	vld [tilespmem:s24+$0x100]  }
0x32: {  	v4 =	vld [tilespmem:s24+$0x900]  }
0x33: {  	v0 =	vld [tilespmem:$0x1900];
	v1 =	vadd.f32 v2, v1;
	_ =	sdelay $0x1  }
0x34: {  	v5 =	vmul.f32 $2.000000030e-01, v1;
	_ =	sdelay $0x1  }
0x35: {  	v3 =	vadd.f32 v4, v3;
	v1 =	vmax.f32 v1, v5  }
0x36: {  	s25 =	simm.s32 $0x20;
	v1 =	vsub.f32 v1, v0  }
0x37: {  	v2 =	vld [tilespmem:s25+$0x100];
	v6 =	vmul.f32 $2.000000030e-01, v3  }
0x38: {  	v4 =	vld [tilespmem:s25+$0x900];
	v1 =	vmul.f32 $1.442695020e+00, v1  }
0x39: {  	v3 =	vmax.f32 v3, v6  }
0x3a: {  	v3 =	vsub.f32 v3, v0;
	(erf) = vpow2.f32 v1;
	_ =	sdelay $0x1  }
0x3b: {  	s26 =	simm.s32 $0x30;
	v3 =	vmul.f32 $1.442695020e+00, v3  }
0x3c: {  	v4 =	vadd.f32 v4, v2;
	v2 =	vld [tilespmem:s26+$0x900]  }
0x3d: {  	v1 =	vld [tilespmem:s26+$0x100];
	(erf) = vpow2.f32 v3  }
0x3e: {  	v5 =	vmul.f32 $2.000000030e-01, v4;
	_ =	sdelay $0x1  }
0x3f: {  	s28 =	simm.s32 $0x100;
	v3 =	vmax.f32 v4, v5  }
.LBB2_3:
0x40: {  	s29 =	sshra.s32 s28, $0x2;
	v3 =	vsub.f32 v3, v0;
	p1 =	sne.s32 s28, $0x1FC0  }
.Ltmp0:
0x41: {  	s28 =	sadd.s32 $0x40, s28;
	v4 =	vadd.f32 v2, v1;
	v1 =	vld [tilespmem:s29+$0x100];
	v5 =	vpop (erf);
	(pc) =	sbr.rel @p1 .LBB2_3-.Ltmp0, $4  }
0x42: {  	v2 =	vld [tilespmem:s29+$0x900];
	v3 =	vmul.f32 $1.442695020e+00, v3;
	[tilespmem:s23+$0x1100] =	vst v5;
	s23 =	smov.u32 s24;
	s24 =	smov.u32 s25;
	s25 =	smov.u32 s26  }
0x43: {  	s26 =	smov.u32 s29;
	v5 =	vmul.f32 $2.000000030e-01, v4  }
0x44: {  	(erf) = vpow2.f32 v3  }
0x45: {  	v3 =	vmax.f32 v4, v5  }
0x46: {  	_ = 	snop  }
0x47: {  	v1 =	vadd.f32 v2, v1;
	_ =	sdelay $0x1  }
0x48: {  	v2 =	vmul.f32 $2.000000030e-01, v1;
	_ =	sdelay $0x1  }
0x49: {  	v3 =	vsub.f32 v3, v0;
	v1 =	vmax.f32 v1, v2  }
0x4a: {  	v58 =	vsub.f32 v1, v0  }
0x4b: {  	v59 =	vmul.f32 $1.442695020e+00, v3  }
0x4c: {  	v0 =	vmul.f32 $1.442695020e+00, v58  }
0x4d: {  	(erf) = vpow2.f32 v59  }
0x4e: {  	(erf) = vpow2.f32 v0;
	_ =	sdelay $0x5  }
0x4f: {  	v60 =	vpop (erf)  }
0x50: {  	[tilespmem:s23+$0x1100] =	vst v60;
	v61 =	vpop (erf)  }
0x51: {  	[tilespmem:s24+$0x1100] =	vst v61;
	v62 =	vpop (erf)  }
0x52: {  	s22 =	sshll.u32 s22, $0x1;
	[tilespmem:s25+$0x1100] =	vst v62;
	v63 =	vpop (erf)  }
0x53: {  	s22 =	sadd.s32 s9, s22;
	[tilespmem:s26+$0x1100] =	vst v63  }
0x54: {  	[hbm4b:s22+s3] =	stream.linear.scatter [tilespmem:s19], [sflag:$0x1], $0x800, $0x38;
	[tilespmem:$0x4090] =	vst v63  }
0x55: {  	s21 =	sadd.s32 $0x1, s21;
	_ =	swait.ge [sflag:s15], $0x800  }
0x56: {  	p1 =	sne.s32 s21, $0x51;
	[sflag:s15] =	ssyncset.done $0x0  }
.Ltmp1:
0x57: {  	[sflag:s15] =	ssyncadd.s32 $0xFFFFF800;
	(pc) =	sbr.rel @p1 .LBB2_2-.Ltmp1, $4  }
0x58: {  	[spmem:s2] =	stream.indirect.scatter.add.f32 [tilespmem:s19], [sflag:$0x1], $0x10, s16, s16, $0xb8;
	[tilespmem:$0x4090] =	vst v63  }
0x59: {  	_ =	swait.ge [sflag:s15], $0x800  }
0x5a: {  	[sflag:s15] =	ssyncset.done $0x0  }
0x5b: {  	[sflag:s15] =	ssyncadd.s32 $0xFFFFF800  }
0x5c: {  	[bflag:$0x0] =	sbarrier.arrive $0xFFFF;
	s21 =	simm.s32 @!p0 $0x1C01;
	s20 =	sadd.s32 $0x1, s20  }
0x5d: {  	[hbm:s11], [sflag:s21] =	dma.local @!p0 [spmem:s13], $0x4F00  }
0x5e: {  	p1 =	sne.s32 s20, s12  }
.Ltmp2:
0x5f: {  	_ = 	snop;
	(pc) =	sbr.rel @p1 .LBB2_1-.Ltmp2, $4  }
0x60: {  	s21 =	simm.s32 @!p0 $0x1  }
0x61: {  	_ =	swait.ge @!p0 [sflag:s21], $0x4F00  }
0x62: {  	[sflag:s21] =	ssyncset.done @!p0 $0x0  }
0x63: {  	[sflag:s21] =	ssyncadd.s32 @!p0 $0xFFFFB100  }
0x64: {  	_ =	sfence.sel $0x180000  }
0x65: {  	[bflag:$0x0] =	sbarrier.arrive $0xFFFF  }
0x66: {  	_ =	strace $0x90000050  }
0x67: {  	s0 =	sadd.s32 @!p0 $0x100000, s0;
	[bflag:$0x2] =	sbarrier.arrive $0xFFFF  }
0x68: {  	[sflag:s0] =	ssyncadd.tile.s32 @!p0 $0x1;
	_ =	shalt  }
.Lfunc_end2:
_tile_overlayer_lowered:
.L_overlay_start_2:
0x69: {  	(tag) =	ssettag $0x2  }
0x6a: {  	s0 =	rddreg [dreg:$0x0];
	s2 =	stileid.u32  }
0x6b: {  	s1 =	rddreg [dreg:$0x1];
	p0 =	sne.s32 s2, $0x0  }
0x6c: {  	s3 =	rddreg [dreg:$0x2];
	[bflag:$0x3] =	sbarrier.arrive $0xFFFF;
	s2 =	simm.s32 @!p0 $0x1C01  }
0x6d: {  	[timem:s3], [sflag:s2] =	dma.local @!p0 [hbm:s0], s1  }
0x6e: {  	s0 =	simm.s32 @!p0 $0x1  }
0x6f: {  	_ =	swait.ge @!p0 [sflag:s0], s1  }
0x70: {  	s1 =	ssub.s32 @!p0 $0x0, s1;
	[sflag:s0] =	ssyncset.done @!p0 $0x0  }
0x71: {  	[sflag:s0] =	ssyncadd.s32 @!p0 s1  }
0x72: {  	[bflag:$0x3] =	sbarrier.arrive $0xFFFF  }
0x73: {  	_ =	shalt  }

// kernel: kernel.23.cloned.1.call-start
scs
__scs_entry_jumppad:
0x0: {  	(pc) =	sbr.rel $0x88, $3  }
0x1: {  	(tag) =	ssettag $0x0;
	lr =	simm.s32 $0x1  }
0x2: {  	[smem:$0x3F97] =	sst lr;
	_ =	strace $0xD0000000  }
0x3: {  	_ = 	snop  }
0x4: {  	_ = 	snop  }
0x5: {  	_ = 	snop  }
0x6: {  	_ = 	snop  }
0x7: {  	_ = 	snop  }
__scs_overlays_trampoline_lowered:
0x8: {  	[smem:$0x3FA6] =	sst s0  }
0x9: {  	[smem:$0x3FA7] =	sst s1  }
0xa: {  	[smem:$0x3FA8] =	sst s2  }
0xb: {  	[smem:$0x3FA9] =	sst s3  }
0xc: {  	[smem:$0x3FAA] =	sst s4  }
0xd: {  	[smem:$0x3FAB] =	sst s5  }
0xe: {  	[smem:$0x3FAC] =	sst s6  }
0xf: {  	[smem:$0x3FAD] =	sst s7  }
0x10: {  	[smem:$0x3FAE] =	sst s8  }
0x11: {  	[smem:$0x3FAF] =	sst s9;
	s0 =	simm.s32 @!p0 $0x0  }
0x12: {  	s1 =	sld [smem:$0x3F95];
	s0 =	simm.s32 @p0 $0x1  }
0x13: {  	[smem:$0x3FB0] =	sst s0;
	s0 =	simm.s32 @!p1 $0x0  }
0x14: {  	s2 =	sld [smem:$0x3F94];
	s0 =	simm.s32 @p1 $0x1  }
0x15: {  	[smem:$0x3FB1] =	sst s0;
	s0 =	simm.s32 @!p2 $0x0  }
0x16: {  	s3 =	sld [smem:$0x3FDB];
	s0 =	simm.s32 @p2 $0x1  }
0x17: {  	s4 =	simm.s32 $0x1BF5;
	[smem:$0x3FB3] =	sst s0  }
0x18: {  	s0 =	sld [smem:$0x3F96];
	_ =	swait.ge [sflag:s4], $0x0  }
0x19: {  	s7 =	sld [smem:$0x3F97]  }
0x1a: {  	s8 =	sadd.s32 $0xFFFFE003, lr  }
0x1b: {  	s9 =	sadd.s32 $0xFFFFFEF7, lr;
	s5 =	simm.s32 $0xFFFFFFFF;
	p2 =	slt.u32 s8, $0xFFFFF086  }
0x1c: {  	p1 =	slt.u32 s9, $0xF7A;
	s5 =	simm.s32 @!p2 $0x0  }
0x1d: {  	s5 =	simm.s32 @p1 $0x1;
	p0 =	seq.s32 s7, s2  }
0x1e: {  	s7 =	smul.u32 @!p0 $0xF7A, s2;
	p2 =	seq.s32 @!p0 s5, $0x0  }
0x1f: {  	s9 =	smul.u32 $0xF7A, s1;
	s8 =	simm.s32 @!p0 $0x1BF5;
	p2 =	por !p2, p0  }
0x20: {  	[sflag:s8] =	ssyncset.s32 @!p0 $0xFFFFF086;
	s6 =	sadd.s32 @!p0 s3, s7;
	s7 =	simm.s32 @!p0 $0x108  }
0x21: {  	s3 =	sadd.s32 s3, s9;
	s6 =	sadd.s32 @!p0 $0x88, s6;
	s7 =	simm.s32 @p2 $0x1082  }
0x22: {  	[simem:s7], [sflag:s8] =	dma.local @!p0 [hbm:s6], $0xF7A  }
0x23: {  	s9 =	sor.u32 $0xD0000000, s2;
	s6 =	simm.s32 $0x108;
	_ =	swait.ge @!p0 [sflag:s8], $0x0  }
0x24: {  	s3 =	sadd.s32 $0x88, s3;
	s6 =	simm.s32 @!p1 $0x1082;
	[sflag:s4] =	ssyncset.s32 $0xFFFFF086  }
0x25: {  	[simem:s6], [sflag:s4] =	dma.local [hbm:s3], $0xF7A  }
0x26: {  	[smem:$0x3F97] =	sst s1;
	(tag) =	ssettag s2;
	_ =	strace s9  }
0x27: {  	s1 =	sld [smem:$0x3FA7]  }
0x28: {  	s2 =	sld [smem:$0x3FA8]  }
0x29: {  	s4 =	sld [smem:$0x3FAA]  }
0x2a: {  	p0 =	seq.s32 s5, $0x0;
	s5 =	sld [smem:$0x3FAB]  }
0x2b: {  	s6 =	sld [smem:$0x3FAC]  }
0x2c: {  	s7 =	sld [smem:$0x3FAD]  }
0x2d: {  	s3 =	simm.s32 $0x108;
	s8 =	sld [smem:$0x3FAE]  }
0x2e: {  	s3 =	simm.s32 @!p0 $0x1082;
	s9 =	sld [smem:$0x3FAF]  }
0x2f: {  	lr =	sadd.s32 s0, s3;
	s0 =	sld [smem:$0x3FA6]  }
0x30: {  	s3 =	sld [smem:$0x3FA9]  }
0x31: {  	[smem:$0x3FB2] =	sst s10  }
0x32: {  	s10 =	sld [smem:$0x3FB0];
	_ =	sdelay $0x3  }
0x33: {  	p0 =	seq.s32 s10, $0x1;
	s10 =	sld [smem:$0x3FB2];
	_ =	sdelay $0x3  }
0x34: {  	[smem:$0x3FB2] =	sst s10  }
0x35: {  	s10 =	sld [smem:$0x3FB1];
	_ =	sdelay $0x3  }
0x36: {  	p1 =	seq.s32 s10, $0x1;
	s10 =	sld [smem:$0x3FB2];
	_ =	sdelay $0x3  }
0x37: {  	[smem:$0x3FB2] =	sst s10  }
0x38: {  	s10 =	sld [smem:$0x3FB3]  }
0x39: {  	_ = 	snop;
	(pc) =	sbr.ind lr, $3  }
0x3a: {  	_ = 	snop  }
0x3b: {  	_ = 	snop  }
0x3c: {  	p2 =	seq.s32 s10, $0x1;
	s10 =	sld [smem:$0x3FB2]  }
0x3d: {  	_ =	shalt  }
0x3e: {  	_ =	shalt  }
0x3f: {  	_ =	shalt  }
0x40: {  	_ =	shalt  }
0x41: {  	_ =	shalt  }
0x42: {  	_ =	shalt  }
0x43: {  	_ =	shalt  }
0x44: {  	_ =	shalt  }
0x45: {  	_ =	shalt  }
0x46: {  	_ =	shalt  }
0x47: {  	_ =	shalt  }
0x48: {  	_ =	shalt  }
0x49: {  	_ =	shalt  }
0x4a: {  	_ =	shalt  }
0x4b: {  	_ =	shalt  }
0x4c: {  	_ =	shalt  }
0x4d: {  	_ =	shalt  }
0x4e: {  	_ =	shalt  }
0x4f: {  	_ =	shalt  }
0x50: {  	_ =	shalt  }
0x51: {  	_ =	shalt  }
0x52: {  	_ =	shalt  }
0x53: {  	_ =	shalt  }
0x54: {  	_ =	shalt  }
0x55: {  	_ =	shalt  }
0x56: {  	_ =	shalt  }
0x57: {  	_ =	shalt  }
0x58: {  	_ =	shalt  }
0x59: {  	_ =	shalt  }
0x5a: {  	_ =	shalt  }
0x5b: {  	_ =	shalt  }
0x5c: {  	_ =	shalt  }
0x5d: {  	_ =	shalt  }
0x5e: {  	_ =	shalt  }
0x5f: {  	_ =	shalt  }
0x60: {  	_ =	shalt  }
0x61: {  	_ =	shalt  }
0x62: {  	_ =	shalt  }
0x63: {  	_ =	shalt  }
0x64: {  	_ =	shalt  }
0x65: {  	_ =	shalt  }
0x66: {  	_ =	shalt  }
0x67: {  	_ =	shalt  }
0x68: {  	_ =	shalt  }
0x69: {  	_ =	shalt  }
0x6a: {  	_ =	shalt  }
0x6b: {  	_ =	shalt  }
0x6c: {  	_ =	shalt  }
0x6d: {  	_ =	shalt  }
0x6e: {  	_ =	shalt  }
0x6f: {  	_ =	shalt  }
0x70: {  	_ =	shalt  }
0x71: {  	_ =	shalt  }
0x72: {  	_ =	shalt  }
0x73: {  	_ =	shalt  }
0x74: {  	_ =	shalt  }
0x75: {  	_ =	shalt  }
0x76: {  	_ =	shalt  }
0x77: {  	_ =	shalt  }
0x78: {  	_ =	shalt  }
0x79: {  	_ =	shalt  }
0x7a: {  	_ =	shalt  }
0x7b: {  	_ =	shalt  }
0x7c: {  	_ =	shalt  }
0x7d: {  	_ =	shalt  }
0x7e: {  	_ =	shalt  }
0x7f: {  	_ =	shalt  }
0x80: {  	_ =	shalt  }
0x81: {  	_ =	shalt  }
0x82: {  	_ =	shalt  }
0x83: {  	_ =	shalt  }
0x84: {  	_ =	shalt  }
0x85: {  	_ =	shalt  }
0x86: {  	_ =	shalt  }
0x87: {  	_ =	shalt  }
.Lfunc_end0:
.L_simem_size_0:
called_computation.4_lowered:
.L_overlay_start_0:
0x88: {  	s2 =	sld [smem:$0x3FD9]  }
0x89: {  	s3 =	sld [smem:$0x3FFE];
	_ =	sdelay $0x1  }
0x8a: {  	s1 =	srdreg.scid  }
0x8b: {  	s0 =	sand.u32 $0x1, s1  }
0x8c: {  	s17 =	sshll.u32 s0, $0xA;
	s2 =	sadd.s32 s3, s2  }
0x8d: {  	s2 =	sadd.s32 s2, s17  }
0x8e: {  	[smem:$0x3FBE] =	sst s2  }
0x8f: {  	_ = 	snop  }
0x90: {  	s2 =	sld [smem:$0x3FD0];
	(tm) =	ssettm $0x1  }
0x91: {  	s18 =	sld [smem:$0x3FFB];
	_ =	sdelay $0x3  }
0x92: {  	_ =	strace s18  }
0x93: {  	s3 =	sld [smem:$0x3FFC];
	_ =	sdelay $0x3  }
0x94: {  	_ =	strace s3  }
0x95: {  	s3 =	sld [smem:$0x3FFD];
	_ =	sdelay $0x3  }
0x96: {  	_ =	strace s3  }
0x97: {  	_ =	strace $0x8FFFFFFF  }
0x98: {  	s19 =	sld [smem:$0x3FDB];
	_ =	sdelay $0x1  }
0x99: {  	s4 =	simm.s32 $_scs_section_size  }
0x9a: {  	s5 =	simm.s32 $_size__tile_overlayer_lowered;
	s6 =	simm.s32 $_tile_overlayer_lowered  }
0x9b: {  	s22 =	simm.s32 $0x1BFF;
	s21 =	sshll.u32 s6, $0x1;
	s3 =	sadd.s32 s4, s19  }
0x9c: {  	s7 =	simm.s32 $0x0;
	s20 =	sshll.u32 s5, $0x1;
	s5 =	sadd.s32 s21, s3  }
0x9d: {  	[timem:s7], [sflag:s22] =	dma.local [hbm:s5], s20  }
0x9e: {  	_ =	swait.ge [sflag:s22], s20  }
0x9f: {  	s4 =	ssub.s32 $0x0, s20;
	[sflag:s22] =	ssyncset.done $0x0  }
0xa0: {  	[sflag:s22] =	ssyncadd.s32 s4;
	_ =	sdelay $0x1  }
0xa1: {  	s23 =	simm.s32 $0x1B8B  }
0xa2: {  	_ =	swait.ge [sflag:s23], $0x1  }
0xa3: {  	[sflag:s23] =	ssyncset.done $0x0  }
0xa4: {  	s25 =	simm.s32 $0x1B8E;
	s24 =	sld [smem:$0x3FFE];
	[sflag:s23] =	ssyncadd.s32 $0xFFFFFFFF  }
0xa5: {  	s26 =	simm.s32 $execute0_lowered;
	[smem:$0x3FD2] =	sst s25  }
0xa6: {  	s5 =	sshll.u32 s26, $0x1;
	_ =	strace $0x80000052;
	[dreg:$0x1] =	wrdreg $0xFFFFFFFF  }
0xa7: {  	s28 =	simm.s32 $_size_execute0_lowered;
	s3 =	sadd.s32 s3, s5;
	[dreg:$0x0] =	wrdreg $0x0  }
0xa8: {  	s5 =	sshll.u32 s28, $0x1;
	[dreg:$0x2] =	wrdreg s3  }
0xa9: {  	[dreg:$0x3] =	wrdreg s5  }
0xaa: {  	[dreg:$0x4] =	wrdreg $0xC0  }
0xab: {  	_ =	task [dreg:s7], $0x5FFFF  }
0xac: {  	[dreg:$0x1] =	wrdreg $0xFFFFFFFF  }
0xad: {  	[dreg:$0x0] =	wrdreg $0x60  }
0xae: {  	[dreg:$0x2] =	wrdreg s2  }
0xaf: {  	[dreg:$0x3] =	wrdreg s24  }
0xb0: {  	[dreg:$0x4] =	wrdreg $0xA1000  }
0xb1: {  	[dreg:$0x5] =	wrdreg $0x9  }
0xb2: {  	_ =	task.clear_ibuf [dreg:s7], $0x6FFFF;
	_ =	strace $0x90000052  }
0xb3: {  	s29 =	simm.s32 $0x9;
	_ =	strace $0x80000054  }
0xb4: {  	_ =	swait.ge [sflag:s29], $0x1  }
0xb5: {  	[sflag:s29] =	ssyncadd.s32 $0xFFFFFFFF  }
0xb6: {  	_ =	strace $0x90000054  }
0xb7: {  	_ =	sfence  }
0xb8: {  	s30 =	sld [smem:$0x0];
	_ =	sdelay $0x2  }
0xb9: {  	s31 =	sshll.u32 s1, $0xD;
	s1 =	sshrl.u32 s1, $0x2  }
0xba: {  	s3 =	sand.u32 $0x4000, s31;
	s1 =	sadd.s32 s1, s30  }
0xbb: {  	s0 =	sor.u32 s3, s0;
	s1 =	sshll.u32 s1, $0x11  }
0xbc: {  	s0 =	sor.u32 s1, s0  }
0xbd: {  	s0 =	sadd.s32 $0x8F2B, s0  }
0xbe: {  	[sflag:s0] =	ssyncadd.remote.s32 $0x1  }
0xbf: {  	_ =	sfence.sel $0xFFFF  }
0xc0: {  	[dreg:$0x0] =	wrdreg $0xFFFFFFFF;
	(pc) =	sbr.abs _section_cstart, $3  }
0xc1: {  	[dreg:$0x1] =	wrdreg $0xFFFFFFFF  }
0xc2: {  	_ =	task.clear_ibuf [dreg:s7], $0x2FFFF;
	_ =	strace $0x9FFFFFFF  }
0xc3: {  	(tm) =	ssettm $0x7FFFFFFF  }
tec
execute0_lowered:
.L_overlay_start_1:
0x0: {  	(tag) =	ssettag $0x1  }
0x1: {  	s1 =	rddreg [dreg:$0x0]  }
0x2: {  	s10 =	rddreg [dreg:$0x1]  }
0x3: {  	s2 =	rddreg [dreg:$0x2]  }
0x4: {  	s0 =	rddreg [dreg:$0x3];
	s3 =	simm.s32 $0x0  }
0x5: {  	s9 =	srdreg.scid;
	s13 =	stileid.u32;
	s17 =	simm.s32 $0x900  }
0x6: {  	s18 =	simm.s32 $0x1100;
	s19 =	simm.s32 $0x2100;
	s20 =	simm.s32 $0x6100  }
0x7: {  	[smem:$0x7FF] =	sst s3;
	s4 =	sadd.s32 $0x5CC00, s10;
	s5 =	sadd.s32 $0x13F600, s10  }
0x8: {  	s6 =	sadd.s32 $0x66E00, s10;
	s7 =	sadd.s32 $0x3C00, s10;
	s8 =	sadd.s32 $0x17A00, s10  }
0x9: {  	s11 =	sand.u32 $0x1, s9;
	s9 =	sadd.s32 $0x117E00, s10;
	s16 =	sshll.u32 s13, $0x1  }
0xa: {  	p0 =	sne.s32 s13, $0x0;
	_ =	strace $0x80000053;
	s12 =	smul.u32 $0x27800, s11  }
0xb: {  	s14 =	ssub.s32 $0x2, s11;
	s31 =	sor.u32 s11, s16;
	s13 =	sshrl.u32 @!p0 s2, $0x3  }
0xc: {  	s16 =	simm.s32 $0x100;
	s15 =	sshrl.u32 s14, $0x1;
	s12 =	sadd.s32 s12, s10  }
0xd: {  	s14 =	ssub.s32 s14, s15;
	s10 =	smul.u32 $0x2880, s31;
	s15 =	simm.s32 $0x80  }
0xe: {  	s11 =	sadd.s32 $0x93800, s12;
	s12 =	smax.u32 s14, $0x1;
	s14 =	simm.s32 $0x1  }
.LBB2_1:
0xf: {  	s21 =	simm.s32 @!p0 $0x1C01  }
0x10: {  	[spmem:s13], [sflag:s21] =	dma.local @!p0 [hbm:s9], $0x27800  }
0x11: {  	s21 =	simm.s32 @!p0 $0x1  }
0x12: {  	_ =	swait.ge @!p0 [sflag:s21], $0x27800  }
0x13: {  	[sflag:s21] =	ssyncset.done @!p0 $0x0  }
0x14: {  	[sflag:s21] =	ssyncadd.s32 @!p0 $0xFFFD8800  }
0x15: {  	s21 =	simm.s32 $0x0;
	[bflag:$0x0] =	sbarrier.arrive $0xFFFF  }
.LBB2_2:
0x16: {  	s22 =	sshll.u32 s21, $0x7  }
0x17: {  	s22 =	sadd.s32 s10, s22  }
0x18: {  	s23 =	sshrl.u32 s22, $0x3  }
0x19: {  	s25 =	simm.s32 $0x0;
	s24 =	sadd.s32 s1, s23  }
0x1a: {  	[tilespmem:s25], [sflag:$0x1] =	stream.linear.gather [hbm4b:s24+s25], $0x80, $0x38;
	[tilespmem:$0x1DD00] =	vst v63  }
0x1b: {  	_ =	swait.ge [sflag:s14], $0x80  }
0x1c: {  	[sflag:s14] =	ssyncset.done $0x0  }
0x1d: {  	s23 =	sadd.s32 s4, s23;
	[sflag:s14] =	ssyncadd.s32 $0xFFFFFF80  }
0x1e: {  	[tilespmem:s15], [sflag:$0x1] =	stream.linear.gather [hbm4b:s23+s25], $0x80, $0x38;
	[tilespmem:$0x1DD00] =	vst v63  }
0x1f: {  	_ =	swait.ge [sflag:s14], $0x80  }
0x20: {  	s22 =	sshll.u32 s22, $0x1;
	[sflag:s14] =	ssyncset.done $0x0  }
0x21: {  	s22 =	sadd.s32 s5, s22;
	[sflag:s14] =	ssyncadd.s32 $0xFFFFFF80  }
0x22: {  	[tilespmem:s16], [sflag:$0x1] =	stream.linear.gather [hbm4b:s22+s25], $0x800, $0x38;
	[tilespmem:$0x1DD00] =	vst v63  }
0x23: {  	_ =	swait.ge [sflag:s14], $0x800  }
0x24: {  	[sflag:s14] =	ssyncset.done $0x0  }
0x25: {  	[sflag:s14] =	ssyncadd.s32 $0xFFFFF800  }
0x26: {  	[tilespmem:s17], [sflag:$0x1] =	stream.indirect.gather [hbm4b:s6+s15], $0x10, s15, s15, $0xb8;
	[tilespmem:$0x1DD00] =	vst v63  }
0x27: {  	_ =	swait.ge [sflag:s14], $0x800  }
0x28: {  	[sflag:s14] =	ssyncset.done $0x0  }
0x29: {  	[sflag:s14] =	ssyncadd.s32 $0xFFFFF800  }
0x2a: {  	[tilespmem:s18], [sflag:$0x1] =	stream.indirect.gather [hbm4b:s7+s15], $0x10, s15, s15, $0xb8;
	[tilespmem:$0x1DD00] =	vst v63  }
0x2b: {  	_ =	swait.ge [sflag:s14], $0x800  }
0x2c: {  	[sflag:s14] =	ssyncset.done $0x0  }
0x2d: {  	[sflag:s14] =	ssyncadd.s32 $0xFFFFF800  }
0x2e: {  	[tilespmem:s19], [sflag:$0x1] =	stream.indirect.gather [hbm4b:s8+s15], $0x80, s25, s15, $0xb8;
	[tilespmem:$0x1DD00] =	vst v63  }
0x2f: {  	_ =	swait.ge [sflag:s14], $0x4000  }
0x30: {  	[sflag:s14] =	ssyncset.done $0x0  }
0x31: {  	s22 =	simm.s32 $0x0;
	[sflag:s14] =	ssyncadd.s32 $0xFFFFC000  }
0x32: {  	v0 =	vld [tilespmem:s22+$0x900]  }
0x33: {  	s23 =	simm.s32 $0x10;
	v1 =	vld [tilespmem:s22+$0x1100]  }
0x34: {  	v2 =	vld [tilespmem:s23+$0x900]  }
0x35: {  	v3 =	vld [tilespmem:s23+$0x1100];
	_ =	sdelay $0x2  }
0x36: {  	v0 =	vadd.f32 v1, v0;
	_ =	sdelay $0x1  }
0x37: {  	v1 =	vadd.f32 v3, v2;
	v2 =	vadd.f32 $1.000000020e-16, v0;
	_ =	sdelay $0x1  }
0x38: {  	(erf) = vrcp.f32 v2  }
0x39: {  	s24 =	simm.s32 $0x20;
	v3 =	vadd.f32 $1.000000020e-16, v1  }
0x3a: {  	v0 =	vld [tilespmem:s24+$0x900]  }
0x3b: {  	v2 =	vld [tilespmem:s24+$0x1100];
	(erf) = vrcp.f32 v3;
	_ =	sdelay $0x1  }
0x3c: {  	v1 =	vld [tilespmem:s22+$0x100]  }
0x3d: {  	s26 =	simm.s32 $0xC0;
	s25 =	simm.s32 $0x0  }
.LBB2_3:
0x3e: {  	s28 =	sshra.s32 s26, $0x2;
	p1 =	sne.s32 s26, $0x1FC0  }
.Ltmp0:
0x3f: {  	s26 =	sadd.s32 $0x40, s26;
	v3 =	vadd.f32 v2, v0;
	v0 =	vld [tilespmem:s28+$0x900];
	(pc) =	sbr.rel @p1 .LBB2_3-.Ltmp0, $4  }
0x40: {  	v2 =	vld [tilespmem:s28+$0x1100];
	v4 =	vpop (erf)  }
0x41: {  	v3 =	vadd.f32 $1.000000020e-16, v3;
	v4 =	vmul.f32 v4, v1  }
0x42: {  	v1 =	vld [tilespmem:s23+$0x100]  }
0x43: {  	(erf) = vrcp.f32 v3;
	[tilespmem:s25+$0x1900] =	vst v4;
	s25 =	smov.u32 s23;
	s23 =	smov.u32 s24;
	s24 =	smov.u32 s28  }
0x44: {  	_ = 	snop  }
0x45: {  	v0 =	vadd.f32 v2, v0;
	_ =	sdelay $0x1  }
0x46: {  	v0 =	vadd.f32 $1.000000020e-16, v0;
	_ =	sdelay $0x2  }
0x47: {  	(erf) = vrcp.f32 v0  }
0x48: {  	v0 =	vpop (erf)  }
0x49: {  	v0 =	vmul.f32 v0, v1;
	_ =	sdelay $0x1  }
0x4a: {  	v1 =	vld [tilespmem:s23+$0x100];
	[tilespmem:s25+$0x1900] =	vst v0  }
0x4b: {  	v0 =	vld [tilespmem:s24+$0x100];
	_ =	sdelay $0x2  }
0x4c: {  	v2 =	vpop (erf)  }
0x4d: {  	v1 =	vmul.f32 v2, v1;
	v2 =	vpop (erf)  }
0x4e: {  	v0 =	vmul.f32 v2, v0  }
0x4f: {  	[tilespmem:s23+$0x1900] =	vst v1  }
0x50: {  	[tilespmem:s24+$0x1900] =	vst v0  }
0x51: {  	v0 =	vld [tilespmem:s22+$0x2100]  }
0x52: {  	v1 =	vld [tilespmem:s22+$0x2110]  }
0x53: {  	s23 =	simm.s32 $0x1900;
	v2 =	vld [tilespmem:s22+$0x2120]  }
0x54: {  	s24 =	simm.s32 $0x200;
	v3 =	vld [tilespmem:s23+$0x0]  }
.LBB2_5:
0x55: {  	p1 =	sne.s32 s24, $0xFE00;
	v4 =	vld [tilespmem:s22+$0x2130]  }
0x56: {  	v5 =	vld [tilespmem:s22+$0x2140]  }
0x57: {  	v6 =	vld [tilespmem:s22+$0x2150]  }
0x58: {  	v7 =	vld [tilespmem:s22+$0x2160]  }
0x59: {  	v8 =	vbroadcast v3, $0x0;
	v3 =	vbroadcast v3, $0x1;
	v9 =	vld [tilespmem:s22+$0x2170];
	_ =	sdelay $0x1  }
0x5a: {  	v0 =	vmul.f32 v8, v0;
	v1 =	vmul.f32 v1, v8  }
0x5b: {  	v2 =	vmul.f32 v2, v8;
	v4 =	vmul.f32 v4, v8  }
0x5c: {  	[tilespmem:s22+$0x6100] =	vst v0;
	v0 =	vmul.f32 v5, v3;
	v5 =	vmul.f32 v6, v3  }
0x5d: {  	v6 =	vmul.f32 v7, v3;
	[tilespmem:s22+$0x6110] =	vst v1;
	v3 =	vmul.f32 v9, v3  }
0x5e: {  	[tilespmem:s22+$0x6120] =	vst v2  }
0x5f: {  	[tilespmem:s22+$0x6130] =	vst v4  }
.Ltmp1:
0x60: {  	s25 =	sshra.s32 s24, $0x2;
	[tilespmem:s22+$0x6140] =	vst v0;
	(pc) =	sbr.rel @p1 .LBB2_5-.Ltmp1, $4  }
0x61: {  	v0 =	vld [tilespmem:s25+$0x2100];
	[tilespmem:s22+$0x6150] =	vst v5  }
0x62: {  	v1 =	vld [tilespmem:s25+$0x2110];
	[tilespmem:s22+$0x6160] =	vst v6  }
0x63: {  	s23 =	sadd.s32 $0x10, s23;
	v2 =	vld [tilespmem:s25+$0x2120];
	[tilespmem:s22+$0x6170] =	vst v3;
	s22 =	smov.u32 s25  }
0x64: {  	s24 =	sadd.s32 $0x200, s24;
	v3 =	vld [tilespmem:s23+$0x0]  }
0x65: {  	_ =	sdelay $0x3  }
0x66: {  	v4 =	vld [tilespmem:s22+$0x2130];
	v6 =	vbroadcast v3, $0x0  }
0x67: {  	v5 =	vld [tilespmem:s22+$0x2140]  }
0x68: {  	v7 =	vld [tilespmem:s22+$0x2150];
	v0 =	vmul.f32 v6, v0  }
0x69: {  	v8 =	vld [tilespmem:s22+$0x2160];
	v1 =	vmul.f32 v1, v6  }
0x6a: {  	v9 =	vld [tilespmem:s22+$0x2170];
	v58 =	vbroadcast v3, $0x1;
	v2 =	vmul.f32 v2, v6;
	[tilespmem:s22+$0x6100] =	vst v0  }
0x6b: {  	v59 =	vmul.f32 v4, v6;
	[tilespmem:s22+$0x6110] =	vst v1  }
0x6c: {  	v60 =	vmul.f32 v5, v58;
	[tilespmem:s22+$0x6120] =	vst v2  }
0x6d: {  	v61 =	vmul.f32 v7, v58;
	[tilespmem:s22+$0x6130] =	vst v59  }
0x6e: {  	v62 =	vmul.f32 v8, v58;
	[tilespmem:s22+$0x6140] =	vst v60  }
0x6f: {  	s21 =	sadd.s32 $0x1, s21;
	v63 =	vmul.f32 v9, v58;
	[tilespmem:s22+$0x6150] =	vst v61  }
0x70: {  	p1 =	sne.s32 s21, $0x51;
	[tilespmem:s22+$0x6160] =	vst v62  }
.Ltmp2:
0x71: {  	[tilespmem:s22+$0x6170] =	vst v63;
	(pc) =	sbr.rel @p1 .LBB2_2-.Ltmp2, $4  }
0x72: {  	[spmem:s2] =	stream.indirect.scatter.add.f32 [tilespmem:s20], [sflag:$0x1], $0x80, s15, s15, $0xb8;
	[tilespmem:$0x1DD00] =	vst v63  }
0x73: {  	_ =	swait.ge [sflag:s14], $0x4000  }
0x74: {  	[sflag:s14] =	ssyncset.done $0x0  }
0x75: {  	[sflag:s14] =	ssyncadd.s32 $0xFFFFC000  }
0x76: {  	[bflag:$0x0] =	sbarrier.arrive $0xFFFF;
	s21 =	simm.s32 @!p0 $0x1C01;
	s3 =	sadd.s32 $0x1, s3  }
0x77: {  	[hbm:s11], [sflag:s21] =	dma.local @!p0 [spmem:s13], $0x27800  }
0x78: {  	p1 =	sne.s32 s3, s12  }
.Ltmp3:
0x79: {  	_ = 	snop;
	(pc) =	sbr.rel @p1 .LBB2_1-.Ltmp3, $4  }
0x7a: {  	s21 =	simm.s32 @!p0 $0x1  }
0x7b: {  	_ =	swait.ge @!p0 [sflag:s21], $0x27800  }
0x7c: {  	[sflag:s21] =	ssyncset.done @!p0 $0x0  }
0x7d: {  	[sflag:s21] =	ssyncadd.s32 @!p0 $0xFFFD8800  }
0x7e: {  	_ =	sfence.sel $0x180000  }
0x7f: {  	[bflag:$0x0] =	sbarrier.arrive $0xFFFF  }
0x80: {  	_ =	strace $0x90000053  }
0x81: {  	s0 =	sadd.s32 @!p0 $0x100000, s0;
	[bflag:$0x2] =	sbarrier.arrive $0xFFFF  }
0x82: {  	[sflag:s0] =	ssyncadd.tile.s32 @!p0 $0x1;
	_ =	shalt  }
.Lfunc_end2:
_tile_overlayer_lowered:
.L_overlay_start_2:
0x83: {  	(tag) =	ssettag $0x2  }
0x84: {  	s0 =	rddreg [dreg:$0x0];
	s2 =	stileid.u32  }
0x85: {  	s1 =	rddreg [dreg:$0x1];
	p0 =	sne.s32 s2, $0x0  }
0x86: {  	s3 =	rddreg [dreg:$0x2];
	[bflag:$0x3] =	sbarrier.arrive $0xFFFF;
	s2 =	simm.s32 @!p0 $0x1C01  }
0x87: {  	[timem:s3], [sflag:s2] =	dma.local @!p0 [hbm:s0], s1  }
0x88: {  	s0 =	simm.s32 @!p0 $0x1  }
0x89: {  	_ =	swait.ge @!p0 [sflag:s0], s1  }
0x8a: {  	s1 =	ssub.s32 @!p0 $0x0, s1;
	[sflag:s0] =	ssyncset.done @!p0 $0x0  }
0x8b: {  	[sflag:s0] =	ssyncadd.s32 @!p0 s1  }
0x8c: {  	[bflag:$0x3] =	sbarrier.arrive $0xFFFF  }
0x8d: {  	_ =	shalt  }

// kernel: kernel.26.cloned.1.call-start
scs
__scs_entry_jumppad:
0x0: {  	(pc) =	sbr.rel $0x88, $3  }
0x1: {  	(tag) =	ssettag $0x0;
	lr =	simm.s32 $0x1  }
0x2: {  	[smem:$0x3F97] =	sst lr;
	_ =	strace $0xD0000000  }
0x3: {  	_ = 	snop  }
0x4: {  	_ = 	snop  }
0x5: {  	_ = 	snop  }
0x6: {  	_ = 	snop  }
0x7: {  	_ = 	snop  }
__scs_overlays_trampoline_lowered:
0x8: {  	[smem:$0x3FA6] =	sst s0  }
0x9: {  	[smem:$0x3FA7] =	sst s1  }
0xa: {  	[smem:$0x3FA8] =	sst s2  }
0xb: {  	[smem:$0x3FA9] =	sst s3  }
0xc: {  	[smem:$0x3FAA] =	sst s4  }
0xd: {  	[smem:$0x3FAB] =	sst s5  }
0xe: {  	[smem:$0x3FAC] =	sst s6  }
0xf: {  	[smem:$0x3FAD] =	sst s7  }
0x10: {  	[smem:$0x3FAE] =	sst s8  }
0x11: {  	[smem:$0x3FAF] =	sst s9;
	s0 =	simm.s32 @!p0 $0x0  }
0x12: {  	s1 =	sld [smem:$0x3F95];
	s0 =	simm.s32 @p0 $0x1  }
0x13: {  	[smem:$0x3FB0] =	sst s0;
	s0 =	simm.s32 @!p1 $0x0  }
0x14: {  	s2 =	sld [smem:$0x3F94];
	s0 =	simm.s32 @p1 $0x1  }
0x15: {  	[smem:$0x3FB1] =	sst s0;
	s0 =	simm.s32 @!p2 $0x0  }
0x16: {  	s3 =	sld [smem:$0x3FDB];
	s0 =	simm.s32 @p2 $0x1  }
0x17: {  	s4 =	simm.s32 $0x1BF5;
	[smem:$0x3FB3] =	sst s0  }
0x18: {  	s0 =	sld [smem:$0x3F96];
	_ =	swait.ge [sflag:s4], $0x0  }
0x19: {  	s7 =	sld [smem:$0x3F97]  }
0x1a: {  	s8 =	sadd.s32 $0xFFFFE003, lr  }
0x1b: {  	s9 =	sadd.s32 $0xFFFFFEF7, lr;
	s5 =	simm.s32 $0xFFFFFFFF;
	p2 =	slt.u32 s8, $0xFFFFF086  }
0x1c: {  	p1 =	slt.u32 s9, $0xF7A;
	s5 =	simm.s32 @!p2 $0x0  }
0x1d: {  	s5 =	simm.s32 @p1 $0x1;
	p0 =	seq.s32 s7, s2  }
0x1e: {  	s7 =	smul.u32 @!p0 $0xF7A, s2;
	p2 =	seq.s32 @!p0 s5, $0x0  }
0x1f: {  	s9 =	smul.u32 $0xF7A, s1;
	s8 =	simm.s32 @!p0 $0x1BF5;
	p2 =	por !p2, p0  }
0x20: {  	[sflag:s8] =	ssyncset.s32 @!p0 $0xFFFFF086;
	s6 =	sadd.s32 @!p0 s3, s7;
	s7 =	simm.s32 @!p0 $0x108  }
0x21: {  	s3 =	sadd.s32 s3, s9;
	s6 =	sadd.s32 @!p0 $0x88, s6;
	s7 =	simm.s32 @p2 $0x1082  }
0x22: {  	[simem:s7], [sflag:s8] =	dma.local @!p0 [hbm:s6], $0xF7A  }
0x23: {  	s9 =	sor.u32 $0xD0000000, s2;
	s6 =	simm.s32 $0x108;
	_ =	swait.ge @!p0 [sflag:s8], $0x0  }
0x24: {  	s3 =	sadd.s32 $0x88, s3;
	s6 =	simm.s32 @!p1 $0x1082;
	[sflag:s4] =	ssyncset.s32 $0xFFFFF086  }
0x25: {  	[simem:s6], [sflag:s4] =	dma.local [hbm:s3], $0xF7A  }
0x26: {  	[smem:$0x3F97] =	sst s1;
	(tag) =	ssettag s2;
	_ =	strace s9  }
0x27: {  	s1 =	sld [smem:$0x3FA7]  }
0x28: {  	s2 =	sld [smem:$0x3FA8]  }
0x29: {  	s4 =	sld [smem:$0x3FAA]  }
0x2a: {  	p0 =	seq.s32 s5, $0x0;
	s5 =	sld [smem:$0x3FAB]  }
0x2b: {  	s6 =	sld [smem:$0x3FAC]  }
0x2c: {  	s7 =	sld [smem:$0x3FAD]  }
0x2d: {  	s3 =	simm.s32 $0x108;
	s8 =	sld [smem:$0x3FAE]  }
0x2e: {  	s3 =	simm.s32 @!p0 $0x1082;
	s9 =	sld [smem:$0x3FAF]  }
0x2f: {  	lr =	sadd.s32 s0, s3;
	s0 =	sld [smem:$0x3FA6]  }
0x30: {  	s3 =	sld [smem:$0x3FA9]  }
0x31: {  	[smem:$0x3FB2] =	sst s10  }
0x32: {  	s10 =	sld [smem:$0x3FB0];
	_ =	sdelay $0x3  }
0x33: {  	p0 =	seq.s32 s10, $0x1;
	s10 =	sld [smem:$0x3FB2];
	_ =	sdelay $0x3  }
0x34: {  	[smem:$0x3FB2] =	sst s10  }
0x35: {  	s10 =	sld [smem:$0x3FB1];
	_ =	sdelay $0x3  }
0x36: {  	p1 =	seq.s32 s10, $0x1;
	s10 =	sld [smem:$0x3FB2];
	_ =	sdelay $0x3  }
0x37: {  	[smem:$0x3FB2] =	sst s10  }
0x38: {  	s10 =	sld [smem:$0x3FB3]  }
0x39: {  	_ = 	snop;
	(pc) =	sbr.ind lr, $3  }
0x3a: {  	_ = 	snop  }
0x3b: {  	_ = 	snop  }
0x3c: {  	p2 =	seq.s32 s10, $0x1;
	s10 =	sld [smem:$0x3FB2]  }
0x3d: {  	_ =	shalt  }
0x3e: {  	_ =	shalt  }
0x3f: {  	_ =	shalt  }
0x40: {  	_ =	shalt  }
0x41: {  	_ =	shalt  }
0x42: {  	_ =	shalt  }
0x43: {  	_ =	shalt  }
0x44: {  	_ =	shalt  }
0x45: {  	_ =	shalt  }
0x46: {  	_ =	shalt  }
0x47: {  	_ =	shalt  }
0x48: {  	_ =	shalt  }
0x49: {  	_ =	shalt  }
0x4a: {  	_ =	shalt  }
0x4b: {  	_ =	shalt  }
0x4c: {  	_ =	shalt  }
0x4d: {  	_ =	shalt  }
0x4e: {  	_ =	shalt  }
0x4f: {  	_ =	shalt  }
0x50: {  	_ =	shalt  }
0x51: {  	_ =	shalt  }
0x52: {  	_ =	shalt  }
0x53: {  	_ =	shalt  }
0x54: {  	_ =	shalt  }
0x55: {  	_ =	shalt  }
0x56: {  	_ =	shalt  }
0x57: {  	_ =	shalt  }
0x58: {  	_ =	shalt  }
0x59: {  	_ =	shalt  }
0x5a: {  	_ =	shalt  }
0x5b: {  	_ =	shalt  }
0x5c: {  	_ =	shalt  }
0x5d: {  	_ =	shalt  }
0x5e: {  	_ =	shalt  }
0x5f: {  	_ =	shalt  }
0x60: {  	_ =	shalt  }
0x61: {  	_ =	shalt  }
0x62: {  	_ =	shalt  }
0x63: {  	_ =	shalt  }
0x64: {  	_ =	shalt  }
0x65: {  	_ =	shalt  }
0x66: {  	_ =	shalt  }
0x67: {  	_ =	shalt  }
0x68: {  	_ =	shalt  }
0x69: {  	_ =	shalt  }
0x6a: {  	_ =	shalt  }
0x6b: {  	_ =	shalt  }
0x6c: {  	_ =	shalt  }
0x6d: {  	_ =	shalt  }
0x6e: {  	_ =	shalt  }
0x6f: {  	_ =	shalt  }
0x70: {  	_ =	shalt  }
0x71: {  	_ =	shalt  }
0x72: {  	_ =	shalt  }
0x73: {  	_ =	shalt  }
0x74: {  	_ =	shalt  }
0x75: {  	_ =	shalt  }
0x76: {  	_ =	shalt  }
0x77: {  	_ =	shalt  }
0x78: {  	_ =	shalt  }
0x79: {  	_ =	shalt  }
0x7a: {  	_ =	shalt  }
0x7b: {  	_ =	shalt  }
0x7c: {  	_ =	shalt  }
0x7d: {  	_ =	shalt  }
0x7e: {  	_ =	shalt  }
0x7f: {  	_ =	shalt  }
0x80: {  	_ =	shalt  }
0x81: {  	_ =	shalt  }
0x82: {  	_ =	shalt  }
0x83: {  	_ =	shalt  }
0x84: {  	_ =	shalt  }
0x85: {  	_ =	shalt  }
0x86: {  	_ =	shalt  }
0x87: {  	_ =	shalt  }
.Lfunc_end0:
.L_simem_size_0:
called_computation.5_lowered:
.L_overlay_start_0:
0x88: {  	s2 =	sld [smem:$0x3FD9]  }
0x89: {  	s3 =	sld [smem:$0x3FFE];
	_ =	sdelay $0x1  }
0x8a: {  	s1 =	srdreg.scid  }
0x8b: {  	s0 =	sand.u32 $0x1, s1  }
0x8c: {  	s17 =	sshll.u32 s0, $0xA;
	s2 =	sadd.s32 s3, s2  }
0x8d: {  	s2 =	sadd.s32 s2, s17  }
0x8e: {  	[smem:$0x3FBE] =	sst s2  }
0x8f: {  	_ = 	snop  }
0x90: {  	s18 =	sld [smem:$0x3FD0];
	(tm) =	ssettm $0x1  }
0x91: {  	s19 =	sld [smem:$0x3FFB];
	_ =	sdelay $0x3  }
0x92: {  	_ =	strace s19  }
0x93: {  	s2 =	sld [smem:$0x3FFC];
	_ =	sdelay $0x3  }
0x94: {  	_ =	strace s2  }
0x95: {  	s2 =	sld [smem:$0x3FFD];
	_ =	sdelay $0x3  }
0x96: {  	_ =	strace s2  }
0x97: {  	_ =	strace $0x8FFFFFFF  }
0x98: {  	s20 =	sld [smem:$0x3FDB];
	_ =	sdelay $0x1  }
0x99: {  	s4 =	simm.s32 $_scs_section_size  }
0x9a: {  	s5 =	simm.s32 $_size__tile_overlayer_lowered;
	s6 =	simm.s32 $_tile_overlayer_lowered  }
0x9b: {  	s7 =	simm.s32 $0x1BFF;
	s21 =	sshll.u32 s6, $0x1;
	s4 =	sadd.s32 s4, s20  }
0x9c: {  	s22 =	simm.s32 $0x0;
	s5 =	sshll.u32 s5, $0x1;
	s6 =	sadd.s32 s21, s4  }
0x9d: {  	[timem:s22], [sflag:s7] =	dma.local [hbm:s6], s5  }
0x9e: {  	_ =	swait.ge [sflag:s7], s5  }
0x9f: {  	s5 =	ssub.s32 $0x0, s5;
	[sflag:s7] =	ssyncset.done $0x0  }
0xa0: {  	[sflag:s7] =	ssyncadd.s32 s5;
	_ =	sdelay $0x1  }
0xa1: {  	s23 =	simm.s32 $0x1B8B  }
0xa2: {  	_ =	swait.ge [sflag:s23], $0x1  }
0xa3: {  	[sflag:s23] =	ssyncset.done $0x0  }
0xa4: {  	[sflag:s23] =	ssyncadd.s32 $0xFFFFFFFF  }
0xa5: {  	s5 =	sld [smem:$0x0]  }
0xa6: {  	s6 =	sand.u32 $0xFFFFFFFE, s1  }
0xa7: {  	p0 =	sne.s32 s1, s6  }
0xa8: {  	s6 =	sshll.u32 @p0 s6, $0xE  }
0xa9: {  	s6 =	sadd.s32 @p0 $0x11B8D, s6;
	s7 =	sshll.u32 @p0 s5, $0x11  }
0xaa: {  	s6 =	sor.u32 @p0 s7, s6  }
0xab: {  	[sflag:s6] =	ssyncadd.remote.s32 @p0 $0x1;
	_ =	sdelay $0x1  }
0xac: {  	s6 =	simm.s32 @p0 $0x1B8D  }
0xad: {  	_ =	swait.eq @p0 [sflag:s6], $0x1  }
0xae: {  	[sflag:s6] =	ssyncadd.s32 @p0 $0xFFFFFFFF  }
0xaf: {  	s7 =	sshll.u32 @!p0 s1, $0xE  }
0xb0: {  	s7 =	sor.u32 @!p0 $0x4000, s7;
	s6 =	simm.s32 @!p0 $0x1B8D  }
0xb1: {  	s5 =	sshll.u32 @!p0 s5, $0x11;
	s7 =	sadd.s32 @!p0 $0x11B8D, s7;
	_ =	swait.eq @!p0 [sflag:s6], $0x1  }
0xb2: {  	s5 =	sor.u32 @!p0 s5, s7;
	[sflag:s6] =	ssyncadd.s32 @!p0 $0xFFFFFFFF  }
0xb3: {  	s25 =	simm.s32 $0x1B8E;
	s24 =	sld [smem:$0x3FFE];
	[sflag:s5] =	ssyncadd.remote.s32 @!p0 $0x1  }
0xb4: {  	s26 =	simm.s32 $execute0_lowered;
	[smem:$0x3FD2] =	sst s25  }
0xb5: {  	s6 =	sshll.u32 s26, $0x1;
	_ =	strace $0x80000055;
	[dreg:$0x1] =	wrdreg $0xFFFFFFFF  }
0xb6: {  	s28 =	simm.s32 $_size_execute0_lowered;
	s4 =	sadd.s32 s4, s6;
	[dreg:$0x0] =	wrdreg $0x0  }
0xb7: {  	s6 =	sshll.u32 s28, $0x1;
	[dreg:$0x2] =	wrdreg s4  }
0xb8: {  	[dreg:$0x3] =	wrdreg s6  }
0xb9: {  	[dreg:$0x4] =	wrdreg $0xC0  }
0xba: {  	_ =	task [dreg:s22], $0x5FFFF  }
0xbb: {  	[dreg:$0x1] =	wrdreg $0xFFFFFFFF  }
0xbc: {  	[dreg:$0x0] =	wrdreg $0x60  }
0xbd: {  	[dreg:$0x2] =	wrdreg s18  }
0xbe: {  	[dreg:$0x3] =	wrdreg s24  }
0xbf: {  	[dreg:$0x4] =	wrdreg $0xA1000  }
0xc0: {  	[dreg:$0x5] =	wrdreg $0xA  }
0xc1: {  	_ =	task.clear_ibuf [dreg:s22], $0x6FFFF;
	_ =	strace $0x90000055  }
0xc2: {  	s29 =	simm.s32 $0xA;
	_ =	strace $0x80000057  }
0xc3: {  	_ =	swait.ge [sflag:s29], $0x1  }
0xc4: {  	[sflag:s29] =	ssyncadd.s32 $0xFFFFFFFF  }
0xc5: {  	_ =	strace $0x90000057  }
0xc6: {  	_ =	sfence  }
0xc7: {  	s30 =	sld [smem:$0x0];
	_ =	sdelay $0x2  }
0xc8: {  	s31 =	sshll.u32 s1, $0xD;
	s1 =	sshrl.u32 s1, $0x2  }
0xc9: {  	s4 =	sand.u32 $0x4000, s31;
	s1 =	sadd.s32 s1, s30  }
0xca: {  	s0 =	sor.u32 s4, s0;
	s1 =	sshll.u32 s1, $0x11  }
0xcb: {  	s0 =	sor.u32 s1, s0  }
0xcc: {  	s0 =	sadd.s32 $0x8F2B, s0  }
0xcd: {  	[sflag:s0] =	ssyncadd.remote.s32 $0x1  }
0xce: {  	_ =	sfence.sel $0xFFFF  }
0xcf: {  	[dreg:$0x0] =	wrdreg $0xFFFFFFFF;
	(pc) =	sbr.abs _section_cstart, $3  }
0xd0: {  	[dreg:$0x1] =	wrdreg $0xFFFFFFFF  }
0xd1: {  	_ =	task.clear_ibuf [dreg:s22], $0x2FFFF;
	_ =	strace $0x9FFFFFFF  }
0xd2: {  	(tm) =	ssettm $0x7FFFFFFF  }
0xd3: {  	_ =	shalt  }
tec
execute0_lowered:
.L_overlay_start_1:
0x0: {  	(tag) =	ssettag $0x1  }
0x1: {  	s1 =	rddreg [dreg:$0x0]  }
0x2: {  	s10 =	rddreg [dreg:$0x1]  }
0x3: {  	s2 =	rddreg [dreg:$0x2]  }
0x4: {  	s0 =	rddreg [dreg:$0x3];
	s3 =	simm.s32 $0x0  }
0x5: {  	s9 =	srdreg.scid;
	s13 =	stileid.u32;
	s17 =	simm.s32 $0x900  }
0x6: {  	s18 =	simm.s32 $0x1100;
	s19 =	simm.s32 $0x2100;
	s20 =	simm.s32 $0x6100  }
0x7: {  	[smem:$0x7FF] =	sst s3;
	s4 =	sadd.s32 $0x5CC00, s10;
	s5 =	sadd.s32 $0x13F600, s10  }
0x8: {  	s6 =	sadd.s32 $0x66E00, s10;
	s7 =	sadd.s32 $0x3C00, s10;
	s8 =	sadd.s32 $0x6C000, s10  }
0x9: {  	s11 =	sand.u32 $0x1, s9;
	s9 =	sadd.s32 $0x117E00, s10;
	s16 =	sshll.u32 s13, $0x1  }
0xa: {  	p0 =	sne.s32 s13, $0x0;
	_ =	strace $0x80000056;
	s12 =	smul.u32 $0x27800, s11  }
0xb: {  	s14 =	ssub.s32 $0x2, s11;
	s31 =	sor.u32 s11, s16;
	s13 =	sshrl.u32 @!p0 s2, $0x3  }
0xc: {  	s16 =	simm.s32 $0x100;
	s15 =	sshrl.u32 s14, $0x1;
	s12 =	sadd.s32 s12, s10  }
0xd: {  	s14 =	ssub.s32 s14, s15;
	s10 =	smul.u32 $0x2880, s31;
	s15 =	simm.s32 $0x80  }
0xe: {  	s11 =	sadd.s32 $0x1E1600, s12;
	s12 =	smax.u32 s14, $0x1;
	s14 =	simm.s32 $0x1  }
.LBB2_1:
0xf: {  	s21 =	simm.s32 @!p0 $0x1C01  }
0x10: {  	[spmem:s13], [sflag:s21] =	dma.local @!p0 [hbm:s9], $0x27800  }
0x11: {  	s21 =	simm.s32 @!p0 $0x1  }
0x12: {  	_ =	swait.ge @!p0 [sflag:s21], $0x27800  }
0x13: {  	[sflag:s21] =	ssyncset.done @!p0 $0x0  }
0x14: {  	[sflag:s21] =	ssyncadd.s32 @!p0 $0xFFFD8800  }
0x15: {  	s21 =	simm.s32 $0x0;
	[bflag:$0x0] =	sbarrier.arrive $0xFFFF  }
.LBB2_2:
0x16: {  	s22 =	sshll.u32 s21, $0x7  }
0x17: {  	s22 =	sadd.s32 s10, s22  }
0x18: {  	s23 =	sshrl.u32 s22, $0x3  }
0x19: {  	s25 =	simm.s32 $0x0;
	s24 =	sadd.s32 s1, s23  }
0x1a: {  	[tilespmem:s25], [sflag:$0x1] =	stream.linear.gather [hbm4b:s24+s25], $0x80, $0x38;
	[tilespmem:$0x1DD00] =	vst v63  }
0x1b: {  	_ =	swait.ge [sflag:s14], $0x80  }
0x1c: {  	[sflag:s14] =	ssyncset.done $0x0  }
0x1d: {  	s23 =	sadd.s32 s4, s23;
	[sflag:s14] =	ssyncadd.s32 $0xFFFFFF80  }
0x1e: {  	[tilespmem:s15], [sflag:$0x1] =	stream.linear.gather [hbm4b:s23+s25], $0x80, $0x38;
	[tilespmem:$0x1DD00] =	vst v63  }
0x1f: {  	_ =	swait.ge [sflag:s14], $0x80  }
0x20: {  	s22 =	sshll.u32 s22, $0x1;
	[sflag:s14] =	ssyncset.done $0x0  }
0x21: {  	s22 =	sadd.s32 s5, s22;
	[sflag:s14] =	ssyncadd.s32 $0xFFFFFF80  }
0x22: {  	[tilespmem:s16], [sflag:$0x1] =	stream.linear.gather [hbm4b:s22+s25], $0x800, $0x38;
	[tilespmem:$0x1DD00] =	vst v63  }
0x23: {  	_ =	swait.ge [sflag:s14], $0x800  }
0x24: {  	[sflag:s14] =	ssyncset.done $0x0  }
0x25: {  	[sflag:s14] =	ssyncadd.s32 $0xFFFFF800  }
0x26: {  	[tilespmem:s17], [sflag:$0x1] =	stream.indirect.gather [hbm4b:s6+s15], $0x10, s15, s15, $0xb8;
	[tilespmem:$0x1DD00] =	vst v63  }
0x27: {  	_ =	swait.ge [sflag:s14], $0x800  }
0x28: {  	[sflag:s14] =	ssyncset.done $0x0  }
0x29: {  	[sflag:s14] =	ssyncadd.s32 $0xFFFFF800  }
0x2a: {  	[tilespmem:s18], [sflag:$0x1] =	stream.indirect.gather [hbm4b:s7+s15], $0x10, s15, s15, $0xb8;
	[tilespmem:$0x1DD00] =	vst v63  }
0x2b: {  	_ =	swait.ge [sflag:s14], $0x800  }
0x2c: {  	[sflag:s14] =	ssyncset.done $0x0  }
0x2d: {  	[sflag:s14] =	ssyncadd.s32 $0xFFFFF800  }
0x2e: {  	[tilespmem:s19], [sflag:$0x1] =	stream.indirect.gather [hbm4b:s8+s15], $0x80, s25, s15, $0xb8;
	[tilespmem:$0x1DD00] =	vst v63  }
0x2f: {  	_ =	swait.ge [sflag:s14], $0x4000  }
0x30: {  	[sflag:s14] =	ssyncset.done $0x0  }
0x31: {  	s22 =	simm.s32 $0x0;
	[sflag:s14] =	ssyncadd.s32 $0xFFFFC000  }
0x32: {  	v0 =	vld [tilespmem:s22+$0x900]  }
0x33: {  	s23 =	simm.s32 $0x10;
	v1 =	vld [tilespmem:s22+$0x1100]  }
0x34: {  	v2 =	vld [tilespmem:s23+$0x900]  }
0x35: {  	v3 =	vld [tilespmem:s23+$0x1100];
	_ =	sdelay $0x2  }
0x36: {  	v0 =	vadd.f32 v1, v0;
	_ =	sdelay $0x1  }
0x37: {  	v1 =	vadd.f32 v3, v2;
	v2 =	vadd.f32 $1.000000020e-16, v0;
	_ =	sdelay $0x1  }
0x38: {  	(erf) = vrcp.f32 v2  }
0x39: {  	s24 =	simm.s32 $0x20;
	v3 =	vadd.f32 $1.000000020e-16, v1  }
0x3a: {  	v0 =	vld [tilespmem:s24+$0x900]  }
0x3b: {  	v2 =	vld [tilespmem:s24+$0x1100];
	(erf) = vrcp.f32 v3;
	_ =	sdelay $0x1  }
0x3c: {  	v1 =	vld [tilespmem:s22+$0x100]  }
0x3d: {  	s26 =	simm.s32 $0xC0;
	s25 =	simm.s32 $0x0  }
.LBB2_3:
0x3e: {  	s28 =	sshra.s32 s26, $0x2;
	p1 =	sne.s32 s26, $0x1FC0  }
.Ltmp0:
0x3f: {  	s26 =	sadd.s32 $0x40, s26;
	v3 =	vadd.f32 v2, v0;
	v0 =	vld [tilespmem:s28+$0x900];
	(pc) =	sbr.rel @p1 .LBB2_3-.Ltmp0, $4  }
0x40: {  	v2 =	vld [tilespmem:s28+$0x1100];
	v4 =	vpop (erf)  }
0x41: {  	v3 =	vadd.f32 $1.000000020e-16, v3;
	v4 =	vmul.f32 v4, v1  }
0x42: {  	v1 =	vld [tilespmem:s23+$0x100]  }
0x43: {  	(erf) = vrcp.f32 v3;
	[tilespmem:s25+$0x1900] =	vst v4;
	s25 =	smov.u32 s23;
	s23 =	smov.u32 s24;
	s24 =	smov.u32 s28  }
0x44: {  	_ = 	snop  }
0x45: {  	v0 =	vadd.f32 v2, v0;
	_ =	sdelay $0x1  }
0x46: {  	v0 =	vadd.f32 $1.000000020e-16, v0;
	_ =	sdelay $0x2  }
0x47: {  	(erf) = vrcp.f32 v0  }
0x48: {  	v0 =	vpop (erf)  }
0x49: {  	v0 =	vmul.f32 v0, v1;
	_ =	sdelay $0x1  }
0x4a: {  	v1 =	vld [tilespmem:s23+$0x100];
	[tilespmem:s25+$0x1900] =	vst v0  }
0x4b: {  	v0 =	vld [tilespmem:s24+$0x100];
	_ =	sdelay $0x2  }
0x4c: {  	v2 =	vpop (erf)  }
0x4d: {  	v1 =	vmul.f32 v2, v1;
	v2 =	vpop (erf)  }
0x4e: {  	v0 =	vmul.f32 v2, v0  }
0x4f: {  	[tilespmem:s23+$0x1900] =	vst v1  }
0x50: {  	[tilespmem:s24+$0x1900] =	vst v0  }
0x51: {  	v0 =	vld [tilespmem:s22+$0x2100]  }
0x52: {  	v1 =	vld [tilespmem:s22+$0x2110]  }
0x53: {  	s23 =	simm.s32 $0x1900;
	v2 =	vld [tilespmem:s22+$0x2120]  }
0x54: {  	s24 =	simm.s32 $0x200;
	v3 =	vld [tilespmem:s23+$0x0]  }
.LBB2_5:
0x55: {  	p1 =	sne.s32 s24, $0xFE00;
	v4 =	vld [tilespmem:s22+$0x2130]  }
0x56: {  	v5 =	vld [tilespmem:s22+$0x2140]  }
0x57: {  	v6 =	vld [tilespmem:s22+$0x2150]  }
0x58: {  	v7 =	vld [tilespmem:s22+$0x2160]  }
0x59: {  	v8 =	vbroadcast v3, $0x2;
	v3 =	vbroadcast v3, $0x3;
	v9 =	vld [tilespmem:s22+$0x2170];
	_ =	sdelay $0x1  }
0x5a: {  	v0 =	vmul.f32 v8, v0;
	v1 =	vmul.f32 v1, v8  }
0x5b: {  	v2 =	vmul.f32 v2, v8;
	v4 =	vmul.f32 v4, v8  }
0x5c: {  	[tilespmem:s22+$0x6100] =	vst v0;
	v0 =	vmul.f32 v5, v3;
	v5 =	vmul.f32 v6, v3  }
0x5d: {  	v6 =	vmul.f32 v7, v3;
	[tilespmem:s22+$0x6110] =	vst v1;
	v3 =	vmul.f32 v9, v3  }
0x5e: {  	[tilespmem:s22+$0x6120] =	vst v2  }
0x5f: {  	[tilespmem:s22+$0x6130] =	vst v4  }
.Ltmp1:
0x60: {  	s25 =	sshra.s32 s24, $0x2;
	[tilespmem:s22+$0x6140] =	vst v0;
	(pc) =	sbr.rel @p1 .LBB2_5-.Ltmp1, $4  }
0x61: {  	v0 =	vld [tilespmem:s25+$0x2100];
	[tilespmem:s22+$0x6150] =	vst v5  }
0x62: {  	v1 =	vld [tilespmem:s25+$0x2110];
	[tilespmem:s22+$0x6160] =	vst v6  }
0x63: {  	s23 =	sadd.s32 $0x10, s23;
	v2 =	vld [tilespmem:s25+$0x2120];
	[tilespmem:s22+$0x6170] =	vst v3;
	s22 =	smov.u32 s25  }
0x64: {  	s24 =	sadd.s32 $0x200, s24;
	v3 =	vld [tilespmem:s23+$0x0]  }
0x65: {  	_ =	sdelay $0x3  }
0x66: {  	v4 =	vld [tilespmem:s22+$0x2130];
	v6 =	vbroadcast v3, $0x2  }
0x67: {  	v5 =	vld [tilespmem:s22+$0x2140]  }
0x68: {  	v7 =	vld [tilespmem:s22+$0x2150];
	v0 =	vmul.f32 v6, v0  }
0x69: {  	v8 =	vld [tilespmem:s22+$0x2160];
	v1 =	vmul.f32 v1, v6  }
0x6a: {  	v9 =	vld [tilespmem:s22+$0x2170];
	v58 =	vbroadcast v3, $0x3;
	v2 =	vmul.f32 v2, v6;
	[tilespmem:s22+$0x6100] =	vst v0  }
0x6b: {  	v59 =	vmul.f32 v4, v6;
	[tilespmem:s22+$0x6110] =	vst v1  }
0x6c: {  	v60 =	vmul.f32 v5, v58;
	[tilespmem:s22+$0x6120] =	vst v2  }
0x6d: {  	v61 =	vmul.f32 v7, v58;
	[tilespmem:s22+$0x6130] =	vst v59  }
0x6e: {  	v62 =	vmul.f32 v8, v58;
	[tilespmem:s22+$0x6140] =	vst v60  }
0x6f: {  	s21 =	sadd.s32 $0x1, s21;
	v63 =	vmul.f32 v9, v58;
	[tilespmem:s22+$0x6150] =	vst v61  }
0x70: {  	p1 =	sne.s32 s21, $0x51;
	[tilespmem:s22+$0x6160] =	vst v62  }
.Ltmp2:
0x71: {  	[tilespmem:s22+$0x6170] =	vst v63;
	(pc) =	sbr.rel @p1 .LBB2_2-.Ltmp2, $4  }
0x72: {  	[spmem:s2] =	stream.indirect.scatter.add.f32 [tilespmem:s20], [sflag:$0x1], $0x80, s15, s15, $0xb8;
	[tilespmem:$0x1DD00] =	vst v63  }
0x73: {  	_ =	swait.ge [sflag:s14], $0x4000  }
0x74: {  	[sflag:s14] =	ssyncset.done $0x0  }
0x75: {  	[sflag:s14] =	ssyncadd.s32 $0xFFFFC000  }
0x76: {  	[bflag:$0x0] =	sbarrier.arrive $0xFFFF;
	s21 =	simm.s32 @!p0 $0x1C01;
	s3 =	sadd.s32 $0x1, s3  }
0x77: {  	[hbm:s11], [sflag:s21] =	dma.local @!p0 [spmem:s13], $0x27800  }
0x78: {  	p1 =	sne.s32 s3, s12  }
.Ltmp3:
0x79: {  	_ = 	snop;
	(pc) =	sbr.rel @p1 .LBB2_1-.Ltmp3, $4  }
0x7a: {  	s21 =	simm.s32 @!p0 $0x1  }
0x7b: {  	_ =	swait.ge @!p0 [sflag:s21], $0x27800  }
0x7c: {  	[sflag:s21] =	ssyncset.done @!p0 $0x0  }
0x7d: {  	[sflag:s21] =	ssyncadd.s32 @!p0 $0xFFFD8800  }
0x7e: {  	_ =	sfence.sel $0x180000  }
0x7f: {  	[bflag:$0x0] =	sbarrier.arrive $0xFFFF  }
0x80: {  	_ =	strace $0x90000056  }
0x81: {  	s0 =	sadd.s32 @!p0 $0x100000, s0;
	[bflag:$0x2] =	sbarrier.arrive $0xFFFF  }
0x82: {  	[sflag:s0] =	ssyncadd.tile.s32 @!p0 $0x1;
	_ =	shalt  }
.Lfunc_end2:
_tile_overlayer_lowered:
.L_overlay_start_2:
0x83: {  	(tag) =	ssettag $0x2  }
0x84: {  	s0 =	rddreg [dreg:$0x0];
	s2 =	stileid.u32  }
0x85: {  	s1 =	rddreg [dreg:$0x1];
	p0 =	sne.s32 s2, $0x0  }
0x86: {  	s3 =	rddreg [dreg:$0x2];
	[bflag:$0x3] =	sbarrier.arrive $0xFFFF;
	s2 =	simm.s32 @!p0 $0x1C01  }
0x87: {  	[timem:s3], [sflag:s2] =	dma.local @!p0 [hbm:s0], s1  }
0x88: {  	s0 =	simm.s32 @!p0 $0x1  }
0x89: {  	_ =	swait.ge @!p0 [sflag:s0], s1  }
0x8a: {  	s1 =	ssub.s32 @!p0 $0x0, s1;
	[sflag:s0] =	ssyncset.done @!p0 $0x0  }
0x8b: {  	[sflag:s0] =	ssyncadd.s32 @!p0 s1  }
0x8c: {  	[bflag:$0x3] =	sbarrier.arrive $0xFFFF  }
0x8d: {  	_ =	shalt  }

</sc_bundles>
